<compile_context>
chip_gen: v7x
topology: tpu7x:2x2x1
jax: 0.10.2.dev20260603
libtpu: 0.0.44.dev20260713+nightly
codegen_flags: <defaults>
</compile_context>

<pallas_src>
import functools

import jax
import jax.numpy as jnp
from jax import lax
from jax.experimental import pallas as pl
from jax.experimental.pallas import tpu as pltpu
from jax.experimental.pallas import tpu_sc as plsc

E = 8
T = 2048
H = 1024
I = 1024
B = 256
PAD_T = 4096 + 8 * B
NB = PAD_T // B

NC, NS = 2, 16
NW = NC * NS
TPW = T // NW
_SC_MESH = plsc.VectorSubcoreMesh(core_axis_name="c", subcore_axis_name="s")


def _routing_body(l_ref, pos0_ref, pos1_ref, w0s_ref, w1s_ref,
                  eid_ref, nblk_ref):
    l = l_ref[...]
    ei = lax.broadcasted_iota(jnp.int32, (T, E), 1)
    m1 = jnp.max(l, axis=1, keepdims=True)
    a1 = jnp.min(jnp.where(l == m1, ei, E), axis=1, keepdims=True)
    l2 = jnp.where(ei == a1, -jnp.inf, l)
    m2 = jnp.max(l2, axis=1, keepdims=True)
    a2 = jnp.min(jnp.where(l2 == m2, ei, E), axis=1, keepdims=True)
    w0 = jax.nn.sigmoid(m1 - m2)

    oh1 = ei == a1
    oh2 = ei == a2
    C = oh1.astype(jnp.int32) + oh2.astype(jnp.int32)
    inc = C
    s = 1
    while s < T:
        inc = inc + jnp.concatenate(
            [jnp.zeros((s, E), jnp.int32), inc[:-s]], axis=0)
        s *= 2
    P = inc - C
    counts = lax.slice(inc, (T - 1, 0), (T, E))
    padded = ((counts + (B - 1)) // B) * B
    pinc = padded
    s = 1
    while s < E:
        pinc = pinc + jnp.concatenate(
            [jnp.zeros((1, s), jnp.int32), pinc[:, :-s]], axis=1)
        s *= 2
    poff = pinc - padded

    pos0 = jnp.sum(jnp.where(oh1, poff + P, 0), axis=1, keepdims=True)
    pos1 = jnp.sum(jnp.where(oh2, poff + P, 0), axis=1, keepdims=True)
    pos0_ref[...] = pos0.reshape(1, T)
    pos1_ref[...] = pos1.reshape(1, T)
    w0s_ref[...] = jnp.broadcast_to(w0, (T, 16))
    w1s_ref[...] = jnp.broadcast_to(1.0 - w0, (T, 16))

    gb = lax.broadcasted_iota(jnp.int32, (1, NB), 1) * B
    acc = jnp.zeros((1, NB), jnp.int32)
    for e in range(E):
        pe = lax.slice(poff, (0, e), (1, e + 1))
        acc = acc + (pe <= gb).astype(jnp.int32)
    eid_ref[...] = acc - 1
    nblk_ref[...] = jnp.sum(padded, keepdims=True)[:, :1] // B


def _routing(router_logits):
    return pl.pallas_call(
        _routing_body,
        out_shape=[
            jax.ShapeDtypeStruct((1, T), jnp.int32),
            jax.ShapeDtypeStruct((1, T), jnp.int32),
            jax.ShapeDtypeStruct((T, 16), jnp.float32),
            jax.ShapeDtypeStruct((T, 16), jnp.float32),
            jax.ShapeDtypeStruct((1, NB), jnp.int32),
            jax.ShapeDtypeStruct((1, 1), jnp.int32),
        ],
    )(router_logits)


def _ffn_body(eid_ref, nblk_ref, x_ref, w13_ref, w2_ref, y_ref):
    g = pl.program_id(0)

    @pl.when(g < nblk_ref[0])
    def _():
        x = x_ref[...]
        gu = lax.dot_general(x, w13_ref[0], (((1,), (1,)), ((), ())),
                             preferred_element_type=jnp.float32)
        gate = gu[:, :I]
        up = gu[:, I:]
        h = gate * jax.nn.sigmoid(gate) * up
        y_ref[...] = lax.dot_general(h, w2_ref[0], (((1,), (1,)), ((), ())),
                                     preferred_element_type=jnp.float32)


def _ffn(eid, nblk, x_sorted, w13, w2):
    spec = pltpu.PrefetchScalarGridSpec(
        num_scalar_prefetch=2,
        grid=(NB,),
        in_specs=[
            pl.BlockSpec((B, H), lambda g, eid, nb: (g, 0)),
            pl.BlockSpec((1, 2 * I, H), lambda g, eid, nb: (eid[g], 0, 0)),
            pl.BlockSpec((1, H, I), lambda g, eid, nb: (eid[g], 0, 0)),
        ],
        out_specs=pl.BlockSpec((B, H), lambda g, eid, nb: (g, 0)),
    )
    return pl.pallas_call(
        _ffn_body,
        grid_spec=spec,
        out_shape=jax.ShapeDtypeStruct((PAD_T, H), jnp.float32),
    )(eid, nblk, x_sorted, w13, w2)


@functools.partial(
    pl.kernel,
    mesh=_SC_MESH,
    compiler_params=pltpu.CompilerParams(needs_layout_passes=False),
    out_type=jax.ShapeDtypeStruct((PAD_T, H), jnp.float32),
    scratch_types=[
        pltpu.VMEM((TPW,), jnp.int32),
        pltpu.VMEM((TPW,), jnp.int32),
        pltpu.VMEM((TPW, H), jnp.float32),
        pltpu.SemaphoreType.DMA,
        pltpu.SemaphoreType.DMA,
        pltpu.SemaphoreType.DMA,
    ],
)
def _sc_dispatch(pos0_hbm, pos1_hbm, hidden_hbm, xs_hbm,
                 p0_v, p1_v, rows_v, s0, s1, s2):
    wid = lax.axis_index("s") * NC + lax.axis_index("c")
    tb = wid * TPW
    d0 = pltpu.async_copy(pos0_hbm.at[pl.ds(tb, TPW)], p0_v, s0)
    d1 = pltpu.async_copy(pos1_hbm.at[pl.ds(tb, TPW)], p1_v, s1)
    pltpu.sync_copy(hidden_hbm.at[pl.ds(tb, TPW)], rows_v)
    d0.wait()
    d1.wait()
    e0 = pltpu.async_copy(rows_v, xs_hbm.at[p0_v], s0)
    e1 = pltpu.async_copy(rows_v, xs_hbm.at[p1_v], s1)
    e0.wait()
    e1.wait()


_CTOK = TPW // 2


@functools.partial(
    pl.kernel,
    mesh=_SC_MESH,
    compiler_params=pltpu.CompilerParams(needs_layout_passes=False),
    out_type=jax.ShapeDtypeStruct((T, H), jnp.float32),
    scratch_types=[
        pltpu.VMEM((TPW,), jnp.int32),
        pltpu.VMEM((TPW,), jnp.int32),
        pltpu.VMEM((TPW, 16), jnp.float32),
        pltpu.VMEM((TPW, 16), jnp.float32),
        pltpu.VMEM((_CTOK, H), jnp.float32),
        pltpu.VMEM((_CTOK, H), jnp.float32),
        pltpu.SemaphoreType.DMA,
        pltpu.SemaphoreType.DMA,
    ],
)
def _sc_combine(pos0_hbm, pos1_hbm, w0s_hbm, w1s_hbm, y_hbm, out_hbm,
                p0_v, p1_v, w0_v, w1_v, buf_v, acc_v, s0, s1):
    wid = lax.axis_index("s") * NC + lax.axis_index("c")
    base = wid * TPW
    d0 = pltpu.async_copy(pos0_hbm.at[pl.ds(base, TPW)], p0_v, s0)
    d1 = pltpu.async_copy(pos1_hbm.at[pl.ds(base, TPW)], p1_v, s1)
    pltpu.sync_copy(w0s_hbm.at[pl.ds(base, TPW)], w0_v)
    pltpu.sync_copy(w1s_hbm.at[pl.ds(base, TPW)], w1_v)
    d0.wait()
    d1.wait()

    for c in range(TPW // _CTOK):
        pltpu.async_copy(y_hbm.at[p0_v.at[pl.ds(c * _CTOK, _CTOK)]],
                         buf_v, s0).wait()
        pltpu.async_copy(y_hbm.at[p1_v.at[pl.ds(c * _CTOK, _CTOK)]],
                         acc_v, s1).wait()

        def addrow(r, cc):
            rr = c * _CTOK + r
            wa = w0_v[rr, :]
            wb = w1_v[rr, :]
            for j in range(H // 16):
                sl = pl.ds(j * 16, 16)
                acc_v[r, sl] = buf_v[r, sl] * wa + acc_v[r, sl] * wb
            return cc

        lax.fori_loop(0, _CTOK, addrow, 0)
        pltpu.sync_copy(acc_v, out_hbm.at[pl.ds(base + c * _CTOK, _CTOK)])


def kernel(hidden_states, router_logits, w13_weight, w2_weight):
    _ABL = 4
    pos0, pos1, w0s, w1s, eid, nblk = _routing(router_logits)
    pos0 = pos0.reshape(T)
    pos1 = pos1.reshape(T)
    if _ABL == 1:
        return hidden_states * w0s[:, :1]

    x_sorted = _sc_dispatch(pos0, pos1, hidden_states)
    if _ABL == 2:
        return x_sorted[:T]

    y = _ffn(eid.reshape(NB), nblk.reshape(1), x_sorted,
             w13_weight, w2_weight)
    if _ABL == 3:
        return y[:T]

    return _sc_combine(pos0, pos1, w0s, w1s, y)

# --- scband reference (transcript-rebuilt; emitter-appended) ---
"""Pipeline reference for scband-mock-fused-mo-e-21199958573479 (READ-ONLY COPY).

The authoritative reference and input builder live on the scoring server;
editing this copy changes nothing except your own understanding.
"""

import jax, jax.numpy as jnp
import numpy as np

NUM_EXPERTS = 8
TOP_K = 2
HIDDEN = 1024
INTERMEDIATE = 1024
T = 2048


def setup_inputs(seed: int = 0):
    key = jax.random.key(seed)
    k1, k2, k3, k4 = jax.random.split(key, 4)
    hidden_states = jax.random.normal(k1, (T, HIDDEN), dtype=jnp.float32)
    router_logits = jax.random.normal(k2, (T, NUM_EXPERTS), dtype=jnp.float32)
    w13_weight = jax.random.normal(k3, (NUM_EXPERTS, 2 * INTERMEDIATE, HIDDEN), dtype=jnp.float32) * 0.01
    w2_weight = jax.random.normal(k4, (NUM_EXPERTS, HIDDEN, INTERMEDIATE), dtype=jnp.float32) * 0.01
    return {
        "hidden_states": hidden_states,
        "router_logits": router_logits,
        "w13_weight": w13_weight,
        "w2_weight": w2_weight,
    }


def reference(hidden_states, router_logits, w13_weight, w2_weight):
    # Router: softmax over expert logits, top-k on probs, renormalize selected weights
    Tn = hidden_states.shape[0]
    probs = jax.nn.softmax(router_logits, axis=-1)
    topk_w, topk_ids = jax.lax.top_k(probs, TOP_K)
    topk_w = topk_w / jnp.sum(topk_w, axis=-1, keepdims=True)
    # Build dense combine matrix [T, E] via scatter-add (SparseCore-style dispatch/combine)
    combine = jnp.zeros((Tn, NUM_EXPERTS), dtype=hidden_states.dtype)
    combine = combine.at[jnp.arange(Tn)[:, None], topk_ids].add(topk_w)
    # Expert MLPs: gate/up split of w13, SiLU gating, down-proj with w2.
    # out[t] = sum_k w[t,k] * (w2[e] @ (silu(w13[e][:I] @ x[t]) * (w13[e][I:] @ x[t])))
    # Dense-per-expert compute combined with the (mostly zero) combine matrix is
    # mathematically identical to the torch per-token loop.
    w_gate = w13_weight[:, :INTERMEDIATE, :]
    w_up = w13_weight[:, INTERMEDIATE:, :]
    gate = jnp.einsum('td,eid->tei', hidden_states, w_gate)
    up = jnp.einsum('td,eid->tei', hidden_states, w_up)
    h = jax.nn.silu(gate) * up
    y = jnp.einsum('tei,edi->ted', h, w2_weight)
    out = jnp.einsum('te,ted->td', combine, y)
    return out

if __name__ == "__main__":
    import jax
    _d = setup_inputs()
    print(jax.jit(kernel)(*tuple(_d.values())))

</pallas_src>

<mosaic_0001>
#map = affine_map<(d0, d1) -> (0)>
#map1 = affine_map<(d0, d1) -> (0, 0)>
module attributes {stable_mosaic.version = 14 : i64} {
  func.func @_sc_combine(%arg0: i32, %arg1: i32, %arg2: memref<2048xi32, #tpu.memory_space<hbm>>, %arg3: memref<2048xi32, #tpu.memory_space<hbm>>, %arg4: memref<2048x16xf32, #tpu.memory_space<hbm>>, %arg5: memref<2048x16xf32, #tpu.memory_space<hbm>>, %arg6: memref<6144x1024xf32, #tpu.memory_space<hbm>>, %arg7: memref<2048x1024xf32, #tpu.memory_space<hbm>>, %arg8: memref<64xi32, #tpu.memory_space<vmem>>, %arg9: memref<64xi32, #tpu.memory_space<vmem>>, %arg10: memref<64x16xf32, #tpu.memory_space<vmem>>, %arg11: memref<64x16xf32, #tpu.memory_space<vmem>>, %arg12: memref<32x1024xf32, #tpu.memory_space<vmem>>, %arg13: memref<32x1024xf32, #tpu.memory_space<vmem>>, %arg14: memref<!tpu.dma_semaphore, #tpu.memory_space<semaphore_mem>>, %arg15: memref<!tpu.dma_semaphore, #tpu.memory_space<semaphore_mem>>) attributes {dimension_semantics = [#tpu.dimension_semantics<core_parallel>, #tpu.dimension_semantics<subcore_parallel>], iteration_bounds = array<i64: 2, 16>, scalar_prefetch = 0 : i64, scratch_operands = 8 : i64, tpu.core_type = #tpu.core_type<sc_vector_subcore>, window_params = [{transform_indices = #map}, {transform_indices = #map}, {transform_indices = #map1}, {transform_indices = #map1}, {transform_indices = #map1}, {transform_indices = #map1}]} {
    %mul3A = arith.constant 2 : i32
    %mul3A_0 = arith.muli %arg1, %mul3A : i32
    %add3A = arith.addi %mul3A_0, %arg0 : i32
    %mul3A_1 = arith.constant 64 : i32
    %mul3A_2 = arith.muli %add3A, %mul3A_1 : i32
    %dma_start3A = tpu.memref_slice %arg2[%mul3A_2] : memref<2048xi32, #tpu.memory_space<hbm>> -> memref<64xi32, #tpu.memory_space<hbm>>
    %dma_start3A_3 = tpu.memref_slice %arg2[%mul3A_2] : memref<2048xi32, #tpu.memory_space<hbm>> -> memref<64xi32, #tpu.memory_space<hbm>>
    tpu.enqueue_dma source(%dma_start3A_3 : memref<64xi32, #tpu.memory_space<hbm>>) target(%arg8 : memref<64xi32, #tpu.memory_space<vmem>>) target_semaphore(%arg14 : memref<!tpu.dma_semaphore, #tpu.memory_space<semaphore_mem>>)
    %dma_start3A_4 = tpu.memref_slice %arg3[%mul3A_2] : memref<2048xi32, #tpu.memory_space<hbm>> -> memref<64xi32, #tpu.memory_space<hbm>>
    %dma_start3A_5 = tpu.memref_slice %arg3[%mul3A_2] : memref<2048xi32, #tpu.memory_space<hbm>> -> memref<64xi32, #tpu.memory_space<hbm>>
    tpu.enqueue_dma source(%dma_start3A_5 : memref<64xi32, #tpu.memory_space<hbm>>) target(%arg9 : memref<64xi32, #tpu.memory_space<vmem>>) target_semaphore(%arg15 : memref<!tpu.dma_semaphore, #tpu.memory_space<semaphore_mem>>)
    "tpu.region"() ({
      %run_scoped3A = tpu.sem_alloc : memref<!tpu.dma_semaphore, #tpu.memory_space<semaphore_mem>>
      %dma_start3A_64 = arith.constant 0 : i32
      %dma_start3A_65 = tpu.memref_slice %arg4[%mul3A_2, %dma_start3A_64] : memref<2048x16xf32, #tpu.memory_space<hbm>> -> memref<64x16xf32, #tpu.memory_space<hbm>>
      %dma_start3A_66 = arith.constant 0 : i32
      %dma_start3A_67 = tpu.memref_slice %arg4[%mul3A_2, %dma_start3A_66] : memref<2048x16xf32, #tpu.memory_space<hbm>> -> memref<64x16xf32, #tpu.memory_space<hbm>>
      tpu.enqueue_dma source(%dma_start3A_67 : memref<64x16xf32, #tpu.memory_space<hbm>>) target(%arg10 : memref<64x16xf32, #tpu.memory_space<vmem>>) target_semaphore(%run_scoped3A : memref<!tpu.dma_semaphore, #tpu.memory_space<semaphore_mem>>)
      %dma_wait3A_68 = arith.constant 0 : i32
      %dma_wait3A_69 = tpu.memref_slice %arg4[%mul3A_2, %dma_wait3A_68] : memref<2048x16xf32, #tpu.memory_space<hbm>> -> memref<64x16xf32, #tpu.memory_space<hbm>>
      %dma_wait3A_70 = arith.constant 0 : i32
      %dma_wait3A_71 = tpu.memref_slice %arg4[%mul3A_2, %dma_wait3A_70] : memref<2048x16xf32, #tpu.memory_space<hbm>> -> memref<64x16xf32, #tpu.memory_space<hbm>>
      tpu.wait_dma2 semaphore(%run_scoped3A : memref<!tpu.dma_semaphore, #tpu.memory_space<semaphore_mem>>) src(%dma_wait3A_71 : memref<64x16xf32, #tpu.memory_space<hbm>>) dst(%arg10 : memref<64x16xf32, #tpu.memory_space<vmem>>)
      tpu.yield
    }) : () -> ()
    "tpu.region"() ({
      %run_scoped3A = tpu.sem_alloc : memref<!tpu.dma_semaphore, #tpu.memory_space<semaphore_mem>>
      %dma_start3A_64 = arith.constant 0 : i32
      %dma_start3A_65 = tpu.memref_slice %arg5[%mul3A_2, %dma_start3A_64] : memref<2048x16xf32, #tpu.memory_space<hbm>> -> memref<64x16xf32, #tpu.memory_space<hbm>>
      %dma_start3A_66 = arith.constant 0 : i32
      %dma_start3A_67 = tpu.memref_slice %arg5[%mul3A_2, %dma_start3A_66] : memref<2048x16xf32, #tpu.memory_space<hbm>> -> memref<64x16xf32, #tpu.memory_space<hbm>>
      tpu.enqueue_dma source(%dma_start3A_67 : memref<64x16xf32, #tpu.memory_space<hbm>>) target(%arg11 : memref<64x16xf32, #tpu.memory_space<vmem>>) target_semaphore(%run_scoped3A : memref<!tpu.dma_semaphore, #tpu.memory_space<semaphore_mem>>)
      %dma_wait3A_68 = arith.constant 0 : i32
      %dma_wait3A_69 = tpu.memref_slice %arg5[%mul3A_2, %dma_wait3A_68] : memref<2048x16xf32, #tpu.memory_space<hbm>> -> memref<64x16xf32, #tpu.memory_space<hbm>>
      %dma_wait3A_70 = arith.constant 0 : i32
      %dma_wait3A_71 = tpu.memref_slice %arg5[%mul3A_2, %dma_wait3A_70] : memref<2048x16xf32, #tpu.memory_space<hbm>> -> memref<64x16xf32, #tpu.memory_space<hbm>>
      tpu.wait_dma2 semaphore(%run_scoped3A : memref<!tpu.dma_semaphore, #tpu.memory_space<semaphore_mem>>) src(%dma_wait3A_71 : memref<64x16xf32, #tpu.memory_space<hbm>>) dst(%arg11 : memref<64x16xf32, #tpu.memory_space<vmem>>)
      tpu.yield
    }) : () -> ()
    %dma_wait3A = tpu.memref_slice %arg2[%mul3A_2] : memref<2048xi32, #tpu.memory_space<hbm>> -> memref<64xi32, #tpu.memory_space<hbm>>
    %dma_wait3A_6 = tpu.memref_slice %arg2[%mul3A_2] : memref<2048xi32, #tpu.memory_space<hbm>> -> memref<64xi32, #tpu.memory_space<hbm>>
    tpu.wait_dma2 semaphore(%arg14 : memref<!tpu.dma_semaphore, #tpu.memory_space<semaphore_mem>>) src(%dma_wait3A_6 : memref<64xi32, #tpu.memory_space<hbm>>) dst(%arg8 : memref<64xi32, #tpu.memory_space<vmem>>)
    %dma_wait3A_7 = tpu.memref_slice %arg3[%mul3A_2] : memref<2048xi32, #tpu.memory_space<hbm>> -> memref<64xi32, #tpu.memory_space<hbm>>
    %dma_wait3A_8 = tpu.memref_slice %arg3[%mul3A_2] : memref<2048xi32, #tpu.memory_space<hbm>> -> memref<64xi32, #tpu.memory_space<hbm>>
    tpu.wait_dma2 semaphore(%arg15 : memref<!tpu.dma_semaphore, #tpu.memory_space<semaphore_mem>>) src(%dma_wait3A_8 : memref<64xi32, #tpu.memory_space<hbm>>) dst(%arg9 : memref<64xi32, #tpu.memory_space<vmem>>)
    %dma_start3A_9 = arith.constant 0 : i32
    %dma_start3A_10 = tpu.memref_slice %arg8[%dma_start3A_9] : memref<64xi32, #tpu.memory_space<vmem>> -> memref<32xi32, #tpu.memory_space<vmem>>
    %dma_start3A_11 = arith.constant 0 : i32
    %dma_start3A_12 = arith.constant 0 : i32
    %dma_start3A_13 = tpu.memref_slice %arg6[%dma_start3A_11, %dma_start3A_12] : memref<6144x1024xf32, #tpu.memory_space<hbm>> -> memref<6144x1024xf32, #tpu.memory_space<hbm>>
    tpu.enqueue_indirect_dma source(%dma_start3A_13 : memref<6144x1024xf32, #tpu.memory_space<hbm>>) target(%arg12 : memref<32x1024xf32, #tpu.memory_space<vmem>>) offsets(%dma_start3A_10 : memref<32xi32, #tpu.memory_space<vmem>>) semaphore(%arg14 : memref<!tpu.dma_semaphore, #tpu.memory_space<semaphore_mem>>)
    %dma_wait3A_14 = arith.constant 0 : i32
    %dma_wait3A_15 = tpu.memref_slice %arg8[%dma_wait3A_14] : memref<64xi32, #tpu.memory_space<vmem>> -> memref<32xi32, #tpu.memory_space<vmem>>
    %dma_wait3A_16 = arith.constant 0 : i32
    %dma_wait3A_17 = arith.constant 0 : i32
    %dma_wait3A_18 = tpu.memref_slice %arg6[%dma_wait3A_16, %dma_wait3A_17] : memref<6144x1024xf32, #tpu.memory_space<hbm>> -> memref<6144x1024xf32, #tpu.memory_space<hbm>>
    tpu.wait_indirect_dma semaphore(%arg14 : memref<!tpu.dma_semaphore, #tpu.memory_space<semaphore_mem>>) src(%dma_wait3A_18 : memref<6144x1024xf32, #tpu.memory_space<hbm>>) dst(%arg12 : memref<32x1024xf32, #tpu.memory_space<vmem>>)
    %dma_start3A_19 = arith.constant 0 : i32
    %dma_start3A_20 = tpu.memref_slice %arg9[%dma_start3A_19] : memref<64xi32, #tpu.memory_space<vmem>> -> memref<32xi32, #tpu.memory_space<vmem>>
    %dma_start3A_21 = arith.constant 0 : i32
    %dma_start3A_22 = arith.constant 0 : i32
    %dma_start3A_23 = tpu.memref_slice %arg6[%dma_start3A_21, %dma_start3A_22] : memref<6144x1024xf32, #tpu.memory_space<hbm>> -> memref<6144x1024xf32, #tpu.memory_space<hbm>>
    tpu.enqueue_indirect_dma source(%dma_start3A_23 : memref<6144x1024xf32, #tpu.memory_space<hbm>>) target(%arg13 : memref<32x1024xf32, #tpu.memory_space<vmem>>) offsets(%dma_start3A_20 : memref<32xi32, #tpu.memory_space<vmem>>) semaphore(%arg15 : memref<!tpu.dma_semaphore, #tpu.memory_space<semaphore_mem>>)
    %dma_wait3A_24 = arith.constant 0 : i32
    %dma_wait3A_25 = tpu.memref_slice %arg9[%dma_wait3A_24] : memref<64xi32, #tpu.memory_space<vmem>> -> memref<32xi32, #tpu.memory_space<vmem>>
    %dma_wait3A_26 = arith.constant 0 : i32
    %dma_wait3A_27 = arith.constant 0 : i32
    %dma_wait3A_28 = tpu.memref_slice %arg6[%dma_wait3A_26, %dma_wait3A_27] : memref<6144x1024xf32, #tpu.memory_space<hbm>> -> memref<6144x1024xf32, #tpu.memory_space<hbm>>
    tpu.wait_indirect_dma semaphore(%arg15 : memref<!tpu.dma_semaphore, #tpu.memory_space<semaphore_mem>>) src(%dma_wait3A_28 : memref<6144x1024xf32, #tpu.memory_space<hbm>>) dst(%arg13 : memref<32x1024xf32, #tpu.memory_space<vmem>>)
    %scan3A = arith.constant 0 : i32
    %scan3A_29 = arith.constant 0 : i32
    %scan3A_30 = arith.constant 32 : i32
    %scan3A_31 = arith.addi %scan3A_29, %scan3A_30 : i32
    %scan3A_32 = arith.constant 1 : i32
    scf.for %scan3A_64 = %scan3A_29 to %scan3A_31 step %scan3A_32  : i32 {
      %add3A_65 = arith.constant 0 : i32
      %add3A_66 = arith.addi %add3A_65, %scan3A_64 : i32
      %get3A = arith.index_cast %add3A_66 : i32 to index
      %get3A_67 = arith.constant 0 : index
      %get3A_68 = tpu.vector_load %arg10[%get3A, %get3A_67] {strides = array<i32>} : memref<64x16xf32, #tpu.memory_space<vmem>>, vector<16xf32>,
      %get3A_69 = arith.index_cast %add3A_66 : i32 to index
      %get3A_70 = arith.constant 0 : index
      %get3A_71 = tpu.vector_load %arg11[%get3A_69, %get3A_70] {strides = array<i32>} : memref<64x16xf32, #tpu.memory_space<vmem>>, vector<16xf32>,
      %get3A_72 = arith.index_cast %scan3A_64 : i32 to index
      %get3A_73 = arith.constant 0 : index
      %get3A_74 = tpu.vector_load %arg12[%get3A_72, %get3A_73] {strides = array<i32>} : memref<32x1024xf32, #tpu.memory_space<vmem>>, vector<16xf32>,
      %mul3A_75 = arith.mulf %get3A_74, %get3A_68 : vector<16xf32>
      %get3A_76 = arith.index_cast %scan3A_64 : i32 to index
      %get3A_77 = arith.constant 0 : index
      %get3A_78 = tpu.vector_load %arg13[%get3A_76, %get3A_77] {strides = array<i32>} : memref<32x1024xf32, #tpu.memory_space<vmem>>, vector<16xf32>,
      %mul3A_79 = arith.mulf %get3A_78, %get3A_71 : vector<16xf32>
      %add3A_80 = arith.addf %mul3A_75, %mul3A_79 : vector<16xf32>
      %swap3A = arith.index_cast %scan3A_64 : i32 to index
      %swap3A_81 = arith.constant 0 : index
      %swap3A_82 = tpu.vector_load %arg13[%swap3A, %swap3A_81] {strides = array<i32>} : memref<32x1024xf32, #tpu.memory_space<vmem>>, vector<16xf32>,
      tpu.vector_store %arg13[%swap3A, %swap3A_81], %add3A_80 {strides = array<i32>} : memref<32x1024xf32, #tpu.memory_space<vmem>>, vector<16xf32>,
      %get3A_83 = arith.index_cast %scan3A_64 : i32 to index
      %get3A_84 = arith.constant 16 : index
      %get3A_85 = tpu.vector_load %arg12[%get3A_83, %get3A_84] {strides = array<i32>} : memref<32x1024xf32, #tpu.memory_space<vmem>>, vector<16xf32>,
      %mul3A_86 = arith.mulf %get3A_85, %get3A_68 : vector<16xf32>
      %get3A_87 = arith.index_cast %scan3A_64 : i32 to index
      %get3A_88 = arith.constant 16 : index
      %get3A_89 = tpu.vector_load %arg13[%get3A_87, %get3A_88] {strides = array<i32>} : memref<32x1024xf32, #tpu.memory_space<vmem>>, vector<16xf32>,
      %mul3A_90 = arith.mulf %get3A_89, %get3A_71 : vector<16xf32>
      %add3A_91 = arith.addf %mul3A_86, %mul3A_90 : vector<16xf32>
      %swap3A_92 = arith.index_cast %scan3A_64 : i32 to index
      %swap3A_93 = arith.constant 16 : index
      %swap3A_94 = tpu.vector_load %arg13[%swap3A_92, %swap3A_93] {strides = array<i32>} : memref<32x1024xf32, #tpu.memory_space<vmem>>, vector<16xf32>,
      tpu.vector_store %arg13[%swap3A_92, %swap3A_93], %add3A_91 {strides = array<i32>} : memref<32x1024xf32, #tpu.memory_space<vmem>>, vector<16xf32>,
      %get3A_95 = arith.index_cast %scan3A_64 : i32 to index
      %get3A_96 = arith.constant 32 : index
      %get3A_97 = tpu.vector_load %arg12[%get3A_95, %get3A_96] {strides = array<i32>} : memref<32x1024xf32, #tpu.memory_space<vmem>>, vector<16xf32>,
      %mul3A_98 = arith.mulf %get3A_97, %get3A_68 : vector<16xf32>
      %get3A_99 = arith.index_cast %scan3A_64 : i32 to index
      %get3A_100 = arith.constant 32 : index
      %get3A_101 = tpu.vector_load %arg13[%get3A_99, %get3A_100] {strides = array<i32>} : memref<32x1024xf32, #tpu.memory_space<vmem>>, vector<16xf32>,
      %mul3A_102 = arith.mulf %get3A_101, %get3A_71 : vector<16xf32>
      %add3A_103 = arith.addf %mul3A_98, %mul3A_102 : vector<16xf32>
      %swap3A_104 = arith.index_cast %scan3A_64 : i32 to index
      %swap3A_105 = arith.constant 32 : index
      %swap3A_106 = tpu.vector_load %arg13[%swap3A_104, %swap3A_105] {strides = array<i32>} : memref<32x1024xf32, #tpu.memory_space<vmem>>, vector<16xf32>,
      tpu.vector_store %arg13[%swap3A_104, %swap3A_105], %add3A_103 {strides = array<i32>} : memref<32x1024xf32, #tpu.memory_space<vmem>>, vector<16xf32>,
      %get3A_107 = arith.index_cast %scan3A_64 : i32 to index
      %get3A_108 = arith.constant 48 : index
      %get3A_109 = tpu.vector_load %arg12[%get3A_107, %get3A_108] {strides = array<i32>} : memref<32x1024xf32, #tpu.memory_space<vmem>>, vector<16xf32>,
      %mul3A_110 = arith.mulf %get3A_109, %get3A_68 : vector<16xf32>
      %get3A_111 = arith.index_cast %scan3A_64 : i32 to index
      %get3A_112 = arith.constant 48 : index
      %get3A_113 = tpu.vector_load %arg13[%get3A_111, %get3A_112] {strides = array<i32>} : memref<32x1024xf32, #tpu.memory_space<vmem>>, vector<16xf32>,
      %mul3A_114 = arith.mulf %get3A_113, %get3A_71 : vector<16xf32>
      %add3A_115 = arith.addf %mul3A_110, %mul3A_114 : vector<16xf32>
      %swap3A_116 = arith.index_cast %scan3A_64 : i32 to index
      %swap3A_117 = arith.constant 48 : index
      %swap3A_118 = tpu.vector_load %arg13[%swap3A_116, %swap3A_117] {strides = array<i32>} : memref<32x1024xf32, #tpu.memory_space<vmem>>, vector<16xf32>,
      tpu.vector_store %arg13[%swap3A_116, %swap3A_117], %add3A_115 {strides = array<i32>} : memref<32x1024xf32, #tpu.memory_space<vmem>>, vector<16xf32>,
      %get3A_119 = arith.index_cast %scan3A_64 : i32 to index
      %get3A_120 = arith.constant 64 : index
      %get3A_121 = tpu.vector_load %arg12[%get3A_119, %get3A_120] {strides = array<i32>} : memref<32x1024xf32, #tpu.memory_space<vmem>>, vector<16xf32>,
      %mul3A_122 = arith.mulf %get3A_121, %get3A_68 : vector<16xf32>
      %get3A_123 = arith.index_cast %scan3A_64 : i32 to index
      %get3A_124 = arith.constant 64 : index
      %get3A_125 = tpu.vector_load %arg13[%get3A_123, %get3A_124] {strides = array<i32>} : memref<32x1024xf32, #tpu.memory_space<vmem>>, vector<16xf32>,
      %mul3A_126 = arith.mulf %get3A_125, %get3A_71 : vector<16xf32>
      %add3A_127 = arith.addf %mul3A_122, %mul3A_126 : vector<16xf32>
      %swap3A_128 = arith.index_cast %scan3A_64 : i32 to index
      %swap3A_129 = arith.constant 64 : index
      %swap3A_130 = tpu.vector_load %arg13[%swap3A_128, %swap3A_129] {strides = array<i32>} : memref<32x1024xf32, #tpu.memory_space<vmem>>, vector<16xf32>,
      tpu.vector_store %arg13[%swap3A_128, %swap3A_129], %add3A_127 {strides = array<i32>} : memref<32x1024xf32, #tpu.memory_space<vmem>>, vector<16xf32>,
      %get3A_131 = arith.index_cast %scan3A_64 : i32 to index
      %get3A_132 = arith.constant 80 : index
      %get3A_133 = tpu.vector_load %arg12[%get3A_131, %get3A_132] {strides = array<i32>} : memref<32x1024xf32, #tpu.memory_space<vmem>>, vector<16xf32>,
      %mul3A_134 = arith.mulf %get3A_133, %get3A_68 : vector<16xf32>
      %get3A_135 = arith.index_cast %scan3A_64 : i32 to index
      %get3A_136 = arith.constant 80 : index
      %get3A_137 = tpu.vector_load %arg13[%get3A_135, %get3A_136] {strides = array<i32>} : memref<32x1024xf32, #tpu.memory_space<vmem>>, vector<16xf32>,
      %mul3A_138 = arith.mulf %get3A_137, %get3A_71 : vector<16xf32>
      %add3A_139 = arith.addf %mul3A_134, %mul3A_138 : vector<16xf32>
      %swap3A_140 = arith.index_cast %scan3A_64 : i32 to index
      %swap3A_141 = arith.constant 80 : index
      %swap3A_142 = tpu.vector_load %arg13[%swap3A_140, %swap3A_141] {strides = array<i32>} : memref<32x1024xf32, #tpu.memory_space<vmem>>, vector<16xf32>,
      tpu.vector_store %arg13[%swap3A_140, %swap3A_141], %add3A_139 {strides = array<i32>} : memref<32x1024xf32, #tpu.memory_space<vmem>>, vector<16xf32>,
      %get3A_143 = arith.index_cast %scan3A_64 : i32 to index
      %get3A_144 = arith.constant 96 : index
      %get3A_145 = tpu.vector_load %arg12[%get3A_143, %get3A_144] {strides = array<i32>} : memref<32x1024xf32, #tpu.memory_space<vmem>>, vector<16xf32>,
      %mul3A_146 = arith.mulf %get3A_145, %get3A_68 : vector<16xf32>
      %get3A_147 = arith.index_cast %scan3A_64 : i32 to index
      %get3A_148 = arith.constant 96 : index
      %get3A_149 = tpu.vector_load %arg13[%get3A_147, %get3A_148] {strides = array<i32>} : memref<32x1024xf32, #tpu.memory_space<vmem>>, vector<16xf32>,
      %mul3A_150 = arith.mulf %get3A_149, %get3A_71 : vector<16xf32>
      %add3A_151 = arith.addf %mul3A_146, %mul3A_150 : vector<16xf32>
      %swap3A_152 = arith.index_cast %scan3A_64 : i32 to index
      %swap3A_153 = arith.constant 96 : index
      %swap3A_154 = tpu.vector_load %arg13[%swap3A_152, %swap3A_153] {strides = array<i32>} : memref<32x1024xf32, #tpu.memory_space<vmem>>, vector<16xf32>,
      tpu.vector_store %arg13[%swap3A_152, %swap3A_153], %add3A_151 {strides = array<i32>} : memref<32x1024xf32, #tpu.memory_space<vmem>>, vector<16xf32>,
      %get3A_155 = arith.index_cast %scan3A_64 : i32 to index
      %get3A_156 = arith.constant 112 : index
      %get3A_157 = tpu.vector_load %arg12[%get3A_155, %get3A_156] {strides = array<i32>} : memref<32x1024xf32, #tpu.memory_space<vmem>>, vector<16xf32>,
      %mul3A_158 = arith.mulf %get3A_157, %get3A_68 : vector<16xf32>
      %get3A_159 = arith.index_cast %scan3A_64 : i32 to index
      %get3A_160 = arith.constant 112 : index
      %get3A_161 = tpu.vector_load %arg13[%get3A_159, %get3A_160] {strides = array<i32>} : memref<32x1024xf32, #tpu.memory_space<vmem>>, vector<16xf32>,
      %mul3A_162 = arith.mulf %get3A_161, %get3A_71 : vector<16xf32>
      %add3A_163 = arith.addf %mul3A_158, %mul3A_162 : vector<16xf32>
      %swap3A_164 = arith.index_cast %scan3A_64 : i32 to index
      %swap3A_165 = arith.constant 112 : index
      %swap3A_166 = tpu.vector_load %arg13[%swap3A_164, %swap3A_165] {strides = array<i32>} : memref<32x1024xf32, #tpu.memory_space<vmem>>, vector<16xf32>,
      tpu.vector_store %arg13[%swap3A_164, %swap3A_165], %add3A_163 {strides = array<i32>} : memref<32x1024xf32, #tpu.memory_space<vmem>>, vector<16xf32>,
      %get3A_167 = arith.index_cast %scan3A_64 : i32 to index
      %get3A_168 = arith.constant 128 : index
      %get3A_169 = tpu.vector_load %arg12[%get3A_167, %get3A_168] {strides = array<i32>} : memref<32x1024xf32, #tpu.memory_space<vmem>>, vector<16xf32>,
      %mul3A_170 = arith.mulf %get3A_169, %get3A_68 : vector<16xf32>
      %get3A_171 = arith.index_cast %scan3A_64 : i32 to index
      %get3A_172 = arith.constant 128 : index
      %get3A_173 = tpu.vector_load %arg13[%get3A_171, %get3A_172] {strides = array<i32>} : memref<32x1024xf32, #tpu.memory_space<vmem>>, vector<16xf32>,
      %mul3A_174 = arith.mulf %get3A_173, %get3A_71 : vector<16xf32>
      %add3A_175 = arith.addf %mul3A_170, %mul3A_174 : vector<16xf32>
      %swap3A_176 = arith.index_cast %scan3A_64 : i32 to index
      %swap3A_177 = arith.constant 128 : index
      %swap3A_178 = tpu.vector_load %arg13[%swap3A_176, %swap3A_177] {strides = array<i32>} : memref<32x1024xf32, #tpu.memory_space<vmem>>, vector<16xf32>,
      tpu.vector_store %arg13[%swap3A_176, %swap3A_177], %add3A_175 {strides = array<i32>} : memref<32x1024xf32, #tpu.memory_space<vmem>>, vector<16xf32>,
      %get3A_179 = arith.index_cast %scan3A_64 : i32 to index
      %get3A_180 = arith.constant 144 : index
      %get3A_181 = tpu.vector_load %arg12[%get3A_179, %get3A_180] {strides = array<i32>} : memref<32x1024xf32, #tpu.memory_space<vmem>>, vector<16xf32>,
      %mul3A_182 = arith.mulf %get3A_181, %get3A_68 : vector<16xf32>
      %get3A_183 = arith.index_cast %scan3A_64 : i32 to index
      %get3A_184 = arith.constant 144 : index
      %get3A_185 = tpu.vector_load %arg13[%get3A_183, %get3A_184] {strides = array<i32>} : memref<32x1024xf32, #tpu.memory_space<vmem>>, vector<16xf32>,
      %mul3A_186 = arith.mulf %get3A_185, %get3A_71 : vector<16xf32>
      %add3A_187 = arith.addf %mul3A_182, %mul3A_186 : vector<16xf32>
      %swap3A_188 = arith.index_cast %scan3A_64 : i32 to index
      %swap3A_189 = arith.constant 144 : index
      %swap3A_190 = tpu.vector_load %arg13[%swap3A_188, %swap3A_189] {strides = array<i32>} : memref<32x1024xf32, #tpu.memory_space<vmem>>, vector<16xf32>,
      tpu.vector_store %arg13[%swap3A_188, %swap3A_189], %add3A_187 {strides = array<i32>} : memref<32x1024xf32, #tpu.memory_space<vmem>>, vector<16xf32>,
      %get3A_191 = arith.index_cast %scan3A_64 : i32 to index
      %get3A_192 = arith.constant 160 : index
      %get3A_193 = tpu.vector_load %arg12[%get3A_191, %get3A_192] {strides = array<i32>} : memref<32x1024xf32, #tpu.memory_space<vmem>>, vector<16xf32>,
      %mul3A_194 = arith.mulf %get3A_193, %get3A_68 : vector<16xf32>
      %get3A_195 = arith.index_cast %scan3A_64 : i32 to index
      %get3A_196 = arith.constant 160 : index
      %get3A_197 = tpu.vector_load %arg13[%get3A_195, %get3A_196] {strides = array<i32>} : memref<32x1024xf32, #tpu.memory_space<vmem>>, vector<16xf32>,
      %mul3A_198 = arith.mulf %get3A_197, %get3A_71 : vector<16xf32>
      %add3A_199 = arith.addf %mul3A_194, %mul3A_198 : vector<16xf32>
      %swap3A_200 = arith.index_cast %scan3A_64 : i32 to index
      %swap3A_201 = arith.constant 160 : index
      %swap3A_202 = tpu.vector_load %arg13[%swap3A_200, %swap3A_201] {strides = array<i32>} : memref<32x1024xf32, #tpu.memory_space<vmem>>, vector<16xf32>,
      tpu.vector_store %arg13[%swap3A_200, %swap3A_201], %add3A_199 {strides = array<i32>} : memref<32x1024xf32, #tpu.memory_space<vmem>>, vector<16xf32>,
      %get3A_203 = arith.index_cast %scan3A_64 : i32 to index
      %get3A_204 = arith.constant 176 : index
      %get3A_205 = tpu.vector_load %arg12[%get3A_203, %get3A_204] {strides = array<i32>} : memref<32x1024xf32, #tpu.memory_space<vmem>>, vector<16xf32>,
      %mul3A_206 = arith.mulf %get3A_205, %get3A_68 : vector<16xf32>
      %get3A_207 = arith.index_cast %scan3A_64 : i32 to index
      %get3A_208 = arith.constant 176 : index
      %get3A_209 = tpu.vector_load %arg13[%get3A_207, %get3A_208] {strides = array<i32>} : memref<32x1024xf32, #tpu.memory_space<vmem>>, vector<16xf32>,
      %mul3A_210 = arith.mulf %get3A_209, %get3A_71 : vector<16xf32>
      %add3A_211 = arith.addf %mul3A_206, %mul3A_210 : vector<16xf32>
      %swap3A_212 = arith.index_cast %scan3A_64 : i32 to index
      %swap3A_213 = arith.constant 176 : index
      %swap3A_214 = tpu.vector_load %arg13[%swap3A_212, %swap3A_213] {strides = array<i32>} : memref<32x1024xf32, #tpu.memory_space<vmem>>, vector<16xf32>,
      tpu.vector_store %arg13[%swap3A_212, %swap3A_213], %add3A_211 {strides = array<i32>} : memref<32x1024xf32, #tpu.memory_space<vmem>>, vector<16xf32>,
      %get3A_215 = arith.index_cast %scan3A_64 : i32 to index
      %get3A_216 = arith.constant 192 : index
      %get3A_217 = tpu.vector_load %arg12[%get3A_215, %get3A_216] {strides = array<i32>} : memref<32x1024xf32, #tpu.memory_space<vmem>>, vector<16xf32>,
      %mul3A_218 = arith.mulf %get3A_217, %get3A_68 : vector<16xf32>
      %get3A_219 = arith.index_cast %scan3A_64 : i32 to index
      %get3A_220 = arith.constant 192 : index
      %get3A_221 = tpu.vector_load %arg13[%get3A_219, %get3A_220] {strides = array<i32>} : memref<32x1024xf32, #tpu.memory_space<vmem>>, vector<16xf32>,
      %mul3A_222 = arith.mulf %get3A_221, %get3A_71 : vector<16xf32>
      %add3A_223 = arith.addf %mul3A_218, %mul3A_222 : vector<16xf32>
      %swap3A_224 = arith.index_cast %scan3A_64 : i32 to index
      %swap3A_225 = arith.constant 192 : index
      %swap3A_226 = tpu.vector_load %arg13[%swap3A_224, %swap3A_225] {strides = array<i32>} : memref<32x1024xf32, #tpu.memory_space<vmem>>, vector<16xf32>,
      tpu.vector_store %arg13[%swap3A_224, %swap3A_225], %add3A_223 {strides = array<i32>} : memref<32x1024xf32, #tpu.memory_space<vmem>>, vector<16xf32>,
      %get3A_227 = arith.index_cast %scan3A_64 : i32 to index
      %get3A_228 = arith.constant 208 : index
      %get3A_229 = tpu.vector_load %arg12[%get3A_227, %get3A_228] {strides = array<i32>} : memref<32x1024xf32, #tpu.memory_space<vmem>>, vector<16xf32>,
      %mul3A_230 = arith.mulf %get3A_229, %get3A_68 : vector<16xf32>
      %get3A_231 = arith.index_cast %scan3A_64 : i32 to index
      %get3A_232 = arith.constant 208 : index
      %get3A_233 = tpu.vector_load %arg13[%get3A_231, %get3A_232] {strides = array<i32>} : memref<32x1024xf32, #tpu.memory_space<vmem>>, vector<16xf32>,
      %mul3A_234 = arith.mulf %get3A_233, %get3A_71 : vector<16xf32>
      %add3A_235 = arith.addf %mul3A_230, %mul3A_234 : vector<16xf32>
      %swap3A_236 = arith.index_cast %scan3A_64 : i32 to index
      %swap3A_237 = arith.constant 208 : index
      %swap3A_238 = tpu.vector_load %arg13[%swap3A_236, %swap3A_237] {strides = array<i32>} : memref<32x1024xf32, #tpu.memory_space<vmem>>, vector<16xf32>,
      tpu.vector_store %arg13[%swap3A_236, %swap3A_237], %add3A_235 {strides = array<i32>} : memref<32x1024xf32, #tpu.memory_space<vmem>>, vector<16xf32>,
      %get3A_239 = arith.index_cast %scan3A_64 : i32 to index
      %get3A_240 = arith.constant 224 : index
      %get3A_241 = tpu.vector_load %arg12[%get3A_239, %get3A_240] {strides = array<i32>} : memref<32x1024xf32, #tpu.memory_space<vmem>>, vector<16xf32>,
      %mul3A_242 = arith.mulf %get3A_241, %get3A_68 : vector<16xf32>
      %get3A_243 = arith.index_cast %scan3A_64 : i32 to index
      %get3A_244 = arith.constant 224 : index
      %get3A_245 = tpu.vector_load %arg13[%get3A_243, %get3A_244] {strides = array<i32>} : memref<32x1024xf32, #tpu.memory_space<vmem>>, vector<16xf32>,
      %mul3A_246 = arith.mulf %get3A_245, %get3A_71 : vector<16xf32>
      %add3A_247 = arith.addf %mul3A_242, %mul3A_246 : vector<16xf32>
      %swap3A_248 = arith.index_cast %scan3A_64 : i32 to index
      %swap3A_249 = arith.constant 224 : index
      %swap3A_250 = tpu.vector_load %arg13[%swap3A_248, %swap3A_249] {strides = array<i32>} : memref<32x1024xf32, #tpu.memory_space<vmem>>, vector<16xf32>,
      tpu.vector_store %arg13[%swap3A_248, %swap3A_249], %add3A_247 {strides = array<i32>} : memref<32x1024xf32, #tpu.memory_space<vmem>>, vector<16xf32>,
      %get3A_251 = arith.index_cast %scan3A_64 : i32 to index
      %get3A_252 = arith.constant 240 : index
      %get3A_253 = tpu.vector_load %arg12[%get3A_251, %get3A_252] {strides = array<i32>} : memref<32x1024xf32, #tpu.memory_space<vmem>>, vector<16xf32>,
      %mul3A_254 = arith.mulf %get3A_253, %get3A_68 : vector<16xf32>
      %get3A_255 = arith.index_cast %scan3A_64 : i32 to index
      %get3A_256 = arith.constant 240 : index
      %get3A_257 = tpu.vector_load %arg13[%get3A_255, %get3A_256] {strides = array<i32>} : memref<32x1024xf32, #tpu.memory_space<vmem>>, vector<16xf32>,
      %mul3A_258 = arith.mulf %get3A_257, %get3A_71 : vector<16xf32>
      %add3A_259 = arith.addf %mul3A_254, %mul3A_258 : vector<16xf32>
      %swap3A_260 = arith.index_cast %scan3A_64 : i32 to index
      %swap3A_261 = arith.constant 240 : index
      %swap3A_262 = tpu.vector_load %arg13[%swap3A_260, %swap3A_261] {strides = array<i32>} : memref<32x1024xf32, #tpu.memory_space<vmem>>, vector<16xf32>,
      tpu.vector_store %arg13[%swap3A_260, %swap3A_261], %add3A_259 {strides = array<i32>} : memref<32x1024xf32, #tpu.memory_space<vmem>>, vector<16xf32>,
      %get3A_263 = arith.index_cast %scan3A_64 : i32 to index
      %get3A_264 = arith.constant 256 : index
      %get3A_265 = tpu.vector_load %arg12[%get3A_263, %get3A_264] {strides = array<i32>} : memref<32x1024xf32, #tpu.memory_space<vmem>>, vector<16xf32>,
      %mul3A_266 = arith.mulf %get3A_265, %get3A_68 : vector<16xf32>
      %get3A_267 = arith.index_cast %scan3A_64 : i32 to index
      %get3A_268 = arith.constant 256 : index
      %get3A_269 = tpu.vector_load %arg13[%get3A_267, %get3A_268] {strides = array<i32>} : memref<32x1024xf32, #tpu.memory_space<vmem>>, vector<16xf32>,
      %mul3A_270 = arith.mulf %get3A_269, %get3A_71 : vector<16xf32>
      %add3A_271 = arith.addf %mul3A_266, %mul3A_270 : vector<16xf32>
      %swap3A_272 = arith.index_cast %scan3A_64 : i32 to index
      %swap3A_273 = arith.constant 256 : index
      %swap3A_274 = tpu.vector_load %arg13[%swap3A_272, %swap3A_273] {strides = array<i32>} : memref<32x1024xf32, #tpu.memory_space<vmem>>, vector<16xf32>,
      tpu.vector_store %arg13[%swap3A_272, %swap3A_273], %add3A_271 {strides = array<i32>} : memref<32x1024xf32, #tpu.memory_space<vmem>>, vector<16xf32>,
      %get3A_275 = arith.index_cast %scan3A_64 : i32 to index
      %get3A_276 = arith.constant 272 : index
      %get3A_277 = tpu.vector_load %arg12[%get3A_275, %get3A_276] {strides = array<i32>} : memref<32x1024xf32, #tpu.memory_space<vmem>>, vector<16xf32>,
      %mul3A_278 = arith.mulf %get3A_277, %get3A_68 : vector<16xf32>
      %get3A_279 = arith.index_cast %scan3A_64 : i32 to index
      %get3A_280 = arith.constant 272 : index
      %get3A_281 = tpu.vector_load %arg13[%get3A_279, %get3A_280] {strides = array<i32>} : memref<32x1024xf32, #tpu.memory_space<vmem>>, vector<16xf32>,
      %mul3A_282 = arith.mulf %get3A_281, %get3A_71 : vector<16xf32>
      %add3A_283 = arith.addf %mul3A_278, %mul3A_282 : vector<16xf32>
      %swap3A_284 = arith.index_cast %scan3A_64 : i32 to index
      %swap3A_285 = arith.constant 272 : index
      %swap3A_286 = tpu.vector_load %arg13[%swap3A_284, %swap3A_285] {strides = array<i32>} : memref<32x1024xf32, #tpu.memory_space<vmem>>, vector<16xf32>,
      tpu.vector_store %arg13[%swap3A_284, %swap3A_285], %add3A_283 {strides = array<i32>} : memref<32x1024xf32, #tpu.memory_space<vmem>>, vector<16xf32>,
      %get3A_287 = arith.index_cast %scan3A_64 : i32 to index
      %get3A_288 = arith.constant 288 : index
      %get3A_289 = tpu.vector_load %arg12[%get3A_287, %get3A_288] {strides = array<i32>} : memref<32x1024xf32, #tpu.memory_space<vmem>>, vector<16xf32>,
      %mul3A_290 = arith.mulf %get3A_289, %get3A_68 : vector<16xf32>
      %get3A_291 = arith.index_cast %scan3A_64 : i32 to index
      %get3A_292 = arith.constant 288 : index
      %get3A_293 = tpu.vector_load %arg13[%get3A_291, %get3A_292] {strides = array<i32>} : memref<32x1024xf32, #tpu.memory_space<vmem>>, vector<16xf32>,
      %mul3A_294 = arith.mulf %get3A_293, %get3A_71 : vector<16xf32>
      %add3A_295 = arith.addf %mul3A_290, %mul3A_294 : vector<16xf32>
      %swap3A_296 = arith.index_cast %scan3A_64 : i32 to index
      %swap3A_297 = arith.constant 288 : index
      %swap3A_298 = tpu.vector_load %arg13[%swap3A_296, %swap3A_297] {strides = array<i32>} : memref<32x1024xf32, #tpu.memory_space<vmem>>, vector<16xf32>,
      tpu.vector_store %arg13[%swap3A_296, %swap3A_297], %add3A_295 {strides = array<i32>} : memref<32x1024xf32, #tpu.memory_space<vmem>>, vector<16xf32>,
      %get3A_299 = arith.index_cast %scan3A_64 : i32 to index
      %get3A_300 = arith.constant 304 : index
      %get3A_301 = tpu.vector_load %arg12[%get3A_299, %get3A_300] {strides = array<i32>} : memref<32x1024xf32, #tpu.memory_space<vmem>>, vector<16xf32>,
      %mul3A_302 = arith.mulf %get3A_301, %get3A_68 : vector<16xf32>
      %get3A_303 = arith.index_cast %scan3A_64 : i32 to index
      %get3A_304 = arith.constant 304 : index
      %get3A_305 = tpu.vector_load %arg13[%get3A_303, %get3A_304] {strides = array<i32>} : memref<32x1024xf32, #tpu.memory_space<vmem>>, vector<16xf32>,
      %mul3A_306 = arith.mulf %get3A_305, %get3A_71 : vector<16xf32>
      %add3A_307 = arith.addf %mul3A_302, %mul3A_306 : vector<16xf32>
      %swap3A_308 = arith.index_cast %scan3A_64 : i32 to index
      %swap3A_309 = arith.constant 304 : index
      %swap3A_310 = tpu.vector_load %arg13[%swap3A_308, %swap3A_309] {strides = array<i32>} : memref<32x1024xf32, #tpu.memory_space<vmem>>, vector<16xf32>,
      tpu.vector_store %arg13[%swap3A_308, %swap3A_309], %add3A_307 {strides = array<i32>} : memref<32x1024xf32, #tpu.memory_space<vmem>>, vector<16xf32>,
      %get3A_311 = arith.index_cast %scan3A_64 : i32 to index
      %get3A_312 = arith.constant 320 : index
      %get3A_313 = tpu.vector_load %arg12[%get3A_311, %get3A_312] {strides = array<i32>} : memref<32x1024xf32, #tpu.memory_space<vmem>>, vector<16xf32>,
      %mul3A_314 = arith.mulf %get3A_313, %get3A_68 : vector<16xf32>
      %get3A_315 = arith.index_cast %scan3A_64 : i32 to index
      %get3A_316 = arith.constant 320 : index
      %get3A_317 = tpu.vector_load %arg13[%get3A_315, %get3A_316] {strides = array<i32>} : memref<32x1024xf32, #tpu.memory_space<vmem>>, vector<16xf32>,
      %mul3A_318 = arith.mulf %get3A_317, %get3A_71 : vector<16xf32>
      %add3A_319 = arith.addf %mul3A_314, %mul3A_318 : vector<16xf32>
      %swap3A_320 = arith.index_cast %scan3A_64 : i32 to index
      %swap3A_321 = arith.constant 320 : index
      %swap3A_322 = tpu.vector_load %arg13[%swap3A_320, %swap3A_321] {strides = array<i32>} : memref<32x1024xf32, #tpu.memory_space<vmem>>, vector<16xf32>,
      tpu.vector_store %arg13[%swap3A_320, %swap3A_321], %add3A_319 {strides = array<i32>} : memref<32x1024xf32, #tpu.memory_space<vmem>>, vector<16xf32>,
      %get3A_323 = arith.index_cast %scan3A_64 : i32 to index
      %get3A_324 = arith.constant 336 : index
      %get3A_325 = tpu.vector_load %arg12[%get3A_323, %get3A_324] {strides = array<i32>} : memref<32x1024xf32, #tpu.memory_space<vmem>>, vector<16xf32>,
      %mul3A_326 = arith.mulf %get3A_325, %get3A_68 : vector<16xf32>
      %get3A_327 = arith.index_cast %scan3A_64 : i32 to index
      %get3A_328 = arith.constant 336 : index
      %get3A_329 = tpu.vector_load %arg13[%get3A_327, %get3A_328] {strides = array<i32>} : memref<32x1024xf32, #tpu.memory_space<vmem>>, vector<16xf32>,
      %mul3A_330 = arith.mulf %get3A_329, %get3A_71 : vector<16xf32>
      %add3A_331 = arith.addf %mul3A_326, %mul3A_330 : vector<16xf32>
      %swap3A_332 = arith.index_cast %scan3A_64 : i32 to index
      %swap3A_333 = arith.constant 336 : index
      %swap3A_334 = tpu.vector_load %arg13[%swap3A_332, %swap3A_333] {strides = array<i32>} : memref<32x1024xf32, #tpu.memory_space<vmem>>, vector<16xf32>,
      tpu.vector_store %arg13[%swap3A_332, %swap3A_333], %add3A_331 {strides = array<i32>} : memref<32x1024xf32, #tpu.memory_space<vmem>>, vector<16xf32>,
      %get3A_335 = arith.index_cast %scan3A_64 : i32 to index
      %get3A_336 = arith.constant 352 : index
      %get3A_337 = tpu.vector_load %arg12[%get3A_335, %get3A_336] {strides = array<i32>} : memref<32x1024xf32, #tpu.memory_space<vmem>>, vector<16xf32>,
      %mul3A_338 = arith.mulf %get3A_337, %get3A_68 : vector<16xf32>
      %get3A_339 = arith.index_cast %scan3A_64 : i32 to index
      %get3A_340 = arith.constant 352 : index
      %get3A_341 = tpu.vector_load %arg13[%get3A_339, %get3A_340] {strides = array<i32>} : memref<32x1024xf32, #tpu.memory_space<vmem>>, vector<16xf32>,
      %mul3A_342 = arith.mulf %get3A_341, %get3A_71 : vector<16xf32>
      %add3A_343 = arith.addf %mul3A_338, %mul3A_342 : vector<16xf32>
      %swap3A_344 = arith.index_cast %scan3A_64 : i32 to index
      %swap3A_345 = arith.constant 352 : index
      %swap3A_346 = tpu.vector_load %arg13[%swap3A_344, %swap3A_345] {strides = array<i32>} : memref<32x1024xf32, #tpu.memory_space<vmem>>, vector<16xf32>,
      tpu.vector_store %arg13[%swap3A_344, %swap3A_345], %add3A_343 {strides = array<i32>} : memref<32x1024xf32, #tpu.memory_space<vmem>>, vector<16xf32>,
      %get3A_347 = arith.index_cast %scan3A_64 : i32 to index
      %get3A_348 = arith.constant 368 : index
      %get3A_349 = tpu.vector_load %arg12[%get3A_347, %get3A_348] {strides = array<i32>} : memref<32x1024xf32, #tpu.memory_space<vmem>>, vector<16xf32>,
      %mul3A_350 = arith.mulf %get3A_349, %get3A_68 : vector<16xf32>
      %get3A_351 = arith.index_cast %scan3A_64 : i32 to index
      %get3A_352 = arith.constant 368 : index
      %get3A_353 = tpu.vector_load %arg13[%get3A_351, %get3A_352] {strides = array<i32>} : memref<32x1024xf32, #tpu.memory_space<vmem>>, vector<16xf32>,
      %mul3A_354 = arith.mulf %get3A_353, %get3A_71 : vector<16xf32>
      %add3A_355 = arith.addf %mul3A_350, %mul3A_354 : vector<16xf32>
      %swap3A_356 = arith.index_cast %scan3A_64 : i32 to index
      %swap3A_357 = arith.constant 368 : index
      %swap3A_358 = tpu.vector_load %arg13[%swap3A_356, %swap3A_357] {strides = array<i32>} : memref<32x1024xf32, #tpu.memory_space<vmem>>, vector<16xf32>,
      tpu.vector_store %arg13[%swap3A_356, %swap3A_357], %add3A_355 {strides = array<i32>} : memref<32x1024xf32, #tpu.memory_space<vmem>>, vector<16xf32>,
      %get3A_359 = arith.index_cast %scan3A_64 : i32 to index
      %get3A_360 = arith.constant 384 : index
      %get3A_361 = tpu.vector_load %arg12[%get3A_359, %get3A_360] {strides = array<i32>} : memref<32x1024xf32, #tpu.memory_space<vmem>>, vector<16xf32>,
      %mul3A_362 = arith.mulf %get3A_361, %get3A_68 : vector<16xf32>
      %get3A_363 = arith.index_cast %scan3A_64 : i32 to index
      %get3A_364 = arith.constant 384 : index
      %get3A_365 = tpu.vector_load %arg13[%get3A_363, %get3A_364] {strides = array<i32>} : memref<32x1024xf32, #tpu.memory_space<vmem>>, vector<16xf32>,
      %mul3A_366 = arith.mulf %get3A_365, %get3A_71 : vector<16xf32>
      %add3A_367 = arith.addf %mul3A_362, %mul3A_366 : vector<16xf32>
      %swap3A_368 = arith.index_cast %scan3A_64 : i32 to index
      %swap3A_369 = arith.constant 384 : index
      %swap3A_370 = tpu.vector_load %arg13[%swap3A_368, %swap3A_369] {strides = array<i32>} : memref<32x1024xf32, #tpu.memory_space<vmem>>, vector<16xf32>,
      tpu.vector_store %arg13[%swap3A_368, %swap3A_369], %add3A_367 {strides = array<i32>} : memref<32x1024xf32, #tpu.memory_space<vmem>>, vector<16xf32>,
      %get3A_371 = arith.index_cast %scan3A_64 : i32 to index
      %get3A_372 = arith.constant 400 : index
      %get3A_373 = tpu.vector_load %arg12[%get3A_371, %get3A_372] {strides = array<i32>} : memref<32x1024xf32, #tpu.memory_space<vmem>>, vector<16xf32>,
      %mul3A_374 = arith.mulf %get3A_373, %get3A_68 : vector<16xf32>
      %get3A_375 = arith.index_cast %scan3A_64 : i32 to index
      %get3A_376 = arith.constant 400 : index
      %get3A_377 = tpu.vector_load %arg13[%get3A_375, %get3A_376] {strides = array<i32>} : memref<32x1024xf32, #tpu.memory_space<vmem>>, vector<16xf32>,
      %mul3A_378 = arith.mulf %get3A_377, %get3A_71 : vector<16xf32>
      %add3A_379 = arith.addf %mul3A_374, %mul3A_378 : vector<16xf32>
      %swap3A_380 = arith.index_cast %scan3A_64 : i32 to index
      %swap3A_381 = arith.constant 400 : index
      %swap3A_382 = tpu.vector_load %arg13[%swap3A_380, %swap3A_381] {strides = array<i32>} : memref<32x1024xf32, #tpu.memory_space<vmem>>, vector<16xf32>,
      tpu.vector_store %arg13[%swap3A_380, %swap3A_381], %add3A_379 {strides = array<i32>} : memref<32x1024xf32, #tpu.memory_space<vmem>>, vector<16xf32>,
      %get3A_383 = arith.index_cast %scan3A_64 : i32 to index
      %get3A_384 = arith.constant 416 : index
      %get3A_385 = tpu.vector_load %arg12[%get3A_383, %get3A_384] {strides = array<i32>} : memref<32x1024xf32, #tpu.memory_space<vmem>>, vector<16xf32>,
      %mul3A_386 = arith.mulf %get3A_385, %get3A_68 : vector<16xf32>
      %get3A_387 = arith.index_cast %scan3A_64 : i32 to index
      %get3A_388 = arith.constant 416 : index
      %get3A_389 = tpu.vector_load %arg13[%get3A_387, %get3A_388] {strides = array<i32>} : memref<32x1024xf32, #tpu.memory_space<vmem>>, vector<16xf32>,
      %mul3A_390 = arith.mulf %get3A_389, %get3A_71 : vector<16xf32>
      %add3A_391 = arith.addf %mul3A_386, %mul3A_390 : vector<16xf32>
      %swap3A_392 = arith.index_cast %scan3A_64 : i32 to index
      %swap3A_393 = arith.constant 416 : index
      %swap3A_394 = tpu.vector_load %arg13[%swap3A_392, %swap3A_393] {strides = array<i32>} : memref<32x1024xf32, #tpu.memory_space<vmem>>, vector<16xf32>,
      tpu.vector_store %arg13[%swap3A_392, %swap3A_393], %add3A_391 {strides = array<i32>} : memref<32x1024xf32, #tpu.memory_space<vmem>>, vector<16xf32>,
      %get3A_395 = arith.index_cast %scan3A_64 : i32 to index
      %get3A_396 = arith.constant 432 : index
      %get3A_397 = tpu.vector_load %arg12[%get3A_395, %get3A_396] {strides = array<i32>} : memref<32x1024xf32, #tpu.memory_space<vmem>>, vector<16xf32>,
      %mul3A_398 = arith.mulf %get3A_397, %get3A_68 : vector<16xf32>
      %get3A_399 = arith.index_cast %scan3A_64 : i32 to index
      %get3A_400 = arith.constant 432 : index
      %get3A_401 = tpu.vector_load %arg13[%get3A_399, %get3A_400] {strides = array<i32>} : memref<32x1024xf32, #tpu.memory_space<vmem>>, vector<16xf32>,
      %mul3A_402 = arith.mulf %get3A_401, %get3A_71 : vector<16xf32>
      %add3A_403 = arith.addf %mul3A_398, %mul3A_402 : vector<16xf32>
      %swap3A_404 = arith.index_cast %scan3A_64 : i32 to index
      %swap3A_405 = arith.constant 432 : index
      %swap3A_406 = tpu.vector_load %arg13[%swap3A_404, %swap3A_405] {strides = array<i32>} : memref<32x1024xf32, #tpu.memory_space<vmem>>, vector<16xf32>,
      tpu.vector_store %arg13[%swap3A_404, %swap3A_405], %add3A_403 {strides = array<i32>} : memref<32x1024xf32, #tpu.memory_space<vmem>>, vector<16xf32>,
      %get3A_407 = arith.index_cast %scan3A_64 : i32 to index
      %get3A_408 = arith.constant 448 : index
      %get3A_409 = tpu.vector_load %arg12[%get3A_407, %get3A_408] {strides = array<i32>} : memref<32x1024xf32, #tpu.memory_space<vmem>>, vector<16xf32>,
      %mul3A_410 = arith.mulf %get3A_409, %get3A_68 : vector<16xf32>
      %get3A_411 = arith.index_cast %scan3A_64 : i32 to index
      %get3A_412 = arith.constant 448 : index
      %get3A_413 = tpu.vector_load %arg13[%get3A_411, %get3A_412] {strides = array<i32>} : memref<32x1024xf32, #tpu.memory_space<vmem>>, vector<16xf32>,
      %mul3A_414 = arith.mulf %get3A_413, %get3A_71 : vector<16xf32>
      %add3A_415 = arith.addf %mul3A_410, %mul3A_414 : vector<16xf32>
      %swap3A_416 = arith.index_cast %scan3A_64 : i32 to index
      %swap3A_417 = arith.constant 448 : index
      %swap3A_418 = tpu.vector_load %arg13[%swap3A_416, %swap3A_417] {strides = array<i32>} : memref<32x1024xf32, #tpu.memory_space<vmem>>, vector<16xf32>,
      tpu.vector_store %arg13[%swap3A_416, %swap3A_417], %add3A_415 {strides = array<i32>} : memref<32x1024xf32, #tpu.memory_space<vmem>>, vector<16xf32>,
      %get3A_419 = arith.index_cast %scan3A_64 : i32 to index
      %get3A_420 = arith.constant 464 : index
      %get3A_421 = tpu.vector_load %arg12[%get3A_419, %get3A_420] {strides = array<i32>} : memref<32x1024xf32, #tpu.memory_space<vmem>>, vector<16xf32>,
      %mul3A_422 = arith.mulf %get3A_421, %get3A_68 : vector<16xf32>
      %get3A_423 = arith.index_cast %scan3A_64 : i32 to index
      %get3A_424 = arith.constant 464 : index
      %get3A_425 = tpu.vector_load %arg13[%get3A_423, %get3A_424] {strides = array<i32>} : memref<32x1024xf32, #tpu.memory_space<vmem>>, vector<16xf32>,
      %mul3A_426 = arith.mulf %get3A_425, %get3A_71 : vector<16xf32>
      %add3A_427 = arith.addf %mul3A_422, %mul3A_426 : vector<16xf32>
      %swap3A_428 = arith.index_cast %scan3A_64 : i32 to index
      %swap3A_429 = arith.constant 464 : index
      %swap3A_430 = tpu.vector_load %arg13[%swap3A_428, %swap3A_429] {strides = array<i32>} : memref<32x1024xf32, #tpu.memory_space<vmem>>, vector<16xf32>,
      tpu.vector_store %arg13[%swap3A_428, %swap3A_429], %add3A_427 {strides = array<i32>} : memref<32x1024xf32, #tpu.memory_space<vmem>>, vector<16xf32>,
      %get3A_431 = arith.index_cast %scan3A_64 : i32 to index
      %get3A_432 = arith.constant 480 : index
      %get3A_433 = tpu.vector_load %arg12[%get3A_431, %get3A_432] {strides = array<i32>} : memref<32x1024xf32, #tpu.memory_space<vmem>>, vector<16xf32>,
      %mul3A_434 = arith.mulf %get3A_433, %get3A_68 : vector<16xf32>
      %get3A_435 = arith.index_cast %scan3A_64 : i32 to index
      %get3A_436 = arith.constant 480 : index
      %get3A_437 = tpu.vector_load %arg13[%get3A_435, %get3A_436] {strides = array<i32>} : memref<32x1024xf32, #tpu.memory_space<vmem>>, vector<16xf32>,
      %mul3A_438 = arith.mulf %get3A_437, %get3A_71 : vector<16xf32>
      %add3A_439 = arith.addf %mul3A_434, %mul3A_438 : vector<16xf32>
      %swap3A_440 = arith.index_cast %scan3A_64 : i32 to index
      %swap3A_441 = arith.constant 480 : index
      %swap3A_442 = tpu.vector_load %arg13[%swap3A_440, %swap3A_441] {strides = array<i32>} : memref<32x1024xf32, #tpu.memory_space<vmem>>, vector<16xf32>,
      tpu.vector_store %arg13[%swap3A_440, %swap3A_441], %add3A_439 {strides = array<i32>} : memref<32x1024xf32, #tpu.memory_space<vmem>>, vector<16xf32>,
      %get3A_443 = arith.index_cast %scan3A_64 : i32 to index
      %get3A_444 = arith.constant 496 : index
      %get3A_445 = tpu.vector_load %arg12[%get3A_443, %get3A_444] {strides = array<i32>} : memref<32x1024xf32, #tpu.memory_space<vmem>>, vector<16xf32>,
      %mul3A_446 = arith.mulf %get3A_445, %get3A_68 : vector<16xf32>
      %get3A_447 = arith.index_cast %scan3A_64 : i32 to index
      %get3A_448 = arith.constant 496 : index
      %get3A_449 = tpu.vector_load %arg13[%get3A_447, %get3A_448] {strides = array<i32>} : memref<32x1024xf32, #tpu.memory_space<vmem>>, vector<16xf32>,
      %mul3A_450 = arith.mulf %get3A_449, %get3A_71 : vector<16xf32>
      %add3A_451 = arith.addf %mul3A_446, %mul3A_450 : vector<16xf32>
      %swap3A_452 = arith.index_cast %scan3A_64 : i32 to index
      %swap3A_453 = arith.constant 496 : index
      %swap3A_454 = tpu.vector_load %arg13[%swap3A_452, %swap3A_453] {strides = array<i32>} : memref<32x1024xf32, #tpu.memory_space<vmem>>, vector<16xf32>,
      tpu.vector_store %arg13[%swap3A_452, %swap3A_453], %add3A_451 {strides = array<i32>} : memref<32x1024xf32, #tpu.memory_space<vmem>>, vector<16xf32>,
      %get3A_455 = arith.index_cast %scan3A_64 : i32 to index
      %get3A_456 = arith.constant 512 : index
      %get3A_457 = tpu.vector_load %arg12[%get3A_455, %get3A_456] {strides = array<i32>} : memref<32x1024xf32, #tpu.memory_space<vmem>>, vector<16xf32>,
      %mul3A_458 = arith.mulf %get3A_457, %get3A_68 : vector<16xf32>
      %get3A_459 = arith.index_cast %scan3A_64 : i32 to index
      %get3A_460 = arith.constant 512 : index
      %get3A_461 = tpu.vector_load %arg13[%get3A_459, %get3A_460] {strides = array<i32>} : memref<32x1024xf32, #tpu.memory_space<vmem>>, vector<16xf32>,
      %mul3A_462 = arith.mulf %get3A_461, %get3A_71 : vector<16xf32>
      %add3A_463 = arith.addf %mul3A_458, %mul3A_462 : vector<16xf32>
      %swap3A_464 = arith.index_cast %scan3A_64 : i32 to index
      %swap3A_465 = arith.constant 512 : index
      %swap3A_466 = tpu.vector_load %arg13[%swap3A_464, %swap3A_465] {strides = array<i32>} : memref<32x1024xf32, #tpu.memory_space<vmem>>, vector<16xf32>,
      tpu.vector_store %arg13[%swap3A_464, %swap3A_465], %add3A_463 {strides = array<i32>} : memref<32x1024xf32, #tpu.memory_space<vmem>>, vector<16xf32>,
      %get3A_467 = arith.index_cast %scan3A_64 : i32 to index
      %get3A_468 = arith.constant 528 : index
      %get3A_469 = tpu.vector_load %arg12[%get3A_467, %get3A_468] {strides = array<i32>} : memref<32x1024xf32, #tpu.memory_space<vmem>>, vector<16xf32>,
      %mul3A_470 = arith.mulf %get3A_469, %get3A_68 : vector<16xf32>
      %get3A_471 = arith.index_cast %scan3A_64 : i32 to index
      %get3A_472 = arith.constant 528 : index
      %get3A_473 = tpu.vector_load %arg13[%get3A_471, %get3A_472] {strides = array<i32>} : memref<32x1024xf32, #tpu.memory_space<vmem>>, vector<16xf32>,
      %mul3A_474 = arith.mulf %get3A_473, %get3A_71 : vector<16xf32>
      %add3A_475 = arith.addf %mul3A_470, %mul3A_474 : vector<16xf32>
      %swap3A_476 = arith.index_cast %scan3A_64 : i32 to index
      %swap3A_477 = arith.constant 528 : index
      %swap3A_478 = tpu.vector_load %arg13[%swap3A_476, %swap3A_477] {strides = array<i32>} : memref<32x1024xf32, #tpu.memory_space<vmem>>, vector<16xf32>,
      tpu.vector_store %arg13[%swap3A_476, %swap3A_477], %add3A_475 {strides = array<i32>} : memref<32x1024xf32, #tpu.memory_space<vmem>>, vector<16xf32>,
      %get3A_479 = arith.index_cast %scan3A_64 : i32 to index
      %get3A_480 = arith.constant 544 : index
      %get3A_481 = tpu.vector_load %arg12[%get3A_479, %get3A_480] {strides = array<i32>} : memref<32x1024xf32, #tpu.memory_space<vmem>>, vector<16xf32>,
      %mul3A_482 = arith.mulf %get3A_481, %get3A_68 : vector<16xf32>
      %get3A_483 = arith.index_cast %scan3A_64 : i32 to index
      %get3A_484 = arith.constant 544 : index
      %get3A_485 = tpu.vector_load %arg13[%get3A_483, %get3A_484] {strides = array<i32>} : memref<32x1024xf32, #tpu.memory_space<vmem>>, vector<16xf32>,
      %mul3A_486 = arith.mulf %get3A_485, %get3A_71 : vector<16xf32>
      %add3A_487 = arith.addf %mul3A_482, %mul3A_486 : vector<16xf32>
      %swap3A_488 = arith.index_cast %scan3A_64 : i32 to index
      %swap3A_489 = arith.constant 544 : index
      %swap3A_490 = tpu.vector_load %arg13[%swap3A_488, %swap3A_489] {strides = array<i32>} : memref<32x1024xf32, #tpu.memory_space<vmem>>, vector<16xf32>,
      tpu.vector_store %arg13[%swap3A_488, %swap3A_489], %add3A_487 {strides = array<i32>} : memref<32x1024xf32, #tpu.memory_space<vmem>>, vector<16xf32>,
      %get3A_491 = arith.index_cast %scan3A_64 : i32 to index
      %get3A_492 = arith.constant 560 : index
      %get3A_493 = tpu.vector_load %arg12[%get3A_491, %get3A_492] {strides = array<i32>} : memref<32x1024xf32, #tpu.memory_space<vmem>>, vector<16xf32>,
      %mul3A_494 = arith.mulf %get3A_493, %get3A_68 : vector<16xf32>
      %get3A_495 = arith.index_cast %scan3A_64 : i32 to index
      %get3A_496 = arith.constant 560 : index
      %get3A_497 = tpu.vector_load %arg13[%get3A_495, %get3A_496] {strides = array<i32>} : memref<32x1024xf32, #tpu.memory_space<vmem>>, vector<16xf32>,
      %mul3A_498 = arith.mulf %get3A_497, %get3A_71 : vector<16xf32>
      %add3A_499 = arith.addf %mul3A_494, %mul3A_498 : vector<16xf32>
      %swap3A_500 = arith.index_cast %scan3A_64 : i32 to index
      %swap3A_501 = arith.constant 560 : index
      %swap3A_502 = tpu.vector_load %arg13[%swap3A_500, %swap3A_501] {strides = array<i32>} : memref<32x1024xf32, #tpu.memory_space<vmem>>, vector<16xf32>,
      tpu.vector_store %arg13[%swap3A_500, %swap3A_501], %add3A_499 {strides = array<i32>} : memref<32x1024xf32, #tpu.memory_space<vmem>>, vector<16xf32>,
      %get3A_503 = arith.index_cast %scan3A_64 : i32 to index
      %get3A_504 = arith.constant 576 : index
      %get3A_505 = tpu.vector_load %arg12[%get3A_503, %get3A_504] {strides = array<i32>} : memref<32x1024xf32, #tpu.memory_space<vmem>>, vector<16xf32>,
      %mul3A_506 = arith.mulf %get3A_505, %get3A_68 : vector<16xf32>
      %get3A_507 = arith.index_cast %scan3A_64 : i32 to index
      %get3A_508 = arith.constant 576 : index
      %get3A_509 = tpu.vector_load %arg13[%get3A_507, %get3A_508] {strides = array<i32>} : memref<32x1024xf32, #tpu.memory_space<vmem>>, vector<16xf32>,
      %mul3A_510 = arith.mulf %get3A_509, %get3A_71 : vector<16xf32>
      %add3A_511 = arith.addf %mul3A_506, %mul3A_510 : vector<16xf32>
      %swap3A_512 = arith.index_cast %scan3A_64 : i32 to index
      %swap3A_513 = arith.constant 576 : index
      %swap3A_514 = tpu.vector_load %arg13[%swap3A_512, %swap3A_513] {strides = array<i32>} : memref<32x1024xf32, #tpu.memory_space<vmem>>, vector<16xf32>,
      tpu.vector_store %arg13[%swap3A_512, %swap3A_513], %add3A_511 {strides = array<i32>} : memref<32x1024xf32, #tpu.memory_space<vmem>>, vector<16xf32>,
      %get3A_515 = arith.index_cast %scan3A_64 : i32 to index
      %get3A_516 = arith.constant 592 : index
      %get3A_517 = tpu.vector_load %arg12[%get3A_515, %get3A_516] {strides = array<i32>} : memref<32x1024xf32, #tpu.memory_space<vmem>>, vector<16xf32>,
      %mul3A_518 = arith.mulf %get3A_517, %get3A_68 : vector<16xf32>
      %get3A_519 = arith.index_cast %scan3A_64 : i32 to index
      %get3A_520 = arith.constant 592 : index
      %get3A_521 = tpu.vector_load %arg13[%get3A_519, %get3A_520] {strides = array<i32>} : memref<32x1024xf32, #tpu.memory_space<vmem>>, vector<16xf32>,
      %mul3A_522 = arith.mulf %get3A_521, %get3A_71 : vector<16xf32>
      %add3A_523 = arith.addf %mul3A_518, %mul3A_522 : vector<16xf32>
      %swap3A_524 = arith.index_cast %scan3A_64 : i32 to index
      %swap3A_525 = arith.constant 592 : index
      %swap3A_526 = tpu.vector_load %arg13[%swap3A_524, %swap3A_525] {strides = array<i32>} : memref<32x1024xf32, #tpu.memory_space<vmem>>, vector<16xf32>,
      tpu.vector_store %arg13[%swap3A_524, %swap3A_525], %add3A_523 {strides = array<i32>} : memref<32x1024xf32, #tpu.memory_space<vmem>>, vector<16xf32>,
      %get3A_527 = arith.index_cast %scan3A_64 : i32 to index
      %get3A_528 = arith.constant 608 : index
      %get3A_529 = tpu.vector_load %arg12[%get3A_527, %get3A_528] {strides = array<i32>} : memref<32x1024xf32, #tpu.memory_space<vmem>>, vector<16xf32>,
      %mul3A_530 = arith.mulf %get3A_529, %get3A_68 : vector<16xf32>
      %get3A_531 = arith.index_cast %scan3A_64 : i32 to index
      %get3A_532 = arith.constant 608 : index
      %get3A_533 = tpu.vector_load %arg13[%get3A_531, %get3A_532] {strides = array<i32>} : memref<32x1024xf32, #tpu.memory_space<vmem>>, vector<16xf32>,
      %mul3A_534 = arith.mulf %get3A_533, %get3A_71 : vector<16xf32>
      %add3A_535 = arith.addf %mul3A_530, %mul3A_534 : vector<16xf32>
      %swap3A_536 = arith.index_cast %scan3A_64 : i32 to index
      %swap3A_537 = arith.constant 608 : index
      %swap3A_538 = tpu.vector_load %arg13[%swap3A_536, %swap3A_537] {strides = array<i32>} : memref<32x1024xf32, #tpu.memory_space<vmem>>, vector<16xf32>,
      tpu.vector_store %arg13[%swap3A_536, %swap3A_537], %add3A_535 {strides = array<i32>} : memref<32x1024xf32, #tpu.memory_space<vmem>>, vector<16xf32>,
      %get3A_539 = arith.index_cast %scan3A_64 : i32 to index
      %get3A_540 = arith.constant 624 : index
      %get3A_541 = tpu.vector_load %arg12[%get3A_539, %get3A_540] {strides = array<i32>} : memref<32x1024xf32, #tpu.memory_space<vmem>>, vector<16xf32>,
      %mul3A_542 = arith.mulf %get3A_541, %get3A_68 : vector<16xf32>
      %get3A_543 = arith.index_cast %scan3A_64 : i32 to index
      %get3A_544 = arith.constant 624 : index
      %get3A_545 = tpu.vector_load %arg13[%get3A_543, %get3A_544] {strides = array<i32>} : memref<32x1024xf32, #tpu.memory_space<vmem>>, vector<16xf32>,
      %mul3A_546 = arith.mulf %get3A_545, %get3A_71 : vector<16xf32>
      %add3A_547 = arith.addf %mul3A_542, %mul3A_546 : vector<16xf32>
      %swap3A_548 = arith.index_cast %scan3A_64 : i32 to index
      %swap3A_549 = arith.constant 624 : index
      %swap3A_550 = tpu.vector_load %arg13[%swap3A_548, %swap3A_549] {strides = array<i32>} : memref<32x1024xf32, #tpu.memory_space<vmem>>, vector<16xf32>,
      tpu.vector_store %arg13[%swap3A_548, %swap3A_549], %add3A_547 {strides = array<i32>} : memref<32x1024xf32, #tpu.memory_space<vmem>>, vector<16xf32>,
      %get3A_551 = arith.index_cast %scan3A_64 : i32 to index
      %get3A_552 = arith.constant 640 : index
      %get3A_553 = tpu.vector_load %arg12[%get3A_551, %get3A_552] {strides = array<i32>} : memref<32x1024xf32, #tpu.memory_space<vmem>>, vector<16xf32>,
      %mul3A_554 = arith.mulf %get3A_553, %get3A_68 : vector<16xf32>
      %get3A_555 = arith.index_cast %scan3A_64 : i32 to index
      %get3A_556 = arith.constant 640 : index
      %get3A_557 = tpu.vector_load %arg13[%get3A_555, %get3A_556] {strides = array<i32>} : memref<32x1024xf32, #tpu.memory_space<vmem>>, vector<16xf32>,
      %mul3A_558 = arith.mulf %get3A_557, %get3A_71 : vector<16xf32>
      %add3A_559 = arith.addf %mul3A_554, %mul3A_558 : vector<16xf32>
      %swap3A_560 = arith.index_cast %scan3A_64 : i32 to index
      %swap3A_561 = arith.constant 640 : index
      %swap3A_562 = tpu.vector_load %arg13[%swap3A_560, %swap3A_561] {strides = array<i32>} : memref<32x1024xf32, #tpu.memory_space<vmem>>, vector<16xf32>,
      tpu.vector_store %arg13[%swap3A_560, %swap3A_561], %add3A_559 {strides = array<i32>} : memref<32x1024xf32, #tpu.memory_space<vmem>>, vector<16xf32>,
      %get3A_563 = arith.index_cast %scan3A_64 : i32 to index
      %get3A_564 = arith.constant 656 : index
      %get3A_565 = tpu.vector_load %arg12[%get3A_563, %get3A_564] {strides = array<i32>} : memref<32x1024xf32, #tpu.memory_space<vmem>>, vector<16xf32>,
      %mul3A_566 = arith.mulf %get3A_565, %get3A_68 : vector<16xf32>
      %get3A_567 = arith.index_cast %scan3A_64 : i32 to index
      %get3A_568 = arith.constant 656 : index
      %get3A_569 = tpu.vector_load %arg13[%get3A_567, %get3A_568] {strides = array<i32>} : memref<32x1024xf32, #tpu.memory_space<vmem>>, vector<16xf32>,
      %mul3A_570 = arith.mulf %get3A_569, %get3A_71 : vector<16xf32>
      %add3A_571 = arith.addf %mul3A_566, %mul3A_570 : vector<16xf32>
      %swap3A_572 = arith.index_cast %scan3A_64 : i32 to index
      %swap3A_573 = arith.constant 656 : index
      %swap3A_574 = tpu.vector_load %arg13[%swap3A_572, %swap3A_573] {strides = array<i32>} : memref<32x1024xf32, #tpu.memory_space<vmem>>, vector<16xf32>,
      tpu.vector_store %arg13[%swap3A_572, %swap3A_573], %add3A_571 {strides = array<i32>} : memref<32x1024xf32, #tpu.memory_space<vmem>>, vector<16xf32>,
      %get3A_575 = arith.index_cast %scan3A_64 : i32 to index
      %get3A_576 = arith.constant 672 : index
      %get3A_577 = tpu.vector_load %arg12[%get3A_575, %get3A_576] {strides = array<i32>} : memref<32x1024xf32, #tpu.memory_space<vmem>>, vector<16xf32>,
      %mul3A_578 = arith.mulf %get3A_577, %get3A_68 : vector<16xf32>
      %get3A_579 = arith.index_cast %scan3A_64 : i32 to index
      %get3A_580 = arith.constant 672 : index
      %get3A_581 = tpu.vector_load %arg13[%get3A_579, %get3A_580] {strides = array<i32>} : memref<32x1024xf32, #tpu.memory_space<vmem>>, vector<16xf32>,
      %mul3A_582 = arith.mulf %get3A_581, %get3A_71 : vector<16xf32>
      %add3A_583 = arith.addf %mul3A_578, %mul3A_582 : vector<16xf32>
      %swap3A_584 = arith.index_cast %scan3A_64 : i32 to index
      %swap3A_585 = arith.constant 672 : index
      %swap3A_586 = tpu.vector_load %arg13[%swap3A_584, %swap3A_585] {strides = array<i32>} : memref<32x1024xf32, #tpu.memory_space<vmem>>, vector<16xf32>,
      tpu.vector_store %arg13[%swap3A_584, %swap3A_585], %add3A_583 {strides = array<i32>} : memref<32x1024xf32, #tpu.memory_space<vmem>>, vector<16xf32>,
      %get3A_587 = arith.index_cast %scan3A_64 : i32 to index
      %get3A_588 = arith.constant 688 : index
      %get3A_589 = tpu.vector_load %arg12[%get3A_587, %get3A_588] {strides = array<i32>} : memref<32x1024xf32, #tpu.memory_space<vmem>>, vector<16xf32>,
      %mul3A_590 = arith.mulf %get3A_589, %get3A_68 : vector<16xf32>
      %get3A_591 = arith.index_cast %scan3A_64 : i32 to index
      %get3A_592 = arith.constant 688 : index
      %get3A_593 = tpu.vector_load %arg13[%get3A_591, %get3A_592] {strides = array<i32>} : memref<32x1024xf32, #tpu.memory_space<vmem>>, vector<16xf32>,
      %mul3A_594 = arith.mulf %get3A_593, %get3A_71 : vector<16xf32>
      %add3A_595 = arith.addf %mul3A_590, %mul3A_594 : vector<16xf32>
      %swap3A_596 = arith.index_cast %scan3A_64 : i32 to index
      %swap3A_597 = arith.constant 688 : index
      %swap3A_598 = tpu.vector_load %arg13[%swap3A_596, %swap3A_597] {strides = array<i32>} : memref<32x1024xf32, #tpu.memory_space<vmem>>, vector<16xf32>,
      tpu.vector_store %arg13[%swap3A_596, %swap3A_597], %add3A_595 {strides = array<i32>} : memref<32x1024xf32, #tpu.memory_space<vmem>>, vector<16xf32>,
      %get3A_599 = arith.index_cast %scan3A_64 : i32 to index
      %get3A_600 = arith.constant 704 : index
      %get3A_601 = tpu.vector_load %arg12[%get3A_599, %get3A_600] {strides = array<i32>} : memref<32x1024xf32, #tpu.memory_space<vmem>>, vector<16xf32>,
      %mul3A_602 = arith.mulf %get3A_601, %get3A_68 : vector<16xf32>
      %get3A_603 = arith.index_cast %scan3A_64 : i32 to index
      %get3A_604 = arith.constant 704 : index
      %get3A_605 = tpu.vector_load %arg13[%get3A_603, %get3A_604] {strides = array<i32>} : memref<32x1024xf32, #tpu.memory_space<vmem>>, vector<16xf32>,
      %mul3A_606 = arith.mulf %get3A_605, %get3A_71 : vector<16xf32>
      %add3A_607 = arith.addf %mul3A_602, %mul3A_606 : vector<16xf32>
      %swap3A_608 = arith.index_cast %scan3A_64 : i32 to index
      %swap3A_609 = arith.constant 704 : index
      %swap3A_610 = tpu.vector_load %arg13[%swap3A_608, %swap3A_609] {strides = array<i32>} : memref<32x1024xf32, #tpu.memory_space<vmem>>, vector<16xf32>,
      tpu.vector_store %arg13[%swap3A_608, %swap3A_609], %add3A_607 {strides = array<i32>} : memref<32x1024xf32, #tpu.memory_space<vmem>>, vector<16xf32>,
      %get3A_611 = arith.index_cast %scan3A_64 : i32 to index
      %get3A_612 = arith.constant 720 : index
      %get3A_613 = tpu.vector_load %arg12[%get3A_611, %get3A_612] {strides = array<i32>} : memref<32x1024xf32, #tpu.memory_space<vmem>>, vector<16xf32>,
      %mul3A_614 = arith.mulf %get3A_613, %get3A_68 : vector<16xf32>
      %get3A_615 = arith.index_cast %scan3A_64 : i32 to index
      %get3A_616 = arith.constant 720 : index
      %get3A_617 = tpu.vector_load %arg13[%get3A_615, %get3A_616] {strides = array<i32>} : memref<32x1024xf32, #tpu.memory_space<vmem>>, vector<16xf32>,
      %mul3A_618 = arith.mulf %get3A_617, %get3A_71 : vector<16xf32>
      %add3A_619 = arith.addf %mul3A_614, %mul3A_618 : vector<16xf32>
      %swap3A_620 = arith.index_cast %scan3A_64 : i32 to index
      %swap3A_621 = arith.constant 720 : index
      %swap3A_622 = tpu.vector_load %arg13[%swap3A_620, %swap3A_621] {strides = array<i32>} : memref<32x1024xf32, #tpu.memory_space<vmem>>, vector<16xf32>,
      tpu.vector_store %arg13[%swap3A_620, %swap3A_621], %add3A_619 {strides = array<i32>} : memref<32x1024xf32, #tpu.memory_space<vmem>>, vector<16xf32>,
      %get3A_623 = arith.index_cast %scan3A_64 : i32 to index
      %get3A_624 = arith.constant 736 : index
      %get3A_625 = tpu.vector_load %arg12[%get3A_623, %get3A_624] {strides = array<i32>} : memref<32x1024xf32, #tpu.memory_space<vmem>>, vector<16xf32>,
      %mul3A_626 = arith.mulf %get3A_625, %get3A_68 : vector<16xf32>
      %get3A_627 = arith.index_cast %scan3A_64 : i32 to index
      %get3A_628 = arith.constant 736 : index
      %get3A_629 = tpu.vector_load %arg13[%get3A_627, %get3A_628] {strides = array<i32>} : memref<32x1024xf32, #tpu.memory_space<vmem>>, vector<16xf32>,
      %mul3A_630 = arith.mulf %get3A_629, %get3A_71 : vector<16xf32>
      %add3A_631 = arith.addf %mul3A_626, %mul3A_630 : vector<16xf32>
      %swap3A_632 = arith.index_cast %scan3A_64 : i32 to index
      %swap3A_633 = arith.constant 736 : index
      %swap3A_634 = tpu.vector_load %arg13[%swap3A_632, %swap3A_633] {strides = array<i32>} : memref<32x1024xf32, #tpu.memory_space<vmem>>, vector<16xf32>,
      tpu.vector_store %arg13[%swap3A_632, %swap3A_633], %add3A_631 {strides = array<i32>} : memref<32x1024xf32, #tpu.memory_space<vmem>>, vector<16xf32>,
      %get3A_635 = arith.index_cast %scan3A_64 : i32 to index
      %get3A_636 = arith.constant 752 : index
      %get3A_637 = tpu.vector_load %arg12[%get3A_635, %get3A_636] {strides = array<i32>} : memref<32x1024xf32, #tpu.memory_space<vmem>>, vector<16xf32>,
      %mul3A_638 = arith.mulf %get3A_637, %get3A_68 : vector<16xf32>
      %get3A_639 = arith.index_cast %scan3A_64 : i32 to index
      %get3A_640 = arith.constant 752 : index
      %get3A_641 = tpu.vector_load %arg13[%get3A_639, %get3A_640] {strides = array<i32>} : memref<32x1024xf32, #tpu.memory_space<vmem>>, vector<16xf32>,
      %mul3A_642 = arith.mulf %get3A_641, %get3A_71 : vector<16xf32>
      %add3A_643 = arith.addf %mul3A_638, %mul3A_642 : vector<16xf32>
      %swap3A_644 = arith.index_cast %scan3A_64 : i32 to index
      %swap3A_645 = arith.constant 752 : index
      %swap3A_646 = tpu.vector_load %arg13[%swap3A_644, %swap3A_645] {strides = array<i32>} : memref<32x1024xf32, #tpu.memory_space<vmem>>, vector<16xf32>,
      tpu.vector_store %arg13[%swap3A_644, %swap3A_645], %add3A_643 {strides = array<i32>} : memref<32x1024xf32, #tpu.memory_space<vmem>>, vector<16xf32>,
      %get3A_647 = arith.index_cast %scan3A_64 : i32 to index
      %get3A_648 = arith.constant 768 : index
      %get3A_649 = tpu.vector_load %arg12[%get3A_647, %get3A_648] {strides = array<i32>} : memref<32x1024xf32, #tpu.memory_space<vmem>>, vector<16xf32>,
      %mul3A_650 = arith.mulf %get3A_649, %get3A_68 : vector<16xf32>
      %get3A_651 = arith.index_cast %scan3A_64 : i32 to index
      %get3A_652 = arith.constant 768 : index
      %get3A_653 = tpu.vector_load %arg13[%get3A_651, %get3A_652] {strides = array<i32>} : memref<32x1024xf32, #tpu.memory_space<vmem>>, vector<16xf32>,
      %mul3A_654 = arith.mulf %get3A_653, %get3A_71 : vector<16xf32>
      %add3A_655 = arith.addf %mul3A_650, %mul3A_654 : vector<16xf32>
      %swap3A_656 = arith.index_cast %scan3A_64 : i32 to index
      %swap3A_657 = arith.constant 768 : index
      %swap3A_658 = tpu.vector_load %arg13[%swap3A_656, %swap3A_657] {strides = array<i32>} : memref<32x1024xf32, #tpu.memory_space<vmem>>, vector<16xf32>,
      tpu.vector_store %arg13[%swap3A_656, %swap3A_657], %add3A_655 {strides = array<i32>} : memref<32x1024xf32, #tpu.memory_space<vmem>>, vector<16xf32>,
      %get3A_659 = arith.index_cast %scan3A_64 : i32 to index
      %get3A_660 = arith.constant 784 : index
      %get3A_661 = tpu.vector_load %arg12[%get3A_659, %get3A_660] {strides = array<i32>} : memref<32x1024xf32, #tpu.memory_space<vmem>>, vector<16xf32>,
      %mul3A_662 = arith.mulf %get3A_661, %get3A_68 : vector<16xf32>
      %get3A_663 = arith.index_cast %scan3A_64 : i32 to index
      %get3A_664 = arith.constant 784 : index
      %get3A_665 = tpu.vector_load %arg13[%get3A_663, %get3A_664] {strides = array<i32>} : memref<32x1024xf32, #tpu.memory_space<vmem>>, vector<16xf32>,
      %mul3A_666 = arith.mulf %get3A_665, %get3A_71 : vector<16xf32>
      %add3A_667 = arith.addf %mul3A_662, %mul3A_666 : vector<16xf32>
      %swap3A_668 = arith.index_cast %scan3A_64 : i32 to index
      %swap3A_669 = arith.constant 784 : index
      %swap3A_670 = tpu.vector_load %arg13[%swap3A_668, %swap3A_669] {strides = array<i32>} : memref<32x1024xf32, #tpu.memory_space<vmem>>, vector<16xf32>,
      tpu.vector_store %arg13[%swap3A_668, %swap3A_669], %add3A_667 {strides = array<i32>} : memref<32x1024xf32, #tpu.memory_space<vmem>>, vector<16xf32>,
      %get3A_671 = arith.index_cast %scan3A_64 : i32 to index
      %get3A_672 = arith.constant 800 : index
      %get3A_673 = tpu.vector_load %arg12[%get3A_671, %get3A_672] {strides = array<i32>} : memref<32x1024xf32, #tpu.memory_space<vmem>>, vector<16xf32>,
      %mul3A_674 = arith.mulf %get3A_673, %get3A_68 : vector<16xf32>
      %get3A_675 = arith.index_cast %scan3A_64 : i32 to index
      %get3A_676 = arith.constant 800 : index
      %get3A_677 = tpu.vector_load %arg13[%get3A_675, %get3A_676] {strides = array<i32>} : memref<32x1024xf32, #tpu.memory_space<vmem>>, vector<16xf32>,
      %mul3A_678 = arith.mulf %get3A_677, %get3A_71 : vector<16xf32>
      %add3A_679 = arith.addf %mul3A_674, %mul3A_678 : vector<16xf32>
      %swap3A_680 = arith.index_cast %scan3A_64 : i32 to index
      %swap3A_681 = arith.constant 800 : index
      %swap3A_682 = tpu.vector_load %arg13[%swap3A_680, %swap3A_681] {strides = array<i32>} : memref<32x1024xf32, #tpu.memory_space<vmem>>, vector<16xf32>,
      tpu.vector_store %arg13[%swap3A_680, %swap3A_681], %add3A_679 {strides = array<i32>} : memref<32x1024xf32, #tpu.memory_space<vmem>>, vector<16xf32>,
      %get3A_683 = arith.index_cast %scan3A_64 : i32 to index
      %get3A_684 = arith.constant 816 : index
      %get3A_685 = tpu.vector_load %arg12[%get3A_683, %get3A_684] {strides = array<i32>} : memref<32x1024xf32, #tpu.memory_space<vmem>>, vector<16xf32>,
      %mul3A_686 = arith.mulf %get3A_685, %get3A_68 : vector<16xf32>
      %get3A_687 = arith.index_cast %scan3A_64 : i32 to index
      %get3A_688 = arith.constant 816 : index
      %get3A_689 = tpu.vector_load %arg13[%get3A_687, %get3A_688] {strides = array<i32>} : memref<32x1024xf32, #tpu.memory_space<vmem>>, vector<16xf32>,
      %mul3A_690 = arith.mulf %get3A_689, %get3A_71 : vector<16xf32>
      %add3A_691 = arith.addf %mul3A_686, %mul3A_690 : vector<16xf32>
      %swap3A_692 = arith.index_cast %scan3A_64 : i32 to index
      %swap3A_693 = arith.constant 816 : index
      %swap3A_694 = tpu.vector_load %arg13[%swap3A_692, %swap3A_693] {strides = array<i32>} : memref<32x1024xf32, #tpu.memory_space<vmem>>, vector<16xf32>,
      tpu.vector_store %arg13[%swap3A_692, %swap3A_693], %add3A_691 {strides = array<i32>} : memref<32x1024xf32, #tpu.memory_space<vmem>>, vector<16xf32>,
      %get3A_695 = arith.index_cast %scan3A_64 : i32 to index
      %get3A_696 = arith.constant 832 : index
      %get3A_697 = tpu.vector_load %arg12[%get3A_695, %get3A_696] {strides = array<i32>} : memref<32x1024xf32, #tpu.memory_space<vmem>>, vector<16xf32>,
      %mul3A_698 = arith.mulf %get3A_697, %get3A_68 : vector<16xf32>
      %get3A_699 = arith.index_cast %scan3A_64 : i32 to index
      %get3A_700 = arith.constant 832 : index
      %get3A_701 = tpu.vector_load %arg13[%get3A_699, %get3A_700] {strides = array<i32>} : memref<32x1024xf32, #tpu.memory_space<vmem>>, vector<16xf32>,
      %mul3A_702 = arith.mulf %get3A_701, %get3A_71 : vector<16xf32>
      %add3A_703 = arith.addf %mul3A_698, %mul3A_702 : vector<16xf32>
      %swap3A_704 = arith.index_cast %scan3A_64 : i32 to index
      %swap3A_705 = arith.constant 832 : index
      %swap3A_706 = tpu.vector_load %arg13[%swap3A_704, %swap3A_705] {strides = array<i32>} : memref<32x1024xf32, #tpu.memory_space<vmem>>, vector<16xf32>,
      tpu.vector_store %arg13[%swap3A_704, %swap3A_705], %add3A_703 {strides = array<i32>} : memref<32x1024xf32, #tpu.memory_space<vmem>>, vector<16xf32>,
      %get3A_707 = arith.index_cast %scan3A_64 : i32 to index
      %get3A_708 = arith.constant 848 : index
      %get3A_709 = tpu.vector_load %arg12[%get3A_707, %get3A_708] {strides = array<i32>} : memref<32x1024xf32, #tpu.memory_space<vmem>>, vector<16xf32>,
      %mul3A_710 = arith.mulf %get3A_709, %get3A_68 : vector<16xf32>
      %get3A_711 = arith.index_cast %scan3A_64 : i32 to index
      %get3A_712 = arith.constant 848 : index
      %get3A_713 = tpu.vector_load %arg13[%get3A_711, %get3A_712] {strides = array<i32>} : memref<32x1024xf32, #tpu.memory_space<vmem>>, vector<16xf32>,
      %mul3A_714 = arith.mulf %get3A_713, %get3A_71 : vector<16xf32>
      %add3A_715 = arith.addf %mul3A_710, %mul3A_714 : vector<16xf32>
      %swap3A_716 = arith.index_cast %scan3A_64 : i32 to index
      %swap3A_717 = arith.constant 848 : index
      %swap3A_718 = tpu.vector_load %arg13[%swap3A_716, %swap3A_717] {strides = array<i32>} : memref<32x1024xf32, #tpu.memory_space<vmem>>, vector<16xf32>,
      tpu.vector_store %arg13[%swap3A_716, %swap3A_717], %add3A_715 {strides = array<i32>} : memref<32x1024xf32, #tpu.memory_space<vmem>>, vector<16xf32>,
      %get3A_719 = arith.index_cast %scan3A_64 : i32 to index
      %get3A_720 = arith.constant 864 : index
      %get3A_721 = tpu.vector_load %arg12[%get3A_719, %get3A_720] {strides = array<i32>} : memref<32x1024xf32, #tpu.memory_space<vmem>>, vector<16xf32>,
      %mul3A_722 = arith.mulf %get3A_721, %get3A_68 : vector<16xf32>
      %get3A_723 = arith.index_cast %scan3A_64 : i32 to index
      %get3A_724 = arith.constant 864 : index
      %get3A_725 = tpu.vector_load %arg13[%get3A_723, %get3A_724] {strides = array<i32>} : memref<32x1024xf32, #tpu.memory_space<vmem>>, vector<16xf32>,
      %mul3A_726 = arith.mulf %get3A_725, %get3A_71 : vector<16xf32>
      %add3A_727 = arith.addf %mul3A_722, %mul3A_726 : vector<16xf32>
      %swap3A_728 = arith.index_cast %scan3A_64 : i32 to index
      %swap3A_729 = arith.constant 864 : index
      %swap3A_730 = tpu.vector_load %arg13[%swap3A_728, %swap3A_729] {strides = array<i32>} : memref<32x1024xf32, #tpu.memory_space<vmem>>, vector<16xf32>,
      tpu.vector_store %arg13[%swap3A_728, %swap3A_729], %add3A_727 {strides = array<i32>} : memref<32x1024xf32, #tpu.memory_space<vmem>>, vector<16xf32>,
      %get3A_731 = arith.index_cast %scan3A_64 : i32 to index
      %get3A_732 = arith.constant 880 : index
      %get3A_733 = tpu.vector_load %arg12[%get3A_731, %get3A_732] {strides = array<i32>} : memref<32x1024xf32, #tpu.memory_space<vmem>>, vector<16xf32>,
      %mul3A_734 = arith.mulf %get3A_733, %get3A_68 : vector<16xf32>
      %get3A_735 = arith.index_cast %scan3A_64 : i32 to index
      %get3A_736 = arith.constant 880 : index
      %get3A_737 = tpu.vector_load %arg13[%get3A_735, %get3A_736] {strides = array<i32>} : memref<32x1024xf32, #tpu.memory_space<vmem>>, vector<16xf32>,
      %mul3A_738 = arith.mulf %get3A_737, %get3A_71 : vector<16xf32>
      %add3A_739 = arith.addf %mul3A_734, %mul3A_738 : vector<16xf32>
      %swap3A_740 = arith.index_cast %scan3A_64 : i32 to index
      %swap3A_741 = arith.constant 880 : index
      %swap3A_742 = tpu.vector_load %arg13[%swap3A_740, %swap3A_741] {strides = array<i32>} : memref<32x1024xf32, #tpu.memory_space<vmem>>, vector<16xf32>,
      tpu.vector_store %arg13[%swap3A_740, %swap3A_741], %add3A_739 {strides = array<i32>} : memref<32x1024xf32, #tpu.memory_space<vmem>>, vector<16xf32>,
      %get3A_743 = arith.index_cast %scan3A_64 : i32 to index
      %get3A_744 = arith.constant 896 : index
      %get3A_745 = tpu.vector_load %arg12[%get3A_743, %get3A_744] {strides = array<i32>} : memref<32x1024xf32, #tpu.memory_space<vmem>>, vector<16xf32>,
      %mul3A_746 = arith.mulf %get3A_745, %get3A_68 : vector<16xf32>
      %get3A_747 = arith.index_cast %scan3A_64 : i32 to index
      %get3A_748 = arith.constant 896 : index
      %get3A_749 = tpu.vector_load %arg13[%get3A_747, %get3A_748] {strides = array<i32>} : memref<32x1024xf32, #tpu.memory_space<vmem>>, vector<16xf32>,
      %mul3A_750 = arith.mulf %get3A_749, %get3A_71 : vector<16xf32>
      %add3A_751 = arith.addf %mul3A_746, %mul3A_750 : vector<16xf32>
      %swap3A_752 = arith.index_cast %scan3A_64 : i32 to index
      %swap3A_753 = arith.constant 896 : index
      %swap3A_754 = tpu.vector_load %arg13[%swap3A_752, %swap3A_753] {strides = array<i32>} : memref<32x1024xf32, #tpu.memory_space<vmem>>, vector<16xf32>,
      tpu.vector_store %arg13[%swap3A_752, %swap3A_753], %add3A_751 {strides = array<i32>} : memref<32x1024xf32, #tpu.memory_space<vmem>>, vector<16xf32>,
      %get3A_755 = arith.index_cast %scan3A_64 : i32 to index
      %get3A_756 = arith.constant 912 : index
      %get3A_757 = tpu.vector_load %arg12[%get3A_755, %get3A_756] {strides = array<i32>} : memref<32x1024xf32, #tpu.memory_space<vmem>>, vector<16xf32>,
      %mul3A_758 = arith.mulf %get3A_757, %get3A_68 : vector<16xf32>
      %get3A_759 = arith.index_cast %scan3A_64 : i32 to index
      %get3A_760 = arith.constant 912 : index
      %get3A_761 = tpu.vector_load %arg13[%get3A_759, %get3A_760] {strides = array<i32>} : memref<32x1024xf32, #tpu.memory_space<vmem>>, vector<16xf32>,
      %mul3A_762 = arith.mulf %get3A_761, %get3A_71 : vector<16xf32>
      %add3A_763 = arith.addf %mul3A_758, %mul3A_762 : vector<16xf32>
      %swap3A_764 = arith.index_cast %scan3A_64 : i32 to index
      %swap3A_765 = arith.constant 912 : index
      %swap3A_766 = tpu.vector_load %arg13[%swap3A_764, %swap3A_765] {strides = array<i32>} : memref<32x1024xf32, #tpu.memory_space<vmem>>, vector<16xf32>,
      tpu.vector_store %arg13[%swap3A_764, %swap3A_765], %add3A_763 {strides = array<i32>} : memref<32x1024xf32, #tpu.memory_space<vmem>>, vector<16xf32>,
      %get3A_767 = arith.index_cast %scan3A_64 : i32 to index
      %get3A_768 = arith.constant 928 : index
      %get3A_769 = tpu.vector_load %arg12[%get3A_767, %get3A_768] {strides = array<i32>} : memref<32x1024xf32, #tpu.memory_space<vmem>>, vector<16xf32>,
      %mul3A_770 = arith.mulf %get3A_769, %get3A_68 : vector<16xf32>
      %get3A_771 = arith.index_cast %scan3A_64 : i32 to index
      %get3A_772 = arith.constant 928 : index
      %get3A_773 = tpu.vector_load %arg13[%get3A_771, %get3A_772] {strides = array<i32>} : memref<32x1024xf32, #tpu.memory_space<vmem>>, vector<16xf32>,
      %mul3A_774 = arith.mulf %get3A_773, %get3A_71 : vector<16xf32>
      %add3A_775 = arith.addf %mul3A_770, %mul3A_774 : vector<16xf32>
      %swap3A_776 = arith.index_cast %scan3A_64 : i32 to index
      %swap3A_777 = arith.constant 928 : index
      %swap3A_778 = tpu.vector_load %arg13[%swap3A_776, %swap3A_777] {strides = array<i32>} : memref<32x1024xf32, #tpu.memory_space<vmem>>, vector<16xf32>,
      tpu.vector_store %arg13[%swap3A_776, %swap3A_777], %add3A_775 {strides = array<i32>} : memref<32x1024xf32, #tpu.memory_space<vmem>>, vector<16xf32>,
      %get3A_779 = arith.index_cast %scan3A_64 : i32 to index
      %get3A_780 = arith.constant 944 : index
      %get3A_781 = tpu.vector_load %arg12[%get3A_779, %get3A_780] {strides = array<i32>} : memref<32x1024xf32, #tpu.memory_space<vmem>>, vector<16xf32>,
      %mul3A_782 = arith.mulf %get3A_781, %get3A_68 : vector<16xf32>
      %get3A_783 = arith.index_cast %scan3A_64 : i32 to index
      %get3A_784 = arith.constant 944 : index
      %get3A_785 = tpu.vector_load %arg13[%get3A_783, %get3A_784] {strides = array<i32>} : memref<32x1024xf32, #tpu.memory_space<vmem>>, vector<16xf32>,
      %mul3A_786 = arith.mulf %get3A_785, %get3A_71 : vector<16xf32>
      %add3A_787 = arith.addf %mul3A_782, %mul3A_786 : vector<16xf32>
      %swap3A_788 = arith.index_cast %scan3A_64 : i32 to index
      %swap3A_789 = arith.constant 944 : index
      %swap3A_790 = tpu.vector_load %arg13[%swap3A_788, %swap3A_789] {strides = array<i32>} : memref<32x1024xf32, #tpu.memory_space<vmem>>, vector<16xf32>,
      tpu.vector_store %arg13[%swap3A_788, %swap3A_789], %add3A_787 {strides = array<i32>} : memref<32x1024xf32, #tpu.memory_space<vmem>>, vector<16xf32>,
      %get3A_791 = arith.index_cast %scan3A_64 : i32 to index
      %get3A_792 = arith.constant 960 : index
      %get3A_793 = tpu.vector_load %arg12[%get3A_791, %get3A_792] {strides = array<i32>} : memref<32x1024xf32, #tpu.memory_space<vmem>>, vector<16xf32>,
      %mul3A_794 = arith.mulf %get3A_793, %get3A_68 : vector<16xf32>
      %get3A_795 = arith.index_cast %scan3A_64 : i32 to index
      %get3A_796 = arith.constant 960 : index
      %get3A_797 = tpu.vector_load %arg13[%get3A_795, %get3A_796] {strides = array<i32>} : memref<32x1024xf32, #tpu.memory_space<vmem>>, vector<16xf32>,
      %mul3A_798 = arith.mulf %get3A_797, %get3A_71 : vector<16xf32>
      %add3A_799 = arith.addf %mul3A_794, %mul3A_798 : vector<16xf32>
      %swap3A_800 = arith.index_cast %scan3A_64 : i32 to index
      %swap3A_801 = arith.constant 960 : index
      %swap3A_802 = tpu.vector_load %arg13[%swap3A_800, %swap3A_801] {strides = array<i32>} : memref<32x1024xf32, #tpu.memory_space<vmem>>, vector<16xf32>,
      tpu.vector_store %arg13[%swap3A_800, %swap3A_801], %add3A_799 {strides = array<i32>} : memref<32x1024xf32, #tpu.memory_space<vmem>>, vector<16xf32>,
      %get3A_803 = arith.index_cast %scan3A_64 : i32 to index
      %get3A_804 = arith.constant 976 : index
      %get3A_805 = tpu.vector_load %arg12[%get3A_803, %get3A_804] {strides = array<i32>} : memref<32x1024xf32, #tpu.memory_space<vmem>>, vector<16xf32>,
      %mul3A_806 = arith.mulf %get3A_805, %get3A_68 : vector<16xf32>
      %get3A_807 = arith.index_cast %scan3A_64 : i32 to index
      %get3A_808 = arith.constant 976 : index
      %get3A_809 = tpu.vector_load %arg13[%get3A_807, %get3A_808] {strides = array<i32>} : memref<32x1024xf32, #tpu.memory_space<vmem>>, vector<16xf32>,
      %mul3A_810 = arith.mulf %get3A_809, %get3A_71 : vector<16xf32>
      %add3A_811 = arith.addf %mul3A_806, %mul3A_810 : vector<16xf32>
      %swap3A_812 = arith.index_cast %scan3A_64 : i32 to index
      %swap3A_813 = arith.constant 976 : index
      %swap3A_814 = tpu.vector_load %arg13[%swap3A_812, %swap3A_813] {strides = array<i32>} : memref<32x1024xf32, #tpu.memory_space<vmem>>, vector<16xf32>,
      tpu.vector_store %arg13[%swap3A_812, %swap3A_813], %add3A_811 {strides = array<i32>} : memref<32x1024xf32, #tpu.memory_space<vmem>>, vector<16xf32>,
      %get3A_815 = arith.index_cast %scan3A_64 : i32 to index
      %get3A_816 = arith.constant 992 : index
      %get3A_817 = tpu.vector_load %arg12[%get3A_815, %get3A_816] {strides = array<i32>} : memref<32x1024xf32, #tpu.memory_space<vmem>>, vector<16xf32>,
      %mul3A_818 = arith.mulf %get3A_817, %get3A_68 : vector<16xf32>
      %get3A_819 = arith.index_cast %scan3A_64 : i32 to index
      %get3A_820 = arith.constant 992 : index
      %get3A_821 = tpu.vector_load %arg13[%get3A_819, %get3A_820] {strides = array<i32>} : memref<32x1024xf32, #tpu.memory_space<vmem>>, vector<16xf32>,
      %mul3A_822 = arith.mulf %get3A_821, %get3A_71 : vector<16xf32>
      %add3A_823 = arith.addf %mul3A_818, %mul3A_822 : vector<16xf32>
      %swap3A_824 = arith.index_cast %scan3A_64 : i32 to index
      %swap3A_825 = arith.constant 992 : index
      %swap3A_826 = tpu.vector_load %arg13[%swap3A_824, %swap3A_825] {strides = array<i32>} : memref<32x1024xf32, #tpu.memory_space<vmem>>, vector<16xf32>,
      tpu.vector_store %arg13[%swap3A_824, %swap3A_825], %add3A_823 {strides = array<i32>} : memref<32x1024xf32, #tpu.memory_space<vmem>>, vector<16xf32>,
      %get3A_827 = arith.index_cast %scan3A_64 : i32 to index
      %get3A_828 = arith.constant 1008 : index
      %get3A_829 = tpu.vector_load %arg12[%get3A_827, %get3A_828] {strides = array<i32>} : memref<32x1024xf32, #tpu.memory_space<vmem>>, vector<16xf32>,
      %mul3A_830 = arith.mulf %get3A_829, %get3A_68 : vector<16xf32>
      %get3A_831 = arith.index_cast %scan3A_64 : i32 to index
      %get3A_832 = arith.constant 1008 : index
      %get3A_833 = tpu.vector_load %arg13[%get3A_831, %get3A_832] {strides = array<i32>} : memref<32x1024xf32, #tpu.memory_space<vmem>>, vector<16xf32>,
      %mul3A_834 = arith.mulf %get3A_833, %get3A_71 : vector<16xf32>
      %add3A_835 = arith.addf %mul3A_830, %mul3A_834 : vector<16xf32>
      %swap3A_836 = arith.index_cast %scan3A_64 : i32 to index
      %swap3A_837 = arith.constant 1008 : index
      %swap3A_838 = tpu.vector_load %arg13[%swap3A_836, %swap3A_837] {strides = array<i32>} : memref<32x1024xf32, #tpu.memory_space<vmem>>, vector<16xf32>,
      tpu.vector_store %arg13[%swap3A_836, %swap3A_837], %add3A_835 {strides = array<i32>} : memref<32x1024xf32, #tpu.memory_space<vmem>>, vector<16xf32>,
    }
    %scan3A_33 = arith.constant 32 : i32
    %add3A_34 = arith.constant 0 : i32
    %add3A_35 = arith.addi %mul3A_2, %add3A_34 : i32
    "tpu.region"() ({
      %run_scoped3A = tpu.sem_alloc : memref<!tpu.dma_semaphore, #tpu.memory_space<semaphore_mem>>
      %dma_start3A_64 = arith.constant 0 : i32
      %dma_start3A_65 = tpu.memref_slice %arg7[%add3A_35, %dma_start3A_64] : memref<2048x1024xf32, #tpu.memory_space<hbm>> -> memref<32x1024xf32, #tpu.memory_space<hbm>>
      %dma_start3A_66 = arith.constant 0 : i32
      %dma_start3A_67 = tpu.memref_slice %arg7[%add3A_35, %dma_start3A_66] : memref<2048x1024xf32, #tpu.memory_space<hbm>> -> memref<32x1024xf32, #tpu.memory_space<hbm>>
      tpu.enqueue_dma source(%arg13 : memref<32x1024xf32, #tpu.memory_space<vmem>>) target(%dma_start3A_67 : memref<32x1024xf32, #tpu.memory_space<hbm>>) target_semaphore(%run_scoped3A : memref<!tpu.dma_semaphore, #tpu.memory_space<semaphore_mem>>)
      %dma_wait3A_68 = arith.constant 0 : i32
      %dma_wait3A_69 = tpu.memref_slice %arg7[%add3A_35, %dma_wait3A_68] : memref<2048x1024xf32, #tpu.memory_space<hbm>> -> memref<32x1024xf32, #tpu.memory_space<hbm>>
      %dma_wait3A_70 = arith.constant 0 : i32
      %dma_wait3A_71 = tpu.memref_slice %arg7[%add3A_35, %dma_wait3A_70] : memref<2048x1024xf32, #tpu.memory_space<hbm>> -> memref<32x1024xf32, #tpu.memory_space<hbm>>
      tpu.wait_dma2 semaphore(%run_scoped3A : memref<!tpu.dma_semaphore, #tpu.memory_space<semaphore_mem>>) src(%arg13 : memref<32x1024xf32, #tpu.memory_space<vmem>>) dst(%dma_wait3A_71 : memref<32x1024xf32, #tpu.memory_space<hbm>>)
      tpu.yield
    }) : () -> ()
    %dma_start3A_36 = arith.constant 32 : i32
    %dma_start3A_37 = tpu.memref_slice %arg8[%dma_start3A_36] : memref<64xi32, #tpu.memory_space<vmem>> -> memref<32xi32, #tpu.memory_space<vmem>>
    %dma_start3A_38 = arith.constant 0 : i32
    %dma_start3A_39 = arith.constant 0 : i32
    %dma_start3A_40 = tpu.memref_slice %arg6[%dma_start3A_38, %dma_start3A_39] : memref<6144x1024xf32, #tpu.memory_space<hbm>> -> memref<6144x1024xf32, #tpu.memory_space<hbm>>
    tpu.enqueue_indirect_dma source(%dma_start3A_40 : memref<6144x1024xf32, #tpu.memory_space<hbm>>) target(%arg12 : memref<32x1024xf32, #tpu.memory_space<vmem>>) offsets(%dma_start3A_37 : memref<32xi32, #tpu.memory_space<vmem>>) semaphore(%arg14 : memref<!tpu.dma_semaphore, #tpu.memory_space<semaphore_mem>>)
    %dma_wait3A_41 = arith.constant 32 : i32
    %dma_wait3A_42 = tpu.memref_slice %arg8[%dma_wait3A_41] : memref<64xi32, #tpu.memory_space<vmem>> -> memref<32xi32, #tpu.memory_space<vmem>>
    %dma_wait3A_43 = arith.constant 0 : i32
    %dma_wait3A_44 = arith.constant 0 : i32
    %dma_wait3A_45 = tpu.memref_slice %arg6[%dma_wait3A_43, %dma_wait3A_44] : memref<6144x1024xf32, #tpu.memory_space<hbm>> -> memref<6144x1024xf32, #tpu.memory_space<hbm>>
    tpu.wait_indirect_dma semaphore(%arg14 : memref<!tpu.dma_semaphore, #tpu.memory_space<semaphore_mem>>) src(%dma_wait3A_45 : memref<6144x1024xf32, #tpu.memory_space<hbm>>) dst(%arg12 : memref<32x1024xf32, #tpu.memory_space<vmem>>)
    %dma_start3A_46 = arith.constant 32 : i32
    %dma_start3A_47 = tpu.memref_slice %arg9[%dma_start3A_46] : memref<64xi32, #tpu.memory_space<vmem>> -> memref<32xi32, #tpu.memory_space<vmem>>
    %dma_start3A_48 = arith.constant 0 : i32
    %dma_start3A_49 = arith.constant 0 : i32
    %dma_start3A_50 = tpu.memref_slice %arg6[%dma_start3A_48, %dma_start3A_49] : memref<6144x1024xf32, #tpu.memory_space<hbm>> -> memref<6144x1024xf32, #tpu.memory_space<hbm>>
    tpu.enqueue_indirect_dma source(%dma_start3A_50 : memref<6144x1024xf32, #tpu.memory_space<hbm>>) target(%arg13 : memref<32x1024xf32, #tpu.memory_space<vmem>>) offsets(%dma_start3A_47 : memref<32xi32, #tpu.memory_space<vmem>>) semaphore(%arg15 : memref<!tpu.dma_semaphore, #tpu.memory_space<semaphore_mem>>)
    %dma_wait3A_51 = arith.constant 32 : i32
    %dma_wait3A_52 = tpu.memref_slice %arg9[%dma_wait3A_51] : memref<64xi32, #tpu.memory_space<vmem>> -> memref<32xi32, #tpu.memory_space<vmem>>
    %dma_wait3A_53 = arith.constant 0 : i32
    %dma_wait3A_54 = arith.constant 0 : i32
    %dma_wait3A_55 = tpu.memref_slice %arg6[%dma_wait3A_53, %dma_wait3A_54] : memref<6144x1024xf32, #tpu.memory_space<hbm>> -> memref<6144x1024xf32, #tpu.memory_space<hbm>>
    tpu.wait_indirect_dma semaphore(%arg15 : memref<!tpu.dma_semaphore, #tpu.memory_space<semaphore_mem>>) src(%dma_wait3A_55 : memref<6144x1024xf32, #tpu.memory_space<hbm>>) dst(%arg13 : memref<32x1024xf32, #tpu.memory_space<vmem>>)
    %scan3A_56 = arith.constant 0 : i32
    %scan3A_57 = arith.constant 0 : i32
    %scan3A_58 = arith.constant 32 : i32
    %scan3A_59 = arith.addi %scan3A_57, %scan3A_58 : i32
    %scan3A_60 = arith.constant 1 : i32
    scf.for %scan3A_64 = %scan3A_57 to %scan3A_59 step %scan3A_60  : i32 {
      %add3A_65 = arith.constant 32 : i32
      %add3A_66 = arith.addi %add3A_65, %scan3A_64 : i32
      %get3A = arith.index_cast %add3A_66 : i32 to index
      %get3A_67 = arith.constant 0 : index
      %get3A_68 = tpu.vector_load %arg10[%get3A, %get3A_67] {strides = array<i32>} : memref<64x16xf32, #tpu.memory_space<vmem>>, vector<16xf32>,
      %get3A_69 = arith.index_cast %add3A_66 : i32 to index
      %get3A_70 = arith.constant 0 : index
      %get3A_71 = tpu.vector_load %arg11[%get3A_69, %get3A_70] {strides = array<i32>} : memref<64x16xf32, #tpu.memory_space<vmem>>, vector<16xf32>,
      %get3A_72 = arith.index_cast %scan3A_64 : i32 to index
      %get3A_73 = arith.constant 0 : index
      %get3A_74 = tpu.vector_load %arg12[%get3A_72, %get3A_73] {strides = array<i32>} : memref<32x1024xf32, #tpu.memory_space<vmem>>, vector<16xf32>,
      %mul3A_75 = arith.mulf %get3A_74, %get3A_68 : vector<16xf32>
      %get3A_76 = arith.index_cast %scan3A_64 : i32 to index
      %get3A_77 = arith.constant 0 : index
      %get3A_78 = tpu.vector_load %arg13[%get3A_76, %get3A_77] {strides = array<i32>} : memref<32x1024xf32, #tpu.memory_space<vmem>>, vector<16xf32>,
      %mul3A_79 = arith.mulf %get3A_78, %get3A_71 : vector<16xf32>
      %add3A_80 = arith.addf %mul3A_75, %mul3A_79 : vector<16xf32>
      %swap3A = arith.index_cast %scan3A_64 : i32 to index
      %swap3A_81 = arith.constant 0 : index
      %swap3A_82 = tpu.vector_load %arg13[%swap3A, %swap3A_81] {strides = array<i32>} : memref<32x1024xf32, #tpu.memory_space<vmem>>, vector<16xf32>,
      tpu.vector_store %arg13[%swap3A, %swap3A_81], %add3A_80 {strides = array<i32>} : memref<32x1024xf32, #tpu.memory_space<vmem>>, vector<16xf32>,
      %get3A_83 = arith.index_cast %scan3A_64 : i32 to index
      %get3A_84 = arith.constant 16 : index
      %get3A_85 = tpu.vector_load %arg12[%get3A_83, %get3A_84] {strides = array<i32>} : memref<32x1024xf32, #tpu.memory_space<vmem>>, vector<16xf32>,
      %mul3A_86 = arith.mulf %get3A_85, %get3A_68 : vector<16xf32>
      %get3A_87 = arith.index_cast %scan3A_64 : i32 to index
      %get3A_88 = arith.constant 16 : index
      %get3A_89 = tpu.vector_load %arg13[%get3A_87, %get3A_88] {strides = array<i32>} : memref<32x1024xf32, #tpu.memory_space<vmem>>, vector<16xf32>,
      %mul3A_90 = arith.mulf %get3A_89, %get3A_71 : vector<16xf32>
      %add3A_91 = arith.addf %mul3A_86, %mul3A_90 : vector<16xf32>
      %swap3A_92 = arith.index_cast %scan3A_64 : i32 to index
      %swap3A_93 = arith.constant 16 : index
      %swap3A_94 = tpu.vector_load %arg13[%swap3A_92, %swap3A_93] {strides = array<i32>} : memref<32x1024xf32, #tpu.memory_space<vmem>>, vector<16xf32>,
      tpu.vector_store %arg13[%swap3A_92, %swap3A_93], %add3A_91 {strides = array<i32>} : memref<32x1024xf32, #tpu.memory_space<vmem>>, vector<16xf32>,
      %get3A_95 = arith.index_cast %scan3A_64 : i32 to index
      %get3A_96 = arith.constant 32 : index
      %get3A_97 = tpu.vector_load %arg12[%get3A_95, %get3A_96] {strides = array<i32>} : memref<32x1024xf32, #tpu.memory_space<vmem>>, vector<16xf32>,
      %mul3A_98 = arith.mulf %get3A_97, %get3A_68 : vector<16xf32>
      %get3A_99 = arith.index_cast %scan3A_64 : i32 to index
      %get3A_100 = arith.constant 32 : index
      %get3A_101 = tpu.vector_load %arg13[%get3A_99, %get3A_100] {strides = array<i32>} : memref<32x1024xf32, #tpu.memory_space<vmem>>, vector<16xf32>,
      %mul3A_102 = arith.mulf %get3A_101, %get3A_71 : vector<16xf32>
      %add3A_103 = arith.addf %mul3A_98, %mul3A_102 : vector<16xf32>
      %swap3A_104 = arith.index_cast %scan3A_64 : i32 to index
      %swap3A_105 = arith.constant 32 : index
      %swap3A_106 = tpu.vector_load %arg13[%swap3A_104, %swap3A_105] {strides = array<i32>} : memref<32x1024xf32, #tpu.memory_space<vmem>>, vector<16xf32>,
      tpu.vector_store %arg13[%swap3A_104, %swap3A_105], %add3A_103 {strides = array<i32>} : memref<32x1024xf32, #tpu.memory_space<vmem>>, vector<16xf32>,
      %get3A_107 = arith.index_cast %scan3A_64 : i32 to index
      %get3A_108 = arith.constant 48 : index
      %get3A_109 = tpu.vector_load %arg12[%get3A_107, %get3A_108] {strides = array<i32>} : memref<32x1024xf32, #tpu.memory_space<vmem>>, vector<16xf32>,
      %mul3A_110 = arith.mulf %get3A_109, %get3A_68 : vector<16xf32>
      %get3A_111 = arith.index_cast %scan3A_64 : i32 to index
      %get3A_112 = arith.constant 48 : index
      %get3A_113 = tpu.vector_load %arg13[%get3A_111, %get3A_112] {strides = array<i32>} : memref<32x1024xf32, #tpu.memory_space<vmem>>, vector<16xf32>,
      %mul3A_114 = arith.mulf %get3A_113, %get3A_71 : vector<16xf32>
      %add3A_115 = arith.addf %mul3A_110, %mul3A_114 : vector<16xf32>
      %swap3A_116 = arith.index_cast %scan3A_64 : i32 to index
      %swap3A_117 = arith.constant 48 : index
      %swap3A_118 = tpu.vector_load %arg13[%swap3A_116, %swap3A_117] {strides = array<i32>} : memref<32x1024xf32, #tpu.memory_space<vmem>>, vector<16xf32>,
      tpu.vector_store %arg13[%swap3A_116, %swap3A_117], %add3A_115 {strides = array<i32>} : memref<32x1024xf32, #tpu.memory_space<vmem>>, vector<16xf32>,
      %get3A_119 = arith.index_cast %scan3A_64 : i32 to index
      %get3A_120 = arith.constant 64 : index
      %get3A_121 = tpu.vector_load %arg12[%get3A_119, %get3A_120] {strides = array<i32>} : memref<32x1024xf32, #tpu.memory_space<vmem>>, vector<16xf32>,
      %mul3A_122 = arith.mulf %get3A_121, %get3A_68 : vector<16xf32>
      %get3A_123 = arith.index_cast %scan3A_64 : i32 to index
      %get3A_124 = arith.constant 64 : index
      %get3A_125 = tpu.vector_load %arg13[%get3A_123, %get3A_124] {strides = array<i32>} : memref<32x1024xf32, #tpu.memory_space<vmem>>, vector<16xf32>,
      %mul3A_126 = arith.mulf %get3A_125, %get3A_71 : vector<16xf32>
      %add3A_127 = arith.addf %mul3A_122, %mul3A_126 : vector<16xf32>
      %swap3A_128 = arith.index_cast %scan3A_64 : i32 to index
      %swap3A_129 = arith.constant 64 : index
      %swap3A_130 = tpu.vector_load %arg13[%swap3A_128, %swap3A_129] {strides = array<i32>} : memref<32x1024xf32, #tpu.memory_space<vmem>>, vector<16xf32>,
      tpu.vector_store %arg13[%swap3A_128, %swap3A_129], %add3A_127 {strides = array<i32>} : memref<32x1024xf32, #tpu.memory_space<vmem>>, vector<16xf32>,
      %get3A_131 = arith.index_cast %scan3A_64 : i32 to index
      %get3A_132 = arith.constant 80 : index
      %get3A_133 = tpu.vector_load %arg12[%get3A_131, %get3A_132] {strides = array<i32>} : memref<32x1024xf32, #tpu.memory_space<vmem>>, vector<16xf32>,
      %mul3A_134 = arith.mulf %get3A_133, %get3A_68 : vector<16xf32>
      %get3A_135 = arith.index_cast %scan3A_64 : i32 to index
      %get3A_136 = arith.constant 80 : index
      %get3A_137 = tpu.vector_load %arg13[%get3A_135, %get3A_136] {strides = array<i32>} : memref<32x1024xf32, #tpu.memory_space<vmem>>, vector<16xf32>,
      %mul3A_138 = arith.mulf %get3A_137, %get3A_71 : vector<16xf32>
      %add3A_139 = arith.addf %mul3A_134, %mul3A_138 : vector<16xf32>
      %swap3A_140 = arith.index_cast %scan3A_64 : i32 to index
      %swap3A_141 = arith.constant 80 : index
      %swap3A_142 = tpu.vector_load %arg13[%swap3A_140, %swap3A_141] {strides = array<i32>} : memref<32x1024xf32, #tpu.memory_space<vmem>>, vector<16xf32>,
      tpu.vector_store %arg13[%swap3A_140, %swap3A_141], %add3A_139 {strides = array<i32>} : memref<32x1024xf32, #tpu.memory_space<vmem>>, vector<16xf32>,
      %get3A_143 = arith.index_cast %scan3A_64 : i32 to index
      %get3A_144 = arith.constant 96 : index
      %get3A_145 = tpu.vector_load %arg12[%get3A_143, %get3A_144] {strides = array<i32>} : memref<32x1024xf32, #tpu.memory_space<vmem>>, vector<16xf32>,
      %mul3A_146 = arith.mulf %get3A_145, %get3A_68 : vector<16xf32>
      %get3A_147 = arith.index_cast %scan3A_64 : i32 to index
      %get3A_148 = arith.constant 96 : index
      %get3A_149 = tpu.vector_load %arg13[%get3A_147, %get3A_148] {strides = array<i32>} : memref<32x1024xf32, #tpu.memory_space<vmem>>, vector<16xf32>,
      %mul3A_150 = arith.mulf %get3A_149, %get3A_71 : vector<16xf32>
      %add3A_151 = arith.addf %mul3A_146, %mul3A_150 : vector<16xf32>
      %swap3A_152 = arith.index_cast %scan3A_64 : i32 to index
      %swap3A_153 = arith.constant 96 : index
      %swap3A_154 = tpu.vector_load %arg13[%swap3A_152, %swap3A_153] {strides = array<i32>} : memref<32x1024xf32, #tpu.memory_space<vmem>>, vector<16xf32>,
      tpu.vector_store %arg13[%swap3A_152, %swap3A_153], %add3A_151 {strides = array<i32>} : memref<32x1024xf32, #tpu.memory_space<vmem>>, vector<16xf32>,
      %get3A_155 = arith.index_cast %scan3A_64 : i32 to index
      %get3A_156 = arith.constant 112 : index
      %get3A_157 = tpu.vector_load %arg12[%get3A_155, %get3A_156] {strides = array<i32>} : memref<32x1024xf32, #tpu.memory_space<vmem>>, vector<16xf32>,
      %mul3A_158 = arith.mulf %get3A_157, %get3A_68 : vector<16xf32>
      %get3A_159 = arith.index_cast %scan3A_64 : i32 to index
      %get3A_160 = arith.constant 112 : index
      %get3A_161 = tpu.vector_load %arg13[%get3A_159, %get3A_160] {strides = array<i32>} : memref<32x1024xf32, #tpu.memory_space<vmem>>, vector<16xf32>,
      %mul3A_162 = arith.mulf %get3A_161, %get3A_71 : vector<16xf32>
      %add3A_163 = arith.addf %mul3A_158, %mul3A_162 : vector<16xf32>
      %swap3A_164 = arith.index_cast %scan3A_64 : i32 to index
      %swap3A_165 = arith.constant 112 : index
      %swap3A_166 = tpu.vector_load %arg13[%swap3A_164, %swap3A_165] {strides = array<i32>} : memref<32x1024xf32, #tpu.memory_space<vmem>>, vector<16xf32>,
      tpu.vector_store %arg13[%swap3A_164, %swap3A_165], %add3A_163 {strides = array<i32>} : memref<32x1024xf32, #tpu.memory_space<vmem>>, vector<16xf32>,
      %get3A_167 = arith.index_cast %scan3A_64 : i32 to index
      %get3A_168 = arith.constant 128 : index
      %get3A_169 = tpu.vector_load %arg12[%get3A_167, %get3A_168] {strides = array<i32>} : memref<32x1024xf32, #tpu.memory_space<vmem>>, vector<16xf32>,
      %mul3A_170 = arith.mulf %get3A_169, %get3A_68 : vector<16xf32>
      %get3A_171 = arith.index_cast %scan3A_64 : i32 to index
      %get3A_172 = arith.constant 128 : index
      %get3A_173 = tpu.vector_load %arg13[%get3A_171, %get3A_172] {strides = array<i32>} : memref<32x1024xf32, #tpu.memory_space<vmem>>, vector<16xf32>,
      %mul3A_174 = arith.mulf %get3A_173, %get3A_71 : vector<16xf32>
      %add3A_175 = arith.addf %mul3A_170, %mul3A_174 : vector<16xf32>
      %swap3A_176 = arith.index_cast %scan3A_64 : i32 to index
      %swap3A_177 = arith.constant 128 : index
      %swap3A_178 = tpu.vector_load %arg13[%swap3A_176, %swap3A_177] {strides = array<i32>} : memref<32x1024xf32, #tpu.memory_space<vmem>>, vector<16xf32>,
      tpu.vector_store %arg13[%swap3A_176, %swap3A_177], %add3A_175 {strides = array<i32>} : memref<32x1024xf32, #tpu.memory_space<vmem>>, vector<16xf32>,
      %get3A_179 = arith.index_cast %scan3A_64 : i32 to index
      %get3A_180 = arith.constant 144 : index
      %get3A_181 = tpu.vector_load %arg12[%get3A_179, %get3A_180] {strides = array<i32>} : memref<32x1024xf32, #tpu.memory_space<vmem>>, vector<16xf32>,
      %mul3A_182 = arith.mulf %get3A_181, %get3A_68 : vector<16xf32>
      %get3A_183 = arith.index_cast %scan3A_64 : i32 to index
      %get3A_184 = arith.constant 144 : index
      %get3A_185 = tpu.vector_load %arg13[%get3A_183, %get3A_184] {strides = array<i32>} : memref<32x1024xf32, #tpu.memory_space<vmem>>, vector<16xf32>,
      %mul3A_186 = arith.mulf %get3A_185, %get3A_71 : vector<16xf32>
      %add3A_187 = arith.addf %mul3A_182, %mul3A_186 : vector<16xf32>
      %swap3A_188 = arith.index_cast %scan3A_64 : i32 to index
      %swap3A_189 = arith.constant 144 : index
      %swap3A_190 = tpu.vector_load %arg13[%swap3A_188, %swap3A_189] {strides = array<i32>} : memref<32x1024xf32, #tpu.memory_space<vmem>>, vector<16xf32>,
      tpu.vector_store %arg13[%swap3A_188, %swap3A_189], %add3A_187 {strides = array<i32>} : memref<32x1024xf32, #tpu.memory_space<vmem>>, vector<16xf32>,
      %get3A_191 = arith.index_cast %scan3A_64 : i32 to index
      %get3A_192 = arith.constant 160 : index
      %get3A_193 = tpu.vector_load %arg12[%get3A_191, %get3A_192] {strides = array<i32>} : memref<32x1024xf32, #tpu.memory_space<vmem>>, vector<16xf32>,
      %mul3A_194 = arith.mulf %get3A_193, %get3A_68 : vector<16xf32>
      %get3A_195 = arith.index_cast %scan3A_64 : i32 to index
      %get3A_196 = arith.constant 160 : index
      %get3A_197 = tpu.vector_load %arg13[%get3A_195, %get3A_196] {strides = array<i32>} : memref<32x1024xf32, #tpu.memory_space<vmem>>, vector<16xf32>,
      %mul3A_198 = arith.mulf %get3A_197, %get3A_71 : vector<16xf32>
      %add3A_199 = arith.addf %mul3A_194, %mul3A_198 : vector<16xf32>
      %swap3A_200 = arith.index_cast %scan3A_64 : i32 to index
      %swap3A_201 = arith.constant 160 : index
      %swap3A_202 = tpu.vector_load %arg13[%swap3A_200, %swap3A_201] {strides = array<i32>} : memref<32x1024xf32, #tpu.memory_space<vmem>>, vector<16xf32>,
      tpu.vector_store %arg13[%swap3A_200, %swap3A_201], %add3A_199 {strides = array<i32>} : memref<32x1024xf32, #tpu.memory_space<vmem>>, vector<16xf32>,
      %get3A_203 = arith.index_cast %scan3A_64 : i32 to index
      %get3A_204 = arith.constant 176 : index
      %get3A_205 = tpu.vector_load %arg12[%get3A_203, %get3A_204] {strides = array<i32>} : memref<32x1024xf32, #tpu.memory_space<vmem>>, vector<16xf32>,
      %mul3A_206 = arith.mulf %get3A_205, %get3A_68 : vector<16xf32>
      %get3A_207 = arith.index_cast %scan3A_64 : i32 to index
      %get3A_208 = arith.constant 176 : index
      %get3A_209 = tpu.vector_load %arg13[%get3A_207, %get3A_208] {strides = array<i32>} : memref<32x1024xf32, #tpu.memory_space<vmem>>, vector<16xf32>,
      %mul3A_210 = arith.mulf %get3A_209, %get3A_71 : vector<16xf32>
      %add3A_211 = arith.addf %mul3A_206, %mul3A_210 : vector<16xf32>
      %swap3A_212 = arith.index_cast %scan3A_64 : i32 to index
      %swap3A_213 = arith.constant 176 : index
      %swap3A_214 = tpu.vector_load %arg13[%swap3A_212, %swap3A_213] {strides = array<i32>} : memref<32x1024xf32, #tpu.memory_space<vmem>>, vector<16xf32>,
      tpu.vector_store %arg13[%swap3A_212, %swap3A_213], %add3A_211 {strides = array<i32>} : memref<32x1024xf32, #tpu.memory_space<vmem>>, vector<16xf32>,
      %get3A_215 = arith.index_cast %scan3A_64 : i32 to index
      %get3A_216 = arith.constant 192 : index
      %get3A_217 = tpu.vector_load %arg12[%get3A_215, %get3A_216] {strides = array<i32>} : memref<32x1024xf32, #tpu.memory_space<vmem>>, vector<16xf32>,
      %mul3A_218 = arith.mulf %get3A_217, %get3A_68 : vector<16xf32>
      %get3A_219 = arith.index_cast %scan3A_64 : i32 to index
      %get3A_220 = arith.constant 192 : index
      %get3A_221 = tpu.vector_load %arg13[%get3A_219, %get3A_220] {strides = array<i32>} : memref<32x1024xf32, #tpu.memory_space<vmem>>, vector<16xf32>,
      %mul3A_222 = arith.mulf %get3A_221, %get3A_71 : vector<16xf32>
      %add3A_223 = arith.addf %mul3A_218, %mul3A_222 : vector<16xf32>
      %swap3A_224 = arith.index_cast %scan3A_64 : i32 to index
      %swap3A_225 = arith.constant 192 : index
      %swap3A_226 = tpu.vector_load %arg13[%swap3A_224, %swap3A_225] {strides = array<i32>} : memref<32x1024xf32, #tpu.memory_space<vmem>>, vector<16xf32>,
      tpu.vector_store %arg13[%swap3A_224, %swap3A_225], %add3A_223 {strides = array<i32>} : memref<32x1024xf32, #tpu.memory_space<vmem>>, vector<16xf32>,
      %get3A_227 = arith.index_cast %scan3A_64 : i32 to index
      %get3A_228 = arith.constant 208 : index
      %get3A_229 = tpu.vector_load %arg12[%get3A_227, %get3A_228] {strides = array<i32>} : memref<32x1024xf32, #tpu.memory_space<vmem>>, vector<16xf32>,
      %mul3A_230 = arith.mulf %get3A_229, %get3A_68 : vector<16xf32>
      %get3A_231 = arith.index_cast %scan3A_64 : i32 to index
      %get3A_232 = arith.constant 208 : index
      %get3A_233 = tpu.vector_load %arg13[%get3A_231, %get3A_232] {strides = array<i32>} : memref<32x1024xf32, #tpu.memory_space<vmem>>, vector<16xf32>,
      %mul3A_234 = arith.mulf %get3A_233, %get3A_71 : vector<16xf32>
      %add3A_235 = arith.addf %mul3A_230, %mul3A_234 : vector<16xf32>
      %swap3A_236 = arith.index_cast %scan3A_64 : i32 to index
      %swap3A_237 = arith.constant 208 : index
      %swap3A_238 = tpu.vector_load %arg13[%swap3A_236, %swap3A_237] {strides = array<i32>} : memref<32x1024xf32, #tpu.memory_space<vmem>>, vector<16xf32>,
      tpu.vector_store %arg13[%swap3A_236, %swap3A_237], %add3A_235 {strides = array<i32>} : memref<32x1024xf32, #tpu.memory_space<vmem>>, vector<16xf32>,
      %get3A_239 = arith.index_cast %scan3A_64 : i32 to index
      %get3A_240 = arith.constant 224 : index
      %get3A_241 = tpu.vector_load %arg12[%get3A_239, %get3A_240] {strides = array<i32>} : memref<32x1024xf32, #tpu.memory_space<vmem>>, vector<16xf32>,
      %mul3A_242 = arith.mulf %get3A_241, %get3A_68 : vector<16xf32>
      %get3A_243 = arith.index_cast %scan3A_64 : i32 to index
      %get3A_244 = arith.constant 224 : index
      %get3A_245 = tpu.vector_load %arg13[%get3A_243, %get3A_244] {strides = array<i32>} : memref<32x1024xf32, #tpu.memory_space<vmem>>, vector<16xf32>,
      %mul3A_246 = arith.mulf %get3A_245, %get3A_71 : vector<16xf32>
      %add3A_247 = arith.addf %mul3A_242, %mul3A_246 : vector<16xf32>
      %swap3A_248 = arith.index_cast %scan3A_64 : i32 to index
      %swap3A_249 = arith.constant 224 : index
      %swap3A_250 = tpu.vector_load %arg13[%swap3A_248, %swap3A_249] {strides = array<i32>} : memref<32x1024xf32, #tpu.memory_space<vmem>>, vector<16xf32>,
      tpu.vector_store %arg13[%swap3A_248, %swap3A_249], %add3A_247 {strides = array<i32>} : memref<32x1024xf32, #tpu.memory_space<vmem>>, vector<16xf32>,
      %get3A_251 = arith.index_cast %scan3A_64 : i32 to index
      %get3A_252 = arith.constant 240 : index
      %get3A_253 = tpu.vector_load %arg12[%get3A_251, %get3A_252] {strides = array<i32>} : memref<32x1024xf32, #tpu.memory_space<vmem>>, vector<16xf32>,
      %mul3A_254 = arith.mulf %get3A_253, %get3A_68 : vector<16xf32>
      %get3A_255 = arith.index_cast %scan3A_64 : i32 to index
      %get3A_256 = arith.constant 240 : index
      %get3A_257 = tpu.vector_load %arg13[%get3A_255, %get3A_256] {strides = array<i32>} : memref<32x1024xf32, #tpu.memory_space<vmem>>, vector<16xf32>,
      %mul3A_258 = arith.mulf %get3A_257, %get3A_71 : vector<16xf32>
      %add3A_259 = arith.addf %mul3A_254, %mul3A_258 : vector<16xf32>
      %swap3A_260 = arith.index_cast %scan3A_64 : i32 to index
      %swap3A_261 = arith.constant 240 : index
      %swap3A_262 = tpu.vector_load %arg13[%swap3A_260, %swap3A_261] {strides = array<i32>} : memref<32x1024xf32, #tpu.memory_space<vmem>>, vector<16xf32>,
      tpu.vector_store %arg13[%swap3A_260, %swap3A_261], %add3A_259 {strides = array<i32>} : memref<32x1024xf32, #tpu.memory_space<vmem>>, vector<16xf32>,
      %get3A_263 = arith.index_cast %scan3A_64 : i32 to index
      %get3A_264 = arith.constant 256 : index
      %get3A_265 = tpu.vector_load %arg12[%get3A_263, %get3A_264] {strides = array<i32>} : memref<32x1024xf32, #tpu.memory_space<vmem>>, vector<16xf32>,
      %mul3A_266 = arith.mulf %get3A_265, %get3A_68 : vector<16xf32>
      %get3A_267 = arith.index_cast %scan3A_64 : i32 to index
      %get3A_268 = arith.constant 256 : index
      %get3A_269 = tpu.vector_load %arg13[%get3A_267, %get3A_268] {strides = array<i32>} : memref<32x1024xf32, #tpu.memory_space<vmem>>, vector<16xf32>,
      %mul3A_270 = arith.mulf %get3A_269, %get3A_71 : vector<16xf32>
      %add3A_271 = arith.addf %mul3A_266, %mul3A_270 : vector<16xf32>
      %swap3A_272 = arith.index_cast %scan3A_64 : i32 to index
      %swap3A_273 = arith.constant 256 : index
      %swap3A_274 = tpu.vector_load %arg13[%swap3A_272, %swap3A_273] {strides = array<i32>} : memref<32x1024xf32, #tpu.memory_space<vmem>>, vector<16xf32>,
      tpu.vector_store %arg13[%swap3A_272, %swap3A_273], %add3A_271 {strides = array<i32>} : memref<32x1024xf32, #tpu.memory_space<vmem>>, vector<16xf32>,
      %get3A_275 = arith.index_cast %scan3A_64 : i32 to index
      %get3A_276 = arith.constant 272 : index
      %get3A_277 = tpu.vector_load %arg12[%get3A_275, %get3A_276] {strides = array<i32>} : memref<32x1024xf32, #tpu.memory_space<vmem>>, vector<16xf32>,
      %mul3A_278 = arith.mulf %get3A_277, %get3A_68 : vector<16xf32>
      %get3A_279 = arith.index_cast %scan3A_64 : i32 to index
      %get3A_280 = arith.constant 272 : index
      %get3A_281 = tpu.vector_load %arg13[%get3A_279, %get3A_280] {strides = array<i32>} : memref<32x1024xf32, #tpu.memory_space<vmem>>, vector<16xf32>,
      %mul3A_282 = arith.mulf %get3A_281, %get3A_71 : vector<16xf32>
      %add3A_283 = arith.addf %mul3A_278, %mul3A_282 : vector<16xf32>
      %swap3A_284 = arith.index_cast %scan3A_64 : i32 to index
      %swap3A_285 = arith.constant 272 : index
      %swap3A_286 = tpu.vector_load %arg13[%swap3A_284, %swap3A_285] {strides = array<i32>} : memref<32x1024xf32, #tpu.memory_space<vmem>>, vector<16xf32>,
      tpu.vector_store %arg13[%swap3A_284, %swap3A_285], %add3A_283 {strides = array<i32>} : memref<32x1024xf32, #tpu.memory_space<vmem>>, vector<16xf32>,
      %get3A_287 = arith.index_cast %scan3A_64 : i32 to index
      %get3A_288 = arith.constant 288 : index
      %get3A_289 = tpu.vector_load %arg12[%get3A_287, %get3A_288] {strides = array<i32>} : memref<32x1024xf32, #tpu.memory_space<vmem>>, vector<16xf32>,
      %mul3A_290 = arith.mulf %get3A_289, %get3A_68 : vector<16xf32>
      %get3A_291 = arith.index_cast %scan3A_64 : i32 to index
      %get3A_292 = arith.constant 288 : index
      %get3A_293 = tpu.vector_load %arg13[%get3A_291, %get3A_292] {strides = array<i32>} : memref<32x1024xf32, #tpu.memory_space<vmem>>, vector<16xf32>,
      %mul3A_294 = arith.mulf %get3A_293, %get3A_71 : vector<16xf32>
      %add3A_295 = arith.addf %mul3A_290, %mul3A_294 : vector<16xf32>
      %swap3A_296 = arith.index_cast %scan3A_64 : i32 to index
      %swap3A_297 = arith.constant 288 : index
      %swap3A_298 = tpu.vector_load %arg13[%swap3A_296, %swap3A_297] {strides = array<i32>} : memref<32x1024xf32, #tpu.memory_space<vmem>>, vector<16xf32>,
      tpu.vector_store %arg13[%swap3A_296, %swap3A_297], %add3A_295 {strides = array<i32>} : memref<32x1024xf32, #tpu.memory_space<vmem>>, vector<16xf32>,
      %get3A_299 = arith.index_cast %scan3A_64 : i32 to index
      %get3A_300 = arith.constant 304 : index
      %get3A_301 = tpu.vector_load %arg12[%get3A_299, %get3A_300] {strides = array<i32>} : memref<32x1024xf32, #tpu.memory_space<vmem>>, vector<16xf32>,
      %mul3A_302 = arith.mulf %get3A_301, %get3A_68 : vector<16xf32>
      %get3A_303 = arith.index_cast %scan3A_64 : i32 to index
      %get3A_304 = arith.constant 304 : index
      %get3A_305 = tpu.vector_load %arg13[%get3A_303, %get3A_304] {strides = array<i32>} : memref<32x1024xf32, #tpu.memory_space<vmem>>, vector<16xf32>,
      %mul3A_306 = arith.mulf %get3A_305, %get3A_71 : vector<16xf32>
      %add3A_307 = arith.addf %mul3A_302, %mul3A_306 : vector<16xf32>
      %swap3A_308 = arith.index_cast %scan3A_64 : i32 to index
      %swap3A_309 = arith.constant 304 : index
      %swap3A_310 = tpu.vector_load %arg13[%swap3A_308, %swap3A_309] {strides = array<i32>} : memref<32x1024xf32, #tpu.memory_space<vmem>>, vector<16xf32>,
      tpu.vector_store %arg13[%swap3A_308, %swap3A_309], %add3A_307 {strides = array<i32>} : memref<32x1024xf32, #tpu.memory_space<vmem>>, vector<16xf32>,
      %get3A_311 = arith.index_cast %scan3A_64 : i32 to index
      %get3A_312 = arith.constant 320 : index
      %get3A_313 = tpu.vector_load %arg12[%get3A_311, %get3A_312] {strides = array<i32>} : memref<32x1024xf32, #tpu.memory_space<vmem>>, vector<16xf32>,
      %mul3A_314 = arith.mulf %get3A_313, %get3A_68 : vector<16xf32>
      %get3A_315 = arith.index_cast %scan3A_64 : i32 to index
      %get3A_316 = arith.constant 320 : index
      %get3A_317 = tpu.vector_load %arg13[%get3A_315, %get3A_316] {strides = array<i32>} : memref<32x1024xf32, #tpu.memory_space<vmem>>, vector<16xf32>,
      %mul3A_318 = arith.mulf %get3A_317, %get3A_71 : vector<16xf32>
      %add3A_319 = arith.addf %mul3A_314, %mul3A_318 : vector<16xf32>
      %swap3A_320 = arith.index_cast %scan3A_64 : i32 to index
      %swap3A_321 = arith.constant 320 : index
      %swap3A_322 = tpu.vector_load %arg13[%swap3A_320, %swap3A_321] {strides = array<i32>} : memref<32x1024xf32, #tpu.memory_space<vmem>>, vector<16xf32>,
      tpu.vector_store %arg13[%swap3A_320, %swap3A_321], %add3A_319 {strides = array<i32>} : memref<32x1024xf32, #tpu.memory_space<vmem>>, vector<16xf32>,
      %get3A_323 = arith.index_cast %scan3A_64 : i32 to index
      %get3A_324 = arith.constant 336 : index
      %get3A_325 = tpu.vector_load %arg12[%get3A_323, %get3A_324] {strides = array<i32>} : memref<32x1024xf32, #tpu.memory_space<vmem>>, vector<16xf32>,
      %mul3A_326 = arith.mulf %get3A_325, %get3A_68 : vector<16xf32>
      %get3A_327 = arith.index_cast %scan3A_64 : i32 to index
      %get3A_328 = arith.constant 336 : index
      %get3A_329 = tpu.vector_load %arg13[%get3A_327, %get3A_328] {strides = array<i32>} : memref<32x1024xf32, #tpu.memory_space<vmem>>, vector<16xf32>,
      %mul3A_330 = arith.mulf %get3A_329, %get3A_71 : vector<16xf32>
      %add3A_331 = arith.addf %mul3A_326, %mul3A_330 : vector<16xf32>
      %swap3A_332 = arith.index_cast %scan3A_64 : i32 to index
      %swap3A_333 = arith.constant 336 : index
      %swap3A_334 = tpu.vector_load %arg13[%swap3A_332, %swap3A_333] {strides = array<i32>} : memref<32x1024xf32, #tpu.memory_space<vmem>>, vector<16xf32>,
      tpu.vector_store %arg13[%swap3A_332, %swap3A_333], %add3A_331 {strides = array<i32>} : memref<32x1024xf32, #tpu.memory_space<vmem>>, vector<16xf32>,
      %get3A_335 = arith.index_cast %scan3A_64 : i32 to index
      %get3A_336 = arith.constant 352 : index
      %get3A_337 = tpu.vector_load %arg12[%get3A_335, %get3A_336] {strides = array<i32>} : memref<32x1024xf32, #tpu.memory_space<vmem>>, vector<16xf32>,
      %mul3A_338 = arith.mulf %get3A_337, %get3A_68 : vector<16xf32>
      %get3A_339 = arith.index_cast %scan3A_64 : i32 to index
      %get3A_340 = arith.constant 352 : index
      %get3A_341 = tpu.vector_load %arg13[%get3A_339, %get3A_340] {strides = array<i32>} : memref<32x1024xf32, #tpu.memory_space<vmem>>, vector<16xf32>,
      %mul3A_342 = arith.mulf %get3A_341, %get3A_71 : vector<16xf32>
      %add3A_343 = arith.addf %mul3A_338, %mul3A_342 : vector<16xf32>
      %swap3A_344 = arith.index_cast %scan3A_64 : i32 to index
      %swap3A_345 = arith.constant 352 : index
      %swap3A_346 = tpu.vector_load %arg13[%swap3A_344, %swap3A_345] {strides = array<i32>} : memref<32x1024xf32, #tpu.memory_space<vmem>>, vector<16xf32>,
      tpu.vector_store %arg13[%swap3A_344, %swap3A_345], %add3A_343 {strides = array<i32>} : memref<32x1024xf32, #tpu.memory_space<vmem>>, vector<16xf32>,
      %get3A_347 = arith.index_cast %scan3A_64 : i32 to index
      %get3A_348 = arith.constant 368 : index
      %get3A_349 = tpu.vector_load %arg12[%get3A_347, %get3A_348] {strides = array<i32>} : memref<32x1024xf32, #tpu.memory_space<vmem>>, vector<16xf32>,
      %mul3A_350 = arith.mulf %get3A_349, %get3A_68 : vector<16xf32>
      %get3A_351 = arith.index_cast %scan3A_64 : i32 to index
      %get3A_352 = arith.constant 368 : index
      %get3A_353 = tpu.vector_load %arg13[%get3A_351, %get3A_352] {strides = array<i32>} : memref<32x1024xf32, #tpu.memory_space<vmem>>, vector<16xf32>,
      %mul3A_354 = arith.mulf %get3A_353, %get3A_71 : vector<16xf32>
      %add3A_355 = arith.addf %mul3A_350, %mul3A_354 : vector<16xf32>
      %swap3A_356 = arith.index_cast %scan3A_64 : i32 to index
      %swap3A_357 = arith.constant 368 : index
      %swap3A_358 = tpu.vector_load %arg13[%swap3A_356, %swap3A_357] {strides = array<i32>} : memref<32x1024xf32, #tpu.memory_space<vmem>>, vector<16xf32>,
      tpu.vector_store %arg13[%swap3A_356, %swap3A_357], %add3A_355 {strides = array<i32>} : memref<32x1024xf32, #tpu.memory_space<vmem>>, vector<16xf32>,
      %get3A_359 = arith.index_cast %scan3A_64 : i32 to index
      %get3A_360 = arith.constant 384 : index
      %get3A_361 = tpu.vector_load %arg12[%get3A_359, %get3A_360] {strides = array<i32>} : memref<32x1024xf32, #tpu.memory_space<vmem>>, vector<16xf32>,
      %mul3A_362 = arith.mulf %get3A_361, %get3A_68 : vector<16xf32>
      %get3A_363 = arith.index_cast %scan3A_64 : i32 to index
      %get3A_364 = arith.constant 384 : index
      %get3A_365 = tpu.vector_load %arg13[%get3A_363, %get3A_364] {strides = array<i32>} : memref<32x1024xf32, #tpu.memory_space<vmem>>, vector<16xf32>,
      %mul3A_366 = arith.mulf %get3A_365, %get3A_71 : vector<16xf32>
      %add3A_367 = arith.addf %mul3A_362, %mul3A_366 : vector<16xf32>
      %swap3A_368 = arith.index_cast %scan3A_64 : i32 to index
      %swap3A_369 = arith.constant 384 : index
      %swap3A_370 = tpu.vector_load %arg13[%swap3A_368, %swap3A_369] {strides = array<i32>} : memref<32x1024xf32, #tpu.memory_space<vmem>>, vector<16xf32>,
      tpu.vector_store %arg13[%swap3A_368, %swap3A_369], %add3A_367 {strides = array<i32>} : memref<32x1024xf32, #tpu.memory_space<vmem>>, vector<16xf32>,
      %get3A_371 = arith.index_cast %scan3A_64 : i32 to index
      %get3A_372 = arith.constant 400 : index
      %get3A_373 = tpu.vector_load %arg12[%get3A_371, %get3A_372] {strides = array<i32>} : memref<32x1024xf32, #tpu.memory_space<vmem>>, vector<16xf32>,
      %mul3A_374 = arith.mulf %get3A_373, %get3A_68 : vector<16xf32>
      %get3A_375 = arith.index_cast %scan3A_64 : i32 to index
      %get3A_376 = arith.constant 400 : index
      %get3A_377 = tpu.vector_load %arg13[%get3A_375, %get3A_376] {strides = array<i32>} : memref<32x1024xf32, #tpu.memory_space<vmem>>, vector<16xf32>,
      %mul3A_378 = arith.mulf %get3A_377, %get3A_71 : vector<16xf32>
      %add3A_379 = arith.addf %mul3A_374, %mul3A_378 : vector<16xf32>
      %swap3A_380 = arith.index_cast %scan3A_64 : i32 to index
      %swap3A_381 = arith.constant 400 : index
      %swap3A_382 = tpu.vector_load %arg13[%swap3A_380, %swap3A_381] {strides = array<i32>} : memref<32x1024xf32, #tpu.memory_space<vmem>>, vector<16xf32>,
      tpu.vector_store %arg13[%swap3A_380, %swap3A_381], %add3A_379 {strides = array<i32>} : memref<32x1024xf32, #tpu.memory_space<vmem>>, vector<16xf32>,
      %get3A_383 = arith.index_cast %scan3A_64 : i32 to index
      %get3A_384 = arith.constant 416 : index
      %get3A_385 = tpu.vector_load %arg12[%get3A_383, %get3A_384] {strides = array<i32>} : memref<32x1024xf32, #tpu.memory_space<vmem>>, vector<16xf32>,
      %mul3A_386 = arith.mulf %get3A_385, %get3A_68 : vector<16xf32>
      %get3A_387 = arith.index_cast %scan3A_64 : i32 to index
      %get3A_388 = arith.constant 416 : index
      %get3A_389 = tpu.vector_load %arg13[%get3A_387, %get3A_388] {strides = array<i32>} : memref<32x1024xf32, #tpu.memory_space<vmem>>, vector<16xf32>,
      %mul3A_390 = arith.mulf %get3A_389, %get3A_71 : vector<16xf32>
      %add3A_391 = arith.addf %mul3A_386, %mul3A_390 : vector<16xf32>
      %swap3A_392 = arith.index_cast %scan3A_64 : i32 to index
      %swap3A_393 = arith.constant 416 : index
      %swap3A_394 = tpu.vector_load %arg13[%swap3A_392, %swap3A_393] {strides = array<i32>} : memref<32x1024xf32, #tpu.memory_space<vmem>>, vector<16xf32>,
      tpu.vector_store %arg13[%swap3A_392, %swap3A_393], %add3A_391 {strides = array<i32>} : memref<32x1024xf32, #tpu.memory_space<vmem>>, vector<16xf32>,
      %get3A_395 = arith.index_cast %scan3A_64 : i32 to index
      %get3A_396 = arith.constant 432 : index
      %get3A_397 = tpu.vector_load %arg12[%get3A_395, %get3A_396] {strides = array<i32>} : memref<32x1024xf32, #tpu.memory_space<vmem>>, vector<16xf32>,
      %mul3A_398 = arith.mulf %get3A_397, %get3A_68 : vector<16xf32>
      %get3A_399 = arith.index_cast %scan3A_64 : i32 to index
      %get3A_400 = arith.constant 432 : index
      %get3A_401 = tpu.vector_load %arg13[%get3A_399, %get3A_400] {strides = array<i32>} : memref<32x1024xf32, #tpu.memory_space<vmem>>, vector<16xf32>,
      %mul3A_402 = arith.mulf %get3A_401, %get3A_71 : vector<16xf32>
      %add3A_403 = arith.addf %mul3A_398, %mul3A_402 : vector<16xf32>
      %swap3A_404 = arith.index_cast %scan3A_64 : i32 to index
      %swap3A_405 = arith.constant 432 : index
      %swap3A_406 = tpu.vector_load %arg13[%swap3A_404, %swap3A_405] {strides = array<i32>} : memref<32x1024xf32, #tpu.memory_space<vmem>>, vector<16xf32>,
      tpu.vector_store %arg13[%swap3A_404, %swap3A_405], %add3A_403 {strides = array<i32>} : memref<32x1024xf32, #tpu.memory_space<vmem>>, vector<16xf32>,
      %get3A_407 = arith.index_cast %scan3A_64 : i32 to index
      %get3A_408 = arith.constant 448 : index
      %get3A_409 = tpu.vector_load %arg12[%get3A_407, %get3A_408] {strides = array<i32>} : memref<32x1024xf32, #tpu.memory_space<vmem>>, vector<16xf32>,
      %mul3A_410 = arith.mulf %get3A_409, %get3A_68 : vector<16xf32>
      %get3A_411 = arith.index_cast %scan3A_64 : i32 to index
      %get3A_412 = arith.constant 448 : index
      %get3A_413 = tpu.vector_load %arg13[%get3A_411, %get3A_412] {strides = array<i32>} : memref<32x1024xf32, #tpu.memory_space<vmem>>, vector<16xf32>,
      %mul3A_414 = arith.mulf %get3A_413, %get3A_71 : vector<16xf32>
      %add3A_415 = arith.addf %mul3A_410, %mul3A_414 : vector<16xf32>
      %swap3A_416 = arith.index_cast %scan3A_64 : i32 to index
      %swap3A_417 = arith.constant 448 : index
      %swap3A_418 = tpu.vector_load %arg13[%swap3A_416, %swap3A_417] {strides = array<i32>} : memref<32x1024xf32, #tpu.memory_space<vmem>>, vector<16xf32>,
      tpu.vector_store %arg13[%swap3A_416, %swap3A_417], %add3A_415 {strides = array<i32>} : memref<32x1024xf32, #tpu.memory_space<vmem>>, vector<16xf32>,
      %get3A_419 = arith.index_cast %scan3A_64 : i32 to index
      %get3A_420 = arith.constant 464 : index
      %get3A_421 = tpu.vector_load %arg12[%get3A_419, %get3A_420] {strides = array<i32>} : memref<32x1024xf32, #tpu.memory_space<vmem>>, vector<16xf32>,
      %mul3A_422 = arith.mulf %get3A_421, %get3A_68 : vector<16xf32>
      %get3A_423 = arith.index_cast %scan3A_64 : i32 to index
      %get3A_424 = arith.constant 464 : index
      %get3A_425 = tpu.vector_load %arg13[%get3A_423, %get3A_424] {strides = array<i32>} : memref<32x1024xf32, #tpu.memory_space<vmem>>, vector<16xf32>,
      %mul3A_426 = arith.mulf %get3A_425, %get3A_71 : vector<16xf32>
      %add3A_427 = arith.addf %mul3A_422, %mul3A_426 : vector<16xf32>
      %swap3A_428 = arith.index_cast %scan3A_64 : i32 to index
      %swap3A_429 = arith.constant 464 : index
      %swap3A_430 = tpu.vector_load %arg13[%swap3A_428, %swap3A_429] {strides = array<i32>} : memref<32x1024xf32, #tpu.memory_space<vmem>>, vector<16xf32>,
      tpu.vector_store %arg13[%swap3A_428, %swap3A_429], %add3A_427 {strides = array<i32>} : memref<32x1024xf32, #tpu.memory_space<vmem>>, vector<16xf32>,
      %get3A_431 = arith.index_cast %scan3A_64 : i32 to index
      %get3A_432 = arith.constant 480 : index
      %get3A_433 = tpu.vector_load %arg12[%get3A_431, %get3A_432] {strides = array<i32>} : memref<32x1024xf32, #tpu.memory_space<vmem>>, vector<16xf32>,
      %mul3A_434 = arith.mulf %get3A_433, %get3A_68 : vector<16xf32>
      %get3A_435 = arith.index_cast %scan3A_64 : i32 to index
      %get3A_436 = arith.constant 480 : index
      %get3A_437 = tpu.vector_load %arg13[%get3A_435, %get3A_436] {strides = array<i32>} : memref<32x1024xf32, #tpu.memory_space<vmem>>, vector<16xf32>,
      %mul3A_438 = arith.mulf %get3A_437, %get3A_71 : vector<16xf32>
      %add3A_439 = arith.addf %mul3A_434, %mul3A_438 : vector<16xf32>
      %swap3A_440 = arith.index_cast %scan3A_64 : i32 to index
      %swap3A_441 = arith.constant 480 : index
      %swap3A_442 = tpu.vector_load %arg13[%swap3A_440, %swap3A_441] {strides = array<i32>} : memref<32x1024xf32, #tpu.memory_space<vmem>>, vector<16xf32>,
      tpu.vector_store %arg13[%swap3A_440, %swap3A_441], %add3A_439 {strides = array<i32>} : memref<32x1024xf32, #tpu.memory_space<vmem>>, vector<16xf32>,
      %get3A_443 = arith.index_cast %scan3A_64 : i32 to index
      %get3A_444 = arith.constant 496 : index
      %get3A_445 = tpu.vector_load %arg12[%get3A_443, %get3A_444] {strides = array<i32>} : memref<32x1024xf32, #tpu.memory_space<vmem>>, vector<16xf32>,
      %mul3A_446 = arith.mulf %get3A_445, %get3A_68 : vector<16xf32>
      %get3A_447 = arith.index_cast %scan3A_64 : i32 to index
      %get3A_448 = arith.constant 496 : index
      %get3A_449 = tpu.vector_load %arg13[%get3A_447, %get3A_448] {strides = array<i32>} : memref<32x1024xf32, #tpu.memory_space<vmem>>, vector<16xf32>,
      %mul3A_450 = arith.mulf %get3A_449, %get3A_71 : vector<16xf32>
      %add3A_451 = arith.addf %mul3A_446, %mul3A_450 : vector<16xf32>
      %swap3A_452 = arith.index_cast %scan3A_64 : i32 to index
      %swap3A_453 = arith.constant 496 : index
      %swap3A_454 = tpu.vector_load %arg13[%swap3A_452, %swap3A_453] {strides = array<i32>} : memref<32x1024xf32, #tpu.memory_space<vmem>>, vector<16xf32>,
      tpu.vector_store %arg13[%swap3A_452, %swap3A_453], %add3A_451 {strides = array<i32>} : memref<32x1024xf32, #tpu.memory_space<vmem>>, vector<16xf32>,
      %get3A_455 = arith.index_cast %scan3A_64 : i32 to index
      %get3A_456 = arith.constant 512 : index
      %get3A_457 = tpu.vector_load %arg12[%get3A_455, %get3A_456] {strides = array<i32>} : memref<32x1024xf32, #tpu.memory_space<vmem>>, vector<16xf32>,
      %mul3A_458 = arith.mulf %get3A_457, %get3A_68 : vector<16xf32>
      %get3A_459 = arith.index_cast %scan3A_64 : i32 to index
      %get3A_460 = arith.constant 512 : index
      %get3A_461 = tpu.vector_load %arg13[%get3A_459, %get3A_460] {strides = array<i32>} : memref<32x1024xf32, #tpu.memory_space<vmem>>, vector<16xf32>,
      %mul3A_462 = arith.mulf %get3A_461, %get3A_71 : vector<16xf32>
      %add3A_463 = arith.addf %mul3A_458, %mul3A_462 : vector<16xf32>
      %swap3A_464 = arith.index_cast %scan3A_64 : i32 to index
      %swap3A_465 = arith.constant 512 : index
      %swap3A_466 = tpu.vector_load %arg13[%swap3A_464, %swap3A_465] {strides = array<i32>} : memref<32x1024xf32, #tpu.memory_space<vmem>>, vector<16xf32>,
      tpu.vector_store %arg13[%swap3A_464, %swap3A_465], %add3A_463 {strides = array<i32>} : memref<32x1024xf32, #tpu.memory_space<vmem>>, vector<16xf32>,
      %get3A_467 = arith.index_cast %scan3A_64 : i32 to index
      %get3A_468 = arith.constant 528 : index
      %get3A_469 = tpu.vector_load %arg12[%get3A_467, %get3A_468] {strides = array<i32>} : memref<32x1024xf32, #tpu.memory_space<vmem>>, vector<16xf32>,
      %mul3A_470 = arith.mulf %get3A_469, %get3A_68 : vector<16xf32>
      %get3A_471 = arith.index_cast %scan3A_64 : i32 to index
      %get3A_472 = arith.constant 528 : index
      %get3A_473 = tpu.vector_load %arg13[%get3A_471, %get3A_472] {strides = array<i32>} : memref<32x1024xf32, #tpu.memory_space<vmem>>, vector<16xf32>,
      %mul3A_474 = arith.mulf %get3A_473, %get3A_71 : vector<16xf32>
      %add3A_475 = arith.addf %mul3A_470, %mul3A_474 : vector<16xf32>
      %swap3A_476 = arith.index_cast %scan3A_64 : i32 to index
      %swap3A_477 = arith.constant 528 : index
      %swap3A_478 = tpu.vector_load %arg13[%swap3A_476, %swap3A_477] {strides = array<i32>} : memref<32x1024xf32, #tpu.memory_space<vmem>>, vector<16xf32>,
      tpu.vector_store %arg13[%swap3A_476, %swap3A_477], %add3A_475 {strides = array<i32>} : memref<32x1024xf32, #tpu.memory_space<vmem>>, vector<16xf32>,
      %get3A_479 = arith.index_cast %scan3A_64 : i32 to index
      %get3A_480 = arith.constant 544 : index
      %get3A_481 = tpu.vector_load %arg12[%get3A_479, %get3A_480] {strides = array<i32>} : memref<32x1024xf32, #tpu.memory_space<vmem>>, vector<16xf32>,
      %mul3A_482 = arith.mulf %get3A_481, %get3A_68 : vector<16xf32>
      %get3A_483 = arith.index_cast %scan3A_64 : i32 to index
      %get3A_484 = arith.constant 544 : index
      %get3A_485 = tpu.vector_load %arg13[%get3A_483, %get3A_484] {strides = array<i32>} : memref<32x1024xf32, #tpu.memory_space<vmem>>, vector<16xf32>,
      %mul3A_486 = arith.mulf %get3A_485, %get3A_71 : vector<16xf32>
      %add3A_487 = arith.addf %mul3A_482, %mul3A_486 : vector<16xf32>
      %swap3A_488 = arith.index_cast %scan3A_64 : i32 to index
      %swap3A_489 = arith.constant 544 : index
      %swap3A_490 = tpu.vector_load %arg13[%swap3A_488, %swap3A_489] {strides = array<i32>} : memref<32x1024xf32, #tpu.memory_space<vmem>>, vector<16xf32>,
      tpu.vector_store %arg13[%swap3A_488, %swap3A_489], %add3A_487 {strides = array<i32>} : memref<32x1024xf32, #tpu.memory_space<vmem>>, vector<16xf32>,
      %get3A_491 = arith.index_cast %scan3A_64 : i32 to index
      %get3A_492 = arith.constant 560 : index
      %get3A_493 = tpu.vector_load %arg12[%get3A_491, %get3A_492] {strides = array<i32>} : memref<32x1024xf32, #tpu.memory_space<vmem>>, vector<16xf32>,
      %mul3A_494 = arith.mulf %get3A_493, %get3A_68 : vector<16xf32>
      %get3A_495 = arith.index_cast %scan3A_64 : i32 to index
      %get3A_496 = arith.constant 560 : index
      %get3A_497 = tpu.vector_load %arg13[%get3A_495, %get3A_496] {strides = array<i32>} : memref<32x1024xf32, #tpu.memory_space<vmem>>, vector<16xf32>,
      %mul3A_498 = arith.mulf %get3A_497, %get3A_71 : vector<16xf32>
      %add3A_499 = arith.addf %mul3A_494, %mul3A_498 : vector<16xf32>
      %swap3A_500 = arith.index_cast %scan3A_64 : i32 to index
      %swap3A_501 = arith.constant 560 : index
      %swap3A_502 = tpu.vector_load %arg13[%swap3A_500, %swap3A_501] {strides = array<i32>} : memref<32x1024xf32, #tpu.memory_space<vmem>>, vector<16xf32>,
      tpu.vector_store %arg13[%swap3A_500, %swap3A_501], %add3A_499 {strides = array<i32>} : memref<32x1024xf32, #tpu.memory_space<vmem>>, vector<16xf32>,
      %get3A_503 = arith.index_cast %scan3A_64 : i32 to index
      %get3A_504 = arith.constant 576 : index
      %get3A_505 = tpu.vector_load %arg12[%get3A_503, %get3A_504] {strides = array<i32>} : memref<32x1024xf32, #tpu.memory_space<vmem>>, vector<16xf32>,
      %mul3A_506 = arith.mulf %get3A_505, %get3A_68 : vector<16xf32>
      %get3A_507 = arith.index_cast %scan3A_64 : i32 to index
      %get3A_508 = arith.constant 576 : index
      %get3A_509 = tpu.vector_load %arg13[%get3A_507, %get3A_508] {strides = array<i32>} : memref<32x1024xf32, #tpu.memory_space<vmem>>, vector<16xf32>,
      %mul3A_510 = arith.mulf %get3A_509, %get3A_71 : vector<16xf32>
      %add3A_511 = arith.addf %mul3A_506, %mul3A_510 : vector<16xf32>
      %swap3A_512 = arith.index_cast %scan3A_64 : i32 to index
      %swap3A_513 = arith.constant 576 : index
      %swap3A_514 = tpu.vector_load %arg13[%swap3A_512, %swap3A_513] {strides = array<i32>} : memref<32x1024xf32, #tpu.memory_space<vmem>>, vector<16xf32>,
      tpu.vector_store %arg13[%swap3A_512, %swap3A_513], %add3A_511 {strides = array<i32>} : memref<32x1024xf32, #tpu.memory_space<vmem>>, vector<16xf32>,
      %get3A_515 = arith.index_cast %scan3A_64 : i32 to index
      %get3A_516 = arith.constant 592 : index
      %get3A_517 = tpu.vector_load %arg12[%get3A_515, %get3A_516] {strides = array<i32>} : memref<32x1024xf32, #tpu.memory_space<vmem>>, vector<16xf32>,
      %mul3A_518 = arith.mulf %get3A_517, %get3A_68 : vector<16xf32>
      %get3A_519 = arith.index_cast %scan3A_64 : i32 to index
      %get3A_520 = arith.constant 592 : index
      %get3A_521 = tpu.vector_load %arg13[%get3A_519, %get3A_520] {strides = array<i32>} : memref<32x1024xf32, #tpu.memory_space<vmem>>, vector<16xf32>,
      %mul3A_522 = arith.mulf %get3A_521, %get3A_71 : vector<16xf32>
      %add3A_523 = arith.addf %mul3A_518, %mul3A_522 : vector<16xf32>
      %swap3A_524 = arith.index_cast %scan3A_64 : i32 to index
      %swap3A_525 = arith.constant 592 : index
      %swap3A_526 = tpu.vector_load %arg13[%swap3A_524, %swap3A_525] {strides = array<i32>} : memref<32x1024xf32, #tpu.memory_space<vmem>>, vector<16xf32>,
      tpu.vector_store %arg13[%swap3A_524, %swap3A_525], %add3A_523 {strides = array<i32>} : memref<32x1024xf32, #tpu.memory_space<vmem>>, vector<16xf32>,
      %get3A_527 = arith.index_cast %scan3A_64 : i32 to index
      %get3A_528 = arith.constant 608 : index
      %get3A_529 = tpu.vector_load %arg12[%get3A_527, %get3A_528] {strides = array<i32>} : memref<32x1024xf32, #tpu.memory_space<vmem>>, vector<16xf32>,
      %mul3A_530 = arith.mulf %get3A_529, %get3A_68 : vector<16xf32>
      %get3A_531 = arith.index_cast %scan3A_64 : i32 to index
      %get3A_532 = arith.constant 608 : index
      %get3A_533 = tpu.vector_load %arg13[%get3A_531, %get3A_532] {strides = array<i32>} : memref<32x1024xf32, #tpu.memory_space<vmem>>, vector<16xf32>,
      %mul3A_534 = arith.mulf %get3A_533, %get3A_71 : vector<16xf32>
      %add3A_535 = arith.addf %mul3A_530, %mul3A_534 : vector<16xf32>
      %swap3A_536 = arith.index_cast %scan3A_64 : i32 to index
      %swap3A_537 = arith.constant 608 : index
      %swap3A_538 = tpu.vector_load %arg13[%swap3A_536, %swap3A_537] {strides = array<i32>} : memref<32x1024xf32, #tpu.memory_space<vmem>>, vector<16xf32>,
      tpu.vector_store %arg13[%swap3A_536, %swap3A_537], %add3A_535 {strides = array<i32>} : memref<32x1024xf32, #tpu.memory_space<vmem>>, vector<16xf32>,
      %get3A_539 = arith.index_cast %scan3A_64 : i32 to index
      %get3A_540 = arith.constant 624 : index
      %get3A_541 = tpu.vector_load %arg12[%get3A_539, %get3A_540] {strides = array<i32>} : memref<32x1024xf32, #tpu.memory_space<vmem>>, vector<16xf32>,
      %mul3A_542 = arith.mulf %get3A_541, %get3A_68 : vector<16xf32>
      %get3A_543 = arith.index_cast %scan3A_64 : i32 to index
      %get3A_544 = arith.constant 624 : index
      %get3A_545 = tpu.vector_load %arg13[%get3A_543, %get3A_544] {strides = array<i32>} : memref<32x1024xf32, #tpu.memory_space<vmem>>, vector<16xf32>,
      %mul3A_546 = arith.mulf %get3A_545, %get3A_71 : vector<16xf32>
      %add3A_547 = arith.addf %mul3A_542, %mul3A_546 : vector<16xf32>
      %swap3A_548 = arith.index_cast %scan3A_64 : i32 to index
      %swap3A_549 = arith.constant 624 : index
      %swap3A_550 = tpu.vector_load %arg13[%swap3A_548, %swap3A_549] {strides = array<i32>} : memref<32x1024xf32, #tpu.memory_space<vmem>>, vector<16xf32>,
      tpu.vector_store %arg13[%swap3A_548, %swap3A_549], %add3A_547 {strides = array<i32>} : memref<32x1024xf32, #tpu.memory_space<vmem>>, vector<16xf32>,
      %get3A_551 = arith.index_cast %scan3A_64 : i32 to index
      %get3A_552 = arith.constant 640 : index
      %get3A_553 = tpu.vector_load %arg12[%get3A_551, %get3A_552] {strides = array<i32>} : memref<32x1024xf32, #tpu.memory_space<vmem>>, vector<16xf32>,
      %mul3A_554 = arith.mulf %get3A_553, %get3A_68 : vector<16xf32>
      %get3A_555 = arith.index_cast %scan3A_64 : i32 to index
      %get3A_556 = arith.constant 640 : index
      %get3A_557 = tpu.vector_load %arg13[%get3A_555, %get3A_556] {strides = array<i32>} : memref<32x1024xf32, #tpu.memory_space<vmem>>, vector<16xf32>,
      %mul3A_558 = arith.mulf %get3A_557, %get3A_71 : vector<16xf32>
      %add3A_559 = arith.addf %mul3A_554, %mul3A_558 : vector<16xf32>
      %swap3A_560 = arith.index_cast %scan3A_64 : i32 to index
      %swap3A_561 = arith.constant 640 : index
      %swap3A_562 = tpu.vector_load %arg13[%swap3A_560, %swap3A_561] {strides = array<i32>} : memref<32x1024xf32, #tpu.memory_space<vmem>>, vector<16xf32>,
      tpu.vector_store %arg13[%swap3A_560, %swap3A_561], %add3A_559 {strides = array<i32>} : memref<32x1024xf32, #tpu.memory_space<vmem>>, vector<16xf32>,
      %get3A_563 = arith.index_cast %scan3A_64 : i32 to index
      %get3A_564 = arith.constant 656 : index
      %get3A_565 = tpu.vector_load %arg12[%get3A_563, %get3A_564] {strides = array<i32>} : memref<32x1024xf32, #tpu.memory_space<vmem>>, vector<16xf32>,
      %mul3A_566 = arith.mulf %get3A_565, %get3A_68 : vector<16xf32>
      %get3A_567 = arith.index_cast %scan3A_64 : i32 to index
      %get3A_568 = arith.constant 656 : index
      %get3A_569 = tpu.vector_load %arg13[%get3A_567, %get3A_568] {strides = array<i32>} : memref<32x1024xf32, #tpu.memory_space<vmem>>, vector<16xf32>,
      %mul3A_570 = arith.mulf %get3A_569, %get3A_71 : vector<16xf32>
      %add3A_571 = arith.addf %mul3A_566, %mul3A_570 : vector<16xf32>
      %swap3A_572 = arith.index_cast %scan3A_64 : i32 to index
      %swap3A_573 = arith.constant 656 : index
      %swap3A_574 = tpu.vector_load %arg13[%swap3A_572, %swap3A_573] {strides = array<i32>} : memref<32x1024xf32, #tpu.memory_space<vmem>>, vector<16xf32>,
      tpu.vector_store %arg13[%swap3A_572, %swap3A_573], %add3A_571 {strides = array<i32>} : memref<32x1024xf32, #tpu.memory_space<vmem>>, vector<16xf32>,
      %get3A_575 = arith.index_cast %scan3A_64 : i32 to index
      %get3A_576 = arith.constant 672 : index
      %get3A_577 = tpu.vector_load %arg12[%get3A_575, %get3A_576] {strides = array<i32>} : memref<32x1024xf32, #tpu.memory_space<vmem>>, vector<16xf32>,
      %mul3A_578 = arith.mulf %get3A_577, %get3A_68 : vector<16xf32>
      %get3A_579 = arith.index_cast %scan3A_64 : i32 to index
      %get3A_580 = arith.constant 672 : index
      %get3A_581 = tpu.vector_load %arg13[%get3A_579, %get3A_580] {strides = array<i32>} : memref<32x1024xf32, #tpu.memory_space<vmem>>, vector<16xf32>,
      %mul3A_582 = arith.mulf %get3A_581, %get3A_71 : vector<16xf32>
      %add3A_583 = arith.addf %mul3A_578, %mul3A_582 : vector<16xf32>
      %swap3A_584 = arith.index_cast %scan3A_64 : i32 to index
      %swap3A_585 = arith.constant 672 : index
      %swap3A_586 = tpu.vector_load %arg13[%swap3A_584, %swap3A_585] {strides = array<i32>} : memref<32x1024xf32, #tpu.memory_space<vmem>>, vector<16xf32>,
      tpu.vector_store %arg13[%swap3A_584, %swap3A_585], %add3A_583 {strides = array<i32>} : memref<32x1024xf32, #tpu.memory_space<vmem>>, vector<16xf32>,
      %get3A_587 = arith.index_cast %scan3A_64 : i32 to index
      %get3A_588 = arith.constant 688 : index
      %get3A_589 = tpu.vector_load %arg12[%get3A_587, %get3A_588] {strides = array<i32>} : memref<32x1024xf32, #tpu.memory_space<vmem>>, vector<16xf32>,
      %mul3A_590 = arith.mulf %get3A_589, %get3A_68 : vector<16xf32>
      %get3A_591 = arith.index_cast %scan3A_64 : i32 to index
      %get3A_592 = arith.constant 688 : index
      %get3A_593 = tpu.vector_load %arg13[%get3A_591, %get3A_592] {strides = array<i32>} : memref<32x1024xf32, #tpu.memory_space<vmem>>, vector<16xf32>,
      %mul3A_594 = arith.mulf %get3A_593, %get3A_71 : vector<16xf32>
      %add3A_595 = arith.addf %mul3A_590, %mul3A_594 : vector<16xf32>
      %swap3A_596 = arith.index_cast %scan3A_64 : i32 to index
      %swap3A_597 = arith.constant 688 : index
      %swap3A_598 = tpu.vector_load %arg13[%swap3A_596, %swap3A_597] {strides = array<i32>} : memref<32x1024xf32, #tpu.memory_space<vmem>>, vector<16xf32>,
      tpu.vector_store %arg13[%swap3A_596, %swap3A_597], %add3A_595 {strides = array<i32>} : memref<32x1024xf32, #tpu.memory_space<vmem>>, vector<16xf32>,
      %get3A_599 = arith.index_cast %scan3A_64 : i32 to index
      %get3A_600 = arith.constant 704 : index
      %get3A_601 = tpu.vector_load %arg12[%get3A_599, %get3A_600] {strides = array<i32>} : memref<32x1024xf32, #tpu.memory_space<vmem>>, vector<16xf32>,
      %mul3A_602 = arith.mulf %get3A_601, %get3A_68 : vector<16xf32>
      %get3A_603 = arith.index_cast %scan3A_64 : i32 to index
      %get3A_604 = arith.constant 704 : index
      %get3A_605 = tpu.vector_load %arg13[%get3A_603, %get3A_604] {strides = array<i32>} : memref<32x1024xf32, #tpu.memory_space<vmem>>, vector<16xf32>,
      %mul3A_606 = arith.mulf %get3A_605, %get3A_71 : vector<16xf32>
      %add3A_607 = arith.addf %mul3A_602, %mul3A_606 : vector<16xf32>
      %swap3A_608 = arith.index_cast %scan3A_64 : i32 to index
      %swap3A_609 = arith.constant 704 : index
      %swap3A_610 = tpu.vector_load %arg13[%swap3A_608, %swap3A_609] {strides = array<i32>} : memref<32x1024xf32, #tpu.memory_space<vmem>>, vector<16xf32>,
      tpu.vector_store %arg13[%swap3A_608, %swap3A_609], %add3A_607 {strides = array<i32>} : memref<32x1024xf32, #tpu.memory_space<vmem>>, vector<16xf32>,
      %get3A_611 = arith.index_cast %scan3A_64 : i32 to index
      %get3A_612 = arith.constant 720 : index
      %get3A_613 = tpu.vector_load %arg12[%get3A_611, %get3A_612] {strides = array<i32>} : memref<32x1024xf32, #tpu.memory_space<vmem>>, vector<16xf32>,
      %mul3A_614 = arith.mulf %get3A_613, %get3A_68 : vector<16xf32>
      %get3A_615 = arith.index_cast %scan3A_64 : i32 to index
      %get3A_616 = arith.constant 720 : index
      %get3A_617 = tpu.vector_load %arg13[%get3A_615, %get3A_616] {strides = array<i32>} : memref<32x1024xf32, #tpu.memory_space<vmem>>, vector<16xf32>,
      %mul3A_618 = arith.mulf %get3A_617, %get3A_71 : vector<16xf32>
      %add3A_619 = arith.addf %mul3A_614, %mul3A_618 : vector<16xf32>
      %swap3A_620 = arith.index_cast %scan3A_64 : i32 to index
      %swap3A_621 = arith.constant 720 : index
      %swap3A_622 = tpu.vector_load %arg13[%swap3A_620, %swap3A_621] {strides = array<i32>} : memref<32x1024xf32, #tpu.memory_space<vmem>>, vector<16xf32>,
      tpu.vector_store %arg13[%swap3A_620, %swap3A_621], %add3A_619 {strides = array<i32>} : memref<32x1024xf32, #tpu.memory_space<vmem>>, vector<16xf32>,
      %get3A_623 = arith.index_cast %scan3A_64 : i32 to index
      %get3A_624 = arith.constant 736 : index
      %get3A_625 = tpu.vector_load %arg12[%get3A_623, %get3A_624] {strides = array<i32>} : memref<32x1024xf32, #tpu.memory_space<vmem>>, vector<16xf32>,
      %mul3A_626 = arith.mulf %get3A_625, %get3A_68 : vector<16xf32>
      %get3A_627 = arith.index_cast %scan3A_64 : i32 to index
      %get3A_628 = arith.constant 736 : index
      %get3A_629 = tpu.vector_load %arg13[%get3A_627, %get3A_628] {strides = array<i32>} : memref<32x1024xf32, #tpu.memory_space<vmem>>, vector<16xf32>,
      %mul3A_630 = arith.mulf %get3A_629, %get3A_71 : vector<16xf32>
      %add3A_631 = arith.addf %mul3A_626, %mul3A_630 : vector<16xf32>
      %swap3A_632 = arith.index_cast %scan3A_64 : i32 to index
      %swap3A_633 = arith.constant 736 : index
      %swap3A_634 = tpu.vector_load %arg13[%swap3A_632, %swap3A_633] {strides = array<i32>} : memref<32x1024xf32, #tpu.memory_space<vmem>>, vector<16xf32>,
      tpu.vector_store %arg13[%swap3A_632, %swap3A_633], %add3A_631 {strides = array<i32>} : memref<32x1024xf32, #tpu.memory_space<vmem>>, vector<16xf32>,
      %get3A_635 = arith.index_cast %scan3A_64 : i32 to index
      %get3A_636 = arith.constant 752 : index
      %get3A_637 = tpu.vector_load %arg12[%get3A_635, %get3A_636] {strides = array<i32>} : memref<32x1024xf32, #tpu.memory_space<vmem>>, vector<16xf32>,
      %mul3A_638 = arith.mulf %get3A_637, %get3A_68 : vector<16xf32>
      %get3A_639 = arith.index_cast %scan3A_64 : i32 to index
      %get3A_640 = arith.constant 752 : index
      %get3A_641 = tpu.vector_load %arg13[%get3A_639, %get3A_640] {strides = array<i32>} : memref<32x1024xf32, #tpu.memory_space<vmem>>, vector<16xf32>,
      %mul3A_642 = arith.mulf %get3A_641, %get3A_71 : vector<16xf32>
      %add3A_643 = arith.addf %mul3A_638, %mul3A_642 : vector<16xf32>
      %swap3A_644 = arith.index_cast %scan3A_64 : i32 to index
      %swap3A_645 = arith.constant 752 : index
      %swap3A_646 = tpu.vector_load %arg13[%swap3A_644, %swap3A_645] {strides = array<i32>} : memref<32x1024xf32, #tpu.memory_space<vmem>>, vector<16xf32>,
      tpu.vector_store %arg13[%swap3A_644, %swap3A_645], %add3A_643 {strides = array<i32>} : memref<32x1024xf32, #tpu.memory_space<vmem>>, vector<16xf32>,
      %get3A_647 = arith.index_cast %scan3A_64 : i32 to index
      %get3A_648 = arith.constant 768 : index
      %get3A_649 = tpu.vector_load %arg12[%get3A_647, %get3A_648] {strides = array<i32>} : memref<32x1024xf32, #tpu.memory_space<vmem>>, vector<16xf32>,
      %mul3A_650 = arith.mulf %get3A_649, %get3A_68 : vector<16xf32>
      %get3A_651 = arith.index_cast %scan3A_64 : i32 to index
      %get3A_652 = arith.constant 768 : index
      %get3A_653 = tpu.vector_load %arg13[%get3A_651, %get3A_652] {strides = array<i32>} : memref<32x1024xf32, #tpu.memory_space<vmem>>, vector<16xf32>,
      %mul3A_654 = arith.mulf %get3A_653, %get3A_71 : vector<16xf32>
      %add3A_655 = arith.addf %mul3A_650, %mul3A_654 : vector<16xf32>
      %swap3A_656 = arith.index_cast %scan3A_64 : i32 to index
      %swap3A_657 = arith.constant 768 : index
      %swap3A_658 = tpu.vector_load %arg13[%swap3A_656, %swap3A_657] {strides = array<i32>} : memref<32x1024xf32, #tpu.memory_space<vmem>>, vector<16xf32>,
      tpu.vector_store %arg13[%swap3A_656, %swap3A_657], %add3A_655 {strides = array<i32>} : memref<32x1024xf32, #tpu.memory_space<vmem>>, vector<16xf32>,
      %get3A_659 = arith.index_cast %scan3A_64 : i32 to index
      %get3A_660 = arith.constant 784 : index
      %get3A_661 = tpu.vector_load %arg12[%get3A_659, %get3A_660] {strides = array<i32>} : memref<32x1024xf32, #tpu.memory_space<vmem>>, vector<16xf32>,
      %mul3A_662 = arith.mulf %get3A_661, %get3A_68 : vector<16xf32>
      %get3A_663 = arith.index_cast %scan3A_64 : i32 to index
      %get3A_664 = arith.constant 784 : index
      %get3A_665 = tpu.vector_load %arg13[%get3A_663, %get3A_664] {strides = array<i32>} : memref<32x1024xf32, #tpu.memory_space<vmem>>, vector<16xf32>,
      %mul3A_666 = arith.mulf %get3A_665, %get3A_71 : vector<16xf32>
      %add3A_667 = arith.addf %mul3A_662, %mul3A_666 : vector<16xf32>
      %swap3A_668 = arith.index_cast %scan3A_64 : i32 to index
      %swap3A_669 = arith.constant 784 : index
      %swap3A_670 = tpu.vector_load %arg13[%swap3A_668, %swap3A_669] {strides = array<i32>} : memref<32x1024xf32, #tpu.memory_space<vmem>>, vector<16xf32>,
      tpu.vector_store %arg13[%swap3A_668, %swap3A_669], %add3A_667 {strides = array<i32>} : memref<32x1024xf32, #tpu.memory_space<vmem>>, vector<16xf32>,
      %get3A_671 = arith.index_cast %scan3A_64 : i32 to index
      %get3A_672 = arith.constant 800 : index
      %get3A_673 = tpu.vector_load %arg12[%get3A_671, %get3A_672] {strides = array<i32>} : memref<32x1024xf32, #tpu.memory_space<vmem>>, vector<16xf32>,
      %mul3A_674 = arith.mulf %get3A_673, %get3A_68 : vector<16xf32>
      %get3A_675 = arith.index_cast %scan3A_64 : i32 to index
      %get3A_676 = arith.constant 800 : index
      %get3A_677 = tpu.vector_load %arg13[%get3A_675, %get3A_676] {strides = array<i32>} : memref<32x1024xf32, #tpu.memory_space<vmem>>, vector<16xf32>,
      %mul3A_678 = arith.mulf %get3A_677, %get3A_71 : vector<16xf32>
      %add3A_679 = arith.addf %mul3A_674, %mul3A_678 : vector<16xf32>
      %swap3A_680 = arith.index_cast %scan3A_64 : i32 to index
      %swap3A_681 = arith.constant 800 : index
      %swap3A_682 = tpu.vector_load %arg13[%swap3A_680, %swap3A_681] {strides = array<i32>} : memref<32x1024xf32, #tpu.memory_space<vmem>>, vector<16xf32>,
      tpu.vector_store %arg13[%swap3A_680, %swap3A_681], %add3A_679 {strides = array<i32>} : memref<32x1024xf32, #tpu.memory_space<vmem>>, vector<16xf32>,
      %get3A_683 = arith.index_cast %scan3A_64 : i32 to index
      %get3A_684 = arith.constant 816 : index
      %get3A_685 = tpu.vector_load %arg12[%get3A_683, %get3A_684] {strides = array<i32>} : memref<32x1024xf32, #tpu.memory_space<vmem>>, vector<16xf32>,
      %mul3A_686 = arith.mulf %get3A_685, %get3A_68 : vector<16xf32>
      %get3A_687 = arith.index_cast %scan3A_64 : i32 to index
      %get3A_688 = arith.constant 816 : index
      %get3A_689 = tpu.vector_load %arg13[%get3A_687, %get3A_688] {strides = array<i32>} : memref<32x1024xf32, #tpu.memory_space<vmem>>, vector<16xf32>,
      %mul3A_690 = arith.mulf %get3A_689, %get3A_71 : vector<16xf32>
      %add3A_691 = arith.addf %mul3A_686, %mul3A_690 : vector<16xf32>
      %swap3A_692 = arith.index_cast %scan3A_64 : i32 to index
      %swap3A_693 = arith.constant 816 : index
      %swap3A_694 = tpu.vector_load %arg13[%swap3A_692, %swap3A_693] {strides = array<i32>} : memref<32x1024xf32, #tpu.memory_space<vmem>>, vector<16xf32>,
      tpu.vector_store %arg13[%swap3A_692, %swap3A_693], %add3A_691 {strides = array<i32>} : memref<32x1024xf32, #tpu.memory_space<vmem>>, vector<16xf32>,
      %get3A_695 = arith.index_cast %scan3A_64 : i32 to index
      %get3A_696 = arith.constant 832 : index
      %get3A_697 = tpu.vector_load %arg12[%get3A_695, %get3A_696] {strides = array<i32>} : memref<32x1024xf32, #tpu.memory_space<vmem>>, vector<16xf32>,
      %mul3A_698 = arith.mulf %get3A_697, %get3A_68 : vector<16xf32>
      %get3A_699 = arith.index_cast %scan3A_64 : i32 to index
      %get3A_700 = arith.constant 832 : index
      %get3A_701 = tpu.vector_load %arg13[%get3A_699, %get3A_700] {strides = array<i32>} : memref<32x1024xf32, #tpu.memory_space<vmem>>, vector<16xf32>,
      %mul3A_702 = arith.mulf %get3A_701, %get3A_71 : vector<16xf32>
      %add3A_703 = arith.addf %mul3A_698, %mul3A_702 : vector<16xf32>
      %swap3A_704 = arith.index_cast %scan3A_64 : i32 to index
      %swap3A_705 = arith.constant 832 : index
      %swap3A_706 = tpu.vector_load %arg13[%swap3A_704, %swap3A_705] {strides = array<i32>} : memref<32x1024xf32, #tpu.memory_space<vmem>>, vector<16xf32>,
      tpu.vector_store %arg13[%swap3A_704, %swap3A_705], %add3A_703 {strides = array<i32>} : memref<32x1024xf32, #tpu.memory_space<vmem>>, vector<16xf32>,
      %get3A_707 = arith.index_cast %scan3A_64 : i32 to index
      %get3A_708 = arith.constant 848 : index
      %get3A_709 = tpu.vector_load %arg12[%get3A_707, %get3A_708] {strides = array<i32>} : memref<32x1024xf32, #tpu.memory_space<vmem>>, vector<16xf32>,
      %mul3A_710 = arith.mulf %get3A_709, %get3A_68 : vector<16xf32>
      %get3A_711 = arith.index_cast %scan3A_64 : i32 to index
      %get3A_712 = arith.constant 848 : index
      %get3A_713 = tpu.vector_load %arg13[%get3A_711, %get3A_712] {strides = array<i32>} : memref<32x1024xf32, #tpu.memory_space<vmem>>, vector<16xf32>,
      %mul3A_714 = arith.mulf %get3A_713, %get3A_71 : vector<16xf32>
      %add3A_715 = arith.addf %mul3A_710, %mul3A_714 : vector<16xf32>
      %swap3A_716 = arith.index_cast %scan3A_64 : i32 to index
      %swap3A_717 = arith.constant 848 : index
      %swap3A_718 = tpu.vector_load %arg13[%swap3A_716, %swap3A_717] {strides = array<i32>} : memref<32x1024xf32, #tpu.memory_space<vmem>>, vector<16xf32>,
      tpu.vector_store %arg13[%swap3A_716, %swap3A_717], %add3A_715 {strides = array<i32>} : memref<32x1024xf32, #tpu.memory_space<vmem>>, vector<16xf32>,
      %get3A_719 = arith.index_cast %scan3A_64 : i32 to index
      %get3A_720 = arith.constant 864 : index
      %get3A_721 = tpu.vector_load %arg12[%get3A_719, %get3A_720] {strides = array<i32>} : memref<32x1024xf32, #tpu.memory_space<vmem>>, vector<16xf32>,
      %mul3A_722 = arith.mulf %get3A_721, %get3A_68 : vector<16xf32>
      %get3A_723 = arith.index_cast %scan3A_64 : i32 to index
      %get3A_724 = arith.constant 864 : index
      %get3A_725 = tpu.vector_load %arg13[%get3A_723, %get3A_724] {strides = array<i32>} : memref<32x1024xf32, #tpu.memory_space<vmem>>, vector<16xf32>,
      %mul3A_726 = arith.mulf %get3A_725, %get3A_71 : vector<16xf32>
      %add3A_727 = arith.addf %mul3A_722, %mul3A_726 : vector<16xf32>
      %swap3A_728 = arith.index_cast %scan3A_64 : i32 to index
      %swap3A_729 = arith.constant 864 : index
      %swap3A_730 = tpu.vector_load %arg13[%swap3A_728, %swap3A_729] {strides = array<i32>} : memref<32x1024xf32, #tpu.memory_space<vmem>>, vector<16xf32>,
      tpu.vector_store %arg13[%swap3A_728, %swap3A_729], %add3A_727 {strides = array<i32>} : memref<32x1024xf32, #tpu.memory_space<vmem>>, vector<16xf32>,
      %get3A_731 = arith.index_cast %scan3A_64 : i32 to index
      %get3A_732 = arith.constant 880 : index
      %get3A_733 = tpu.vector_load %arg12[%get3A_731, %get3A_732] {strides = array<i32>} : memref<32x1024xf32, #tpu.memory_space<vmem>>, vector<16xf32>,
      %mul3A_734 = arith.mulf %get3A_733, %get3A_68 : vector<16xf32>
      %get3A_735 = arith.index_cast %scan3A_64 : i32 to index
      %get3A_736 = arith.constant 880 : index
      %get3A_737 = tpu.vector_load %arg13[%get3A_735, %get3A_736] {strides = array<i32>} : memref<32x1024xf32, #tpu.memory_space<vmem>>, vector<16xf32>,
      %mul3A_738 = arith.mulf %get3A_737, %get3A_71 : vector<16xf32>
      %add3A_739 = arith.addf %mul3A_734, %mul3A_738 : vector<16xf32>
      %swap3A_740 = arith.index_cast %scan3A_64 : i32 to index
      %swap3A_741 = arith.constant 880 : index
      %swap3A_742 = tpu.vector_load %arg13[%swap3A_740, %swap3A_741] {strides = array<i32>} : memref<32x1024xf32, #tpu.memory_space<vmem>>, vector<16xf32>,
      tpu.vector_store %arg13[%swap3A_740, %swap3A_741], %add3A_739 {strides = array<i32>} : memref<32x1024xf32, #tpu.memory_space<vmem>>, vector<16xf32>,
      %get3A_743 = arith.index_cast %scan3A_64 : i32 to index
      %get3A_744 = arith.constant 896 : index
      %get3A_745 = tpu.vector_load %arg12[%get3A_743, %get3A_744] {strides = array<i32>} : memref<32x1024xf32, #tpu.memory_space<vmem>>, vector<16xf32>,
      %mul3A_746 = arith.mulf %get3A_745, %get3A_68 : vector<16xf32>
      %get3A_747 = arith.index_cast %scan3A_64 : i32 to index
      %get3A_748 = arith.constant 896 : index
      %get3A_749 = tpu.vector_load %arg13[%get3A_747, %get3A_748] {strides = array<i32>} : memref<32x1024xf32, #tpu.memory_space<vmem>>, vector<16xf32>,
      %mul3A_750 = arith.mulf %get3A_749, %get3A_71 : vector<16xf32>
      %add3A_751 = arith.addf %mul3A_746, %mul3A_750 : vector<16xf32>
      %swap3A_752 = arith.index_cast %scan3A_64 : i32 to index
      %swap3A_753 = arith.constant 896 : index
      %swap3A_754 = tpu.vector_load %arg13[%swap3A_752, %swap3A_753] {strides = array<i32>} : memref<32x1024xf32, #tpu.memory_space<vmem>>, vector<16xf32>,
      tpu.vector_store %arg13[%swap3A_752, %swap3A_753], %add3A_751 {strides = array<i32>} : memref<32x1024xf32, #tpu.memory_space<vmem>>, vector<16xf32>,
      %get3A_755 = arith.index_cast %scan3A_64 : i32 to index
      %get3A_756 = arith.constant 912 : index
      %get3A_757 = tpu.vector_load %arg12[%get3A_755, %get3A_756] {strides = array<i32>} : memref<32x1024xf32, #tpu.memory_space<vmem>>, vector<16xf32>,
      %mul3A_758 = arith.mulf %get3A_757, %get3A_68 : vector<16xf32>
      %get3A_759 = arith.index_cast %scan3A_64 : i32 to index
      %get3A_760 = arith.constant 912 : index
      %get3A_761 = tpu.vector_load %arg13[%get3A_759, %get3A_760] {strides = array<i32>} : memref<32x1024xf32, #tpu.memory_space<vmem>>, vector<16xf32>,
      %mul3A_762 = arith.mulf %get3A_761, %get3A_71 : vector<16xf32>
      %add3A_763 = arith.addf %mul3A_758, %mul3A_762 : vector<16xf32>
      %swap3A_764 = arith.index_cast %scan3A_64 : i32 to index
      %swap3A_765 = arith.constant 912 : index
      %swap3A_766 = tpu.vector_load %arg13[%swap3A_764, %swap3A_765] {strides = array<i32>} : memref<32x1024xf32, #tpu.memory_space<vmem>>, vector<16xf32>,
      tpu.vector_store %arg13[%swap3A_764, %swap3A_765], %add3A_763 {strides = array<i32>} : memref<32x1024xf32, #tpu.memory_space<vmem>>, vector<16xf32>,
      %get3A_767 = arith.index_cast %scan3A_64 : i32 to index
      %get3A_768 = arith.constant 928 : index
      %get3A_769 = tpu.vector_load %arg12[%get3A_767, %get3A_768] {strides = array<i32>} : memref<32x1024xf32, #tpu.memory_space<vmem>>, vector<16xf32>,
      %mul3A_770 = arith.mulf %get3A_769, %get3A_68 : vector<16xf32>
      %get3A_771 = arith.index_cast %scan3A_64 : i32 to index
      %get3A_772 = arith.constant 928 : index
      %get3A_773 = tpu.vector_load %arg13[%get3A_771, %get3A_772] {strides = array<i32>} : memref<32x1024xf32, #tpu.memory_space<vmem>>, vector<16xf32>,
      %mul3A_774 = arith.mulf %get3A_773, %get3A_71 : vector<16xf32>
      %add3A_775 = arith.addf %mul3A_770, %mul3A_774 : vector<16xf32>
      %swap3A_776 = arith.index_cast %scan3A_64 : i32 to index
      %swap3A_777 = arith.constant 928 : index
      %swap3A_778 = tpu.vector_load %arg13[%swap3A_776, %swap3A_777] {strides = array<i32>} : memref<32x1024xf32, #tpu.memory_space<vmem>>, vector<16xf32>,
      tpu.vector_store %arg13[%swap3A_776, %swap3A_777], %add3A_775 {strides = array<i32>} : memref<32x1024xf32, #tpu.memory_space<vmem>>, vector<16xf32>,
      %get3A_779 = arith.index_cast %scan3A_64 : i32 to index
      %get3A_780 = arith.constant 944 : index
      %get3A_781 = tpu.vector_load %arg12[%get3A_779, %get3A_780] {strides = array<i32>} : memref<32x1024xf32, #tpu.memory_space<vmem>>, vector<16xf32>,
      %mul3A_782 = arith.mulf %get3A_781, %get3A_68 : vector<16xf32>
      %get3A_783 = arith.index_cast %scan3A_64 : i32 to index
      %get3A_784 = arith.constant 944 : index
      %get3A_785 = tpu.vector_load %arg13[%get3A_783, %get3A_784] {strides = array<i32>} : memref<32x1024xf32, #tpu.memory_space<vmem>>, vector<16xf32>,
      %mul3A_786 = arith.mulf %get3A_785, %get3A_71 : vector<16xf32>
      %add3A_787 = arith.addf %mul3A_782, %mul3A_786 : vector<16xf32>
      %swap3A_788 = arith.index_cast %scan3A_64 : i32 to index
      %swap3A_789 = arith.constant 944 : index
      %swap3A_790 = tpu.vector_load %arg13[%swap3A_788, %swap3A_789] {strides = array<i32>} : memref<32x1024xf32, #tpu.memory_space<vmem>>, vector<16xf32>,
      tpu.vector_store %arg13[%swap3A_788, %swap3A_789], %add3A_787 {strides = array<i32>} : memref<32x1024xf32, #tpu.memory_space<vmem>>, vector<16xf32>,
      %get3A_791 = arith.index_cast %scan3A_64 : i32 to index
      %get3A_792 = arith.constant 960 : index
      %get3A_793 = tpu.vector_load %arg12[%get3A_791, %get3A_792] {strides = array<i32>} : memref<32x1024xf32, #tpu.memory_space<vmem>>, vector<16xf32>,
      %mul3A_794 = arith.mulf %get3A_793, %get3A_68 : vector<16xf32>
      %get3A_795 = arith.index_cast %scan3A_64 : i32 to index
      %get3A_796 = arith.constant 960 : index
      %get3A_797 = tpu.vector_load %arg13[%get3A_795, %get3A_796] {strides = array<i32>} : memref<32x1024xf32, #tpu.memory_space<vmem>>, vector<16xf32>,
      %mul3A_798 = arith.mulf %get3A_797, %get3A_71 : vector<16xf32>
      %add3A_799 = arith.addf %mul3A_794, %mul3A_798 : vector<16xf32>
      %swap3A_800 = arith.index_cast %scan3A_64 : i32 to index
      %swap3A_801 = arith.constant 960 : index
      %swap3A_802 = tpu.vector_load %arg13[%swap3A_800, %swap3A_801] {strides = array<i32>} : memref<32x1024xf32, #tpu.memory_space<vmem>>, vector<16xf32>,
      tpu.vector_store %arg13[%swap3A_800, %swap3A_801], %add3A_799 {strides = array<i32>} : memref<32x1024xf32, #tpu.memory_space<vmem>>, vector<16xf32>,
      %get3A_803 = arith.index_cast %scan3A_64 : i32 to index
      %get3A_804 = arith.constant 976 : index
      %get3A_805 = tpu.vector_load %arg12[%get3A_803, %get3A_804] {strides = array<i32>} : memref<32x1024xf32, #tpu.memory_space<vmem>>, vector<16xf32>,
      %mul3A_806 = arith.mulf %get3A_805, %get3A_68 : vector<16xf32>
      %get3A_807 = arith.index_cast %scan3A_64 : i32 to index
      %get3A_808 = arith.constant 976 : index
      %get3A_809 = tpu.vector_load %arg13[%get3A_807, %get3A_808] {strides = array<i32>} : memref<32x1024xf32, #tpu.memory_space<vmem>>, vector<16xf32>,
      %mul3A_810 = arith.mulf %get3A_809, %get3A_71 : vector<16xf32>
      %add3A_811 = arith.addf %mul3A_806, %mul3A_810 : vector<16xf32>
      %swap3A_812 = arith.index_cast %scan3A_64 : i32 to index
      %swap3A_813 = arith.constant 976 : index
      %swap3A_814 = tpu.vector_load %arg13[%swap3A_812, %swap3A_813] {strides = array<i32>} : memref<32x1024xf32, #tpu.memory_space<vmem>>, vector<16xf32>,
      tpu.vector_store %arg13[%swap3A_812, %swap3A_813], %add3A_811 {strides = array<i32>} : memref<32x1024xf32, #tpu.memory_space<vmem>>, vector<16xf32>,
      %get3A_815 = arith.index_cast %scan3A_64 : i32 to index
      %get3A_816 = arith.constant 992 : index
      %get3A_817 = tpu.vector_load %arg12[%get3A_815, %get3A_816] {strides = array<i32>} : memref<32x1024xf32, #tpu.memory_space<vmem>>, vector<16xf32>,
      %mul3A_818 = arith.mulf %get3A_817, %get3A_68 : vector<16xf32>
      %get3A_819 = arith.index_cast %scan3A_64 : i32 to index
      %get3A_820 = arith.constant 992 : index
      %get3A_821 = tpu.vector_load %arg13[%get3A_819, %get3A_820] {strides = array<i32>} : memref<32x1024xf32, #tpu.memory_space<vmem>>, vector<16xf32>,
      %mul3A_822 = arith.mulf %get3A_821, %get3A_71 : vector<16xf32>
      %add3A_823 = arith.addf %mul3A_818, %mul3A_822 : vector<16xf32>
      %swap3A_824 = arith.index_cast %scan3A_64 : i32 to index
      %swap3A_825 = arith.constant 992 : index
      %swap3A_826 = tpu.vector_load %arg13[%swap3A_824, %swap3A_825] {strides = array<i32>} : memref<32x1024xf32, #tpu.memory_space<vmem>>, vector<16xf32>,
      tpu.vector_store %arg13[%swap3A_824, %swap3A_825], %add3A_823 {strides = array<i32>} : memref<32x1024xf32, #tpu.memory_space<vmem>>, vector<16xf32>,
      %get3A_827 = arith.index_cast %scan3A_64 : i32 to index
      %get3A_828 = arith.constant 1008 : index
      %get3A_829 = tpu.vector_load %arg12[%get3A_827, %get3A_828] {strides = array<i32>} : memref<32x1024xf32, #tpu.memory_space<vmem>>, vector<16xf32>,
      %mul3A_830 = arith.mulf %get3A_829, %get3A_68 : vector<16xf32>
      %get3A_831 = arith.index_cast %scan3A_64 : i32 to index
      %get3A_832 = arith.constant 1008 : index
      %get3A_833 = tpu.vector_load %arg13[%get3A_831, %get3A_832] {strides = array<i32>} : memref<32x1024xf32, #tpu.memory_space<vmem>>, vector<16xf32>,
      %mul3A_834 = arith.mulf %get3A_833, %get3A_71 : vector<16xf32>
      %add3A_835 = arith.addf %mul3A_830, %mul3A_834 : vector<16xf32>
      %swap3A_836 = arith.index_cast %scan3A_64 : i32 to index
      %swap3A_837 = arith.constant 1008 : index
      %swap3A_838 = tpu.vector_load %arg13[%swap3A_836, %swap3A_837] {strides = array<i32>} : memref<32x1024xf32, #tpu.memory_space<vmem>>, vector<16xf32>,
      tpu.vector_store %arg13[%swap3A_836, %swap3A_837], %add3A_835 {strides = array<i32>} : memref<32x1024xf32, #tpu.memory_space<vmem>>, vector<16xf32>,
    }
    %scan3A_61 = arith.constant 32 : i32
    %add3A_62 = arith.constant 32 : i32
    %add3A_63 = arith.addi %mul3A_2, %add3A_62 : i32
    "tpu.region"() ({
      %run_scoped3A = tpu.sem_alloc : memref<!tpu.dma_semaphore, #tpu.memory_space<semaphore_mem>>
      %dma_start3A_64 = arith.constant 0 : i32
      %dma_start3A_65 = tpu.memref_slice %arg7[%add3A_63, %dma_start3A_64] : memref<2048x1024xf32, #tpu.memory_space<hbm>> -> memref<32x1024xf32, #tpu.memory_space<hbm>>
      %dma_start3A_66 = arith.constant 0 : i32
      %dma_start3A_67 = tpu.memref_slice %arg7[%add3A_63, %dma_start3A_66] : memref<2048x1024xf32, #tpu.memory_space<hbm>> -> memref<32x1024xf32, #tpu.memory_space<hbm>>
      tpu.enqueue_dma source(%arg13 : memref<32x1024xf32, #tpu.memory_space<vmem>>) target(%dma_start3A_67 : memref<32x1024xf32, #tpu.memory_space<hbm>>) target_semaphore(%run_scoped3A : memref<!tpu.dma_semaphore, #tpu.memory_space<semaphore_mem>>)
      %dma_wait3A_68 = arith.constant 0 : i32
      %dma_wait3A_69 = tpu.memref_slice %arg7[%add3A_63, %dma_wait3A_68] : memref<2048x1024xf32, #tpu.memory_space<hbm>> -> memref<32x1024xf32, #tpu.memory_space<hbm>>
      %dma_wait3A_70 = arith.constant 0 : i32
      %dma_wait3A_71 = tpu.memref_slice %arg7[%add3A_63, %dma_wait3A_70] : memref<2048x1024xf32, #tpu.memory_space<hbm>> -> memref<32x1024xf32, #tpu.memory_space<hbm>>
      tpu.wait_dma2 semaphore(%run_scoped3A : memref<!tpu.dma_semaphore, #tpu.memory_space<semaphore_mem>>) src(%arg13 : memref<32x1024xf32, #tpu.memory_space<vmem>>) dst(%dma_wait3A_71 : memref<32x1024xf32, #tpu.memory_space<hbm>>)
      tpu.yield
    }) : () -> ()
    return
  }
}

#map = affine_map<(d0, d1) -> (0)>
#map1 = affine_map<(d0, d1) -> (0, 0)>
module attributes {stable_mosaic.version = 14 : i64} {
  func.func @_sc_dispatch(%arg0: i32, %arg1: i32, %arg2: memref<2048xi32, #tpu.memory_space<hbm>>, %arg3: memref<2048xi32, #tpu.memory_space<hbm>>, %arg4: memref<2048x1024xf32, #tpu.memory_space<hbm>>, %arg5: memref<6144x1024xf32, #tpu.memory_space<hbm>>, %arg6: memref<64xi32, #tpu.memory_space<vmem>>, %arg7: memref<64xi32, #tpu.memory_space<vmem>>, %arg8: memref<64x1024xf32, #tpu.memory_space<vmem>>, %arg9: memref<!tpu.dma_semaphore, #tpu.memory_space<semaphore_mem>>, %arg10: memref<!tpu.dma_semaphore, #tpu.memory_space<semaphore_mem>>, %arg11: memref<!tpu.dma_semaphore, #tpu.memory_space<semaphore_mem>>) attributes {dimension_semantics = [#tpu.dimension_semantics<core_parallel>, #tpu.dimension_semantics<subcore_parallel>], iteration_bounds = array<i64: 2, 16>, scalar_prefetch = 0 : i64, scratch_operands = 6 : i64, tpu.core_type = #tpu.core_type<sc_vector_subcore>, window_params = [{transform_indices = #map}, {transform_indices = #map}, {transform_indices = #map1}, {transform_indices = #map1}]} {
    %mul3A = arith.constant 2 : i32
    %mul3A_0 = arith.muli %arg1, %mul3A : i32
    %add3A = arith.addi %mul3A_0, %arg0 : i32
    %mul3A_1 = arith.constant 64 : i32
    %mul3A_2 = arith.muli %add3A, %mul3A_1 : i32
    %dma_start3A = tpu.memref_slice %arg2[%mul3A_2] : memref<2048xi32, #tpu.memory_space<hbm>> -> memref<64xi32, #tpu.memory_space<hbm>>
    %dma_start3A_3 = tpu.memref_slice %arg2[%mul3A_2] : memref<2048xi32, #tpu.memory_space<hbm>> -> memref<64xi32, #tpu.memory_space<hbm>>
    tpu.enqueue_dma source(%dma_start3A_3 : memref<64xi32, #tpu.memory_space<hbm>>) target(%arg6 : memref<64xi32, #tpu.memory_space<vmem>>) target_semaphore(%arg9 : memref<!tpu.dma_semaphore, #tpu.memory_space<semaphore_mem>>)
    %dma_start3A_4 = tpu.memref_slice %arg3[%mul3A_2] : memref<2048xi32, #tpu.memory_space<hbm>> -> memref<64xi32, #tpu.memory_space<hbm>>
    %dma_start3A_5 = tpu.memref_slice %arg3[%mul3A_2] : memref<2048xi32, #tpu.memory_space<hbm>> -> memref<64xi32, #tpu.memory_space<hbm>>
    tpu.enqueue_dma source(%dma_start3A_5 : memref<64xi32, #tpu.memory_space<hbm>>) target(%arg7 : memref<64xi32, #tpu.memory_space<vmem>>) target_semaphore(%arg10 : memref<!tpu.dma_semaphore, #tpu.memory_space<semaphore_mem>>)
    "tpu.region"() ({
      %run_scoped3A = tpu.sem_alloc : memref<!tpu.dma_semaphore, #tpu.memory_space<semaphore_mem>>
      %dma_start3A_21 = arith.constant 0 : i32
      %dma_start3A_22 = tpu.memref_slice %arg4[%mul3A_2, %dma_start3A_21] : memref<2048x1024xf32, #tpu.memory_space<hbm>> -> memref<64x1024xf32, #tpu.memory_space<hbm>>
      %dma_start3A_23 = arith.constant 0 : i32
      %dma_start3A_24 = tpu.memref_slice %arg4[%mul3A_2, %dma_start3A_23] : memref<2048x1024xf32, #tpu.memory_space<hbm>> -> memref<64x1024xf32, #tpu.memory_space<hbm>>
      tpu.enqueue_dma source(%dma_start3A_24 : memref<64x1024xf32, #tpu.memory_space<hbm>>) target(%arg8 : memref<64x1024xf32, #tpu.memory_space<vmem>>) target_semaphore(%run_scoped3A : memref<!tpu.dma_semaphore, #tpu.memory_space<semaphore_mem>>)
      %dma_wait3A_25 = arith.constant 0 : i32
      %dma_wait3A_26 = tpu.memref_slice %arg4[%mul3A_2, %dma_wait3A_25] : memref<2048x1024xf32, #tpu.memory_space<hbm>> -> memref<64x1024xf32, #tpu.memory_space<hbm>>
      %dma_wait3A_27 = arith.constant 0 : i32
      %dma_wait3A_28 = tpu.memref_slice %arg4[%mul3A_2, %dma_wait3A_27] : memref<2048x1024xf32, #tpu.memory_space<hbm>> -> memref<64x1024xf32, #tpu.memory_space<hbm>>
      tpu.wait_dma2 semaphore(%run_scoped3A : memref<!tpu.dma_semaphore, #tpu.memory_space<semaphore_mem>>) src(%dma_wait3A_28 : memref<64x1024xf32, #tpu.memory_space<hbm>>) dst(%arg8 : memref<64x1024xf32, #tpu.memory_space<vmem>>)
      tpu.yield
    }) : () -> ()
    %dma_wait3A = tpu.memref_slice %arg2[%mul3A_2] : memref<2048xi32, #tpu.memory_space<hbm>> -> memref<64xi32, #tpu.memory_space<hbm>>
    %dma_wait3A_6 = tpu.memref_slice %arg2[%mul3A_2] : memref<2048xi32, #tpu.memory_space<hbm>> -> memref<64xi32, #tpu.memory_space<hbm>>
    tpu.wait_dma2 semaphore(%arg9 : memref<!tpu.dma_semaphore, #tpu.memory_space<semaphore_mem>>) src(%dma_wait3A_6 : memref<64xi32, #tpu.memory_space<hbm>>) dst(%arg6 : memref<64xi32, #tpu.memory_space<vmem>>)
    %dma_wait3A_7 = tpu.memref_slice %arg3[%mul3A_2] : memref<2048xi32, #tpu.memory_space<hbm>> -> memref<64xi32, #tpu.memory_space<hbm>>
    %dma_wait3A_8 = tpu.memref_slice %arg3[%mul3A_2] : memref<2048xi32, #tpu.memory_space<hbm>> -> memref<64xi32, #tpu.memory_space<hbm>>
    tpu.wait_dma2 semaphore(%arg10 : memref<!tpu.dma_semaphore, #tpu.memory_space<semaphore_mem>>) src(%dma_wait3A_8 : memref<64xi32, #tpu.memory_space<hbm>>) dst(%arg7 : memref<64xi32, #tpu.memory_space<vmem>>)
    %dma_start3A_9 = arith.constant 0 : i32
    %dma_start3A_10 = arith.constant 0 : i32
    %dma_start3A_11 = tpu.memref_slice %arg5[%dma_start3A_9, %dma_start3A_10] : memref<6144x1024xf32, #tpu.memory_space<hbm>> -> memref<6144x1024xf32, #tpu.memory_space<hbm>>
    tpu.enqueue_indirect_dma source(%arg8 : memref<64x1024xf32, #tpu.memory_space<vmem>>) target(%dma_start3A_11 : memref<6144x1024xf32, #tpu.memory_space<hbm>>) offsets(%arg6 : memref<64xi32, #tpu.memory_space<vmem>>) semaphore(%arg9 : memref<!tpu.dma_semaphore, #tpu.memory_space<semaphore_mem>>)
    %dma_start3A_12 = arith.constant 0 : i32
    %dma_start3A_13 = arith.constant 0 : i32
    %dma_start3A_14 = tpu.memref_slice %arg5[%dma_start3A_12, %dma_start3A_13] : memref<6144x1024xf32, #tpu.memory_space<hbm>> -> memref<6144x1024xf32, #tpu.memory_space<hbm>>
    tpu.enqueue_indirect_dma source(%arg8 : memref<64x1024xf32, #tpu.memory_space<vmem>>) target(%dma_start3A_14 : memref<6144x1024xf32, #tpu.memory_space<hbm>>) offsets(%arg7 : memref<64xi32, #tpu.memory_space<vmem>>) semaphore(%arg10 : memref<!tpu.dma_semaphore, #tpu.memory_space<semaphore_mem>>)
    %dma_wait3A_15 = arith.constant 0 : i32
    %dma_wait3A_16 = arith.constant 0 : i32
    %dma_wait3A_17 = tpu.memref_slice %arg5[%dma_wait3A_15, %dma_wait3A_16] : memref<6144x1024xf32, #tpu.memory_space<hbm>> -> memref<6144x1024xf32, #tpu.memory_space<hbm>>
    tpu.wait_indirect_dma semaphore(%arg9 : memref<!tpu.dma_semaphore, #tpu.memory_space<semaphore_mem>>) src(%arg8 : memref<64x1024xf32, #tpu.memory_space<vmem>>) dst(%dma_wait3A_17 : memref<6144x1024xf32, #tpu.memory_space<hbm>>)
    %dma_wait3A_18 = arith.constant 0 : i32
    %dma_wait3A_19 = arith.constant 0 : i32
    %dma_wait3A_20 = tpu.memref_slice %arg5[%dma_wait3A_18, %dma_wait3A_19] : memref<6144x1024xf32, #tpu.memory_space<hbm>> -> memref<6144x1024xf32, #tpu.memory_space<hbm>>
    tpu.wait_indirect_dma semaphore(%arg10 : memref<!tpu.dma_semaphore, #tpu.memory_space<semaphore_mem>>) src(%arg8 : memref<64x1024xf32, #tpu.memory_space<vmem>>) dst(%dma_wait3A_20 : memref<6144x1024xf32, #tpu.memory_space<hbm>>)
    return
  }
}

module attributes {stable_mosaic.version = 14 : i64} {
  func.func @_ffn_body(%arg0: i32, %arg1: memref<24xi32, #tpu.memory_space<smem>>, %arg2: memref<1xi32, #tpu.memory_space<smem>>, %arg3: memref<256x1024xf32, #tpu.memory_space<vmem>>, %arg4: memref<1x2048x1024xf32, #tpu.memory_space<vmem>>, %arg5: memref<1x1024x1024xf32, #tpu.memory_space<vmem>>, %arg6: memref<256x1024xf32, #tpu.memory_space<vmem>>) attributes {dimension_semantics = [#tpu.dimension_semantics<arbitrary>], iteration_bounds = array<i64: 24>, scalar_prefetch = 2 : i64, scratch_operands = 0 : i64, tpu.core_type = #tpu.core_type<tc>, window_params = [{transform_indices = @transform_0, window_bounds = array<i64: 256, 1024>}, {transform_indices = @transform_1, window_bounds = array<i64: 1, 2048, 1024>}, {transform_indices = @transform_2, window_bounds = array<i64: 1, 1024, 1024>}, {transform_indices = @transform_3, window_bounds = array<i64: 256, 1024>}]} {
    %get3A = arith.constant 0 : index
    %get3A_0 = memref.load %arg2[%get3A] : memref<1xi32, #tpu.memory_space<smem>>
    %lt3A = arith.cmpi slt, %arg0, %get3A_0 : i32
    %convert_element_type3A = arith.extui %lt3A : i1 to i32
    %cond3A = arith.constant 0 : i32
    %cond3A_1 = arith.cmpi ne, %convert_element_type3A, %cond3A : i32
    scf.if %cond3A_1 {
      %get3A_2 = arith.constant 0 : index
      %get3A_3 = arith.constant 0 : index
      %get3A_4 = vector.load %arg3[%get3A_2, %get3A_3] : memref<256x1024xf32, #tpu.memory_space<vmem>>, vector<256x1024xf32>
      %get3A_5 = arith.constant 0 : index
      %get3A_6 = arith.constant 0 : index
      %get3A_7 = arith.constant 0 : index
      %get3A_8 = vector.load %arg4[%get3A_5, %get3A_6, %get3A_7] : memref<1x2048x1024xf32, #tpu.memory_space<vmem>>, vector<1x2048x1024xf32>
      %get3A_9 = vector.shape_cast %get3A_8 : vector<1x2048x1024xf32> to vector<2048x1024xf32>
      %dot_general3A = arith.constant dense<0.000000e+00> : vector<256x2048xf32>
      %dot_general3A_10 = tpu.matmul %get3A_4, %get3A_9, %dot_general3A {dimension_numbers = #tpu.dot_dimension_numbers<[1], [1], [0], [0], [0, 0, 1, 0], [], []>, transpose_lhs_hint = false} : vector<256x1024xf32>, vector<2048x1024xf32>, vector<256x2048xf32> -> vector<256x2048xf32>
      %slice3A = vector.extract_strided_slice %dot_general3A_10 {offsets = [0, 0], sizes = [256, 1024], strides = [1, 1]} : vector<256x2048xf32> to vector<256x1024xf32>
      %slice3A_11 = vector.extract_strided_slice %dot_general3A_10 {offsets = [0, 1024], sizes = [256, 1024], strides = [1, 1]} : vector<256x2048xf32> to vector<256x1024xf32>
      %logistic3A = arith.negf %slice3A : vector<256x1024xf32>
      %logistic3A_12 = math.exp %logistic3A : vector<256x1024xf32>
      %logistic3A_13 = arith.constant 1.000000e+00 : f32
      %logistic3A_14 = vector.broadcast %logistic3A_13 : f32 to vector<256x1024xf32>
      %logistic3A_15 = arith.addf %logistic3A_14, %logistic3A_12 : vector<256x1024xf32>
      %logistic3A_16 = arith.divf %logistic3A_14, %logistic3A_15 : vector<256x1024xf32>
      %mul3A = arith.mulf %slice3A, %logistic3A_16 : vector<256x1024xf32>
      %mul3A_17 = arith.mulf %mul3A, %slice3A_11 : vector<256x1024xf32>
      %get3A_18 = arith.constant 0 : index
      %get3A_19 = arith.constant 0 : index
      %get3A_20 = arith.constant 0 : index
      %get3A_21 = vector.load %arg5[%get3A_18, %get3A_19, %get3A_20] : memref<1x1024x1024xf32, #tpu.memory_space<vmem>>, vector<1x1024x1024xf32>
      %get3A_22 = vector.shape_cast %get3A_21 : vector<1x1024x1024xf32> to vector<1024x1024xf32>
      %dot_general3A_23 = arith.constant dense<0.000000e+00> : vector<256x1024xf32>
      %dot_general3A_24 = tpu.matmul %mul3A_17, %get3A_22, %dot_general3A_23 {dimension_numbers = #tpu.dot_dimension_numbers<[1], [1], [0], [0], [0, 0, 1, 0], [], []>, transpose_lhs_hint = false} : vector<256x1024xf32>, vector<1024x1024xf32>, vector<256x1024xf32> -> vector<256x1024xf32>
      %swap3A = arith.constant 0 : index
      %swap3A_25 = arith.constant 0 : index
      %swap3A_26 = vector.load %arg6[%swap3A, %swap3A_25] : memref<256x1024xf32, #tpu.memory_space<vmem>>, vector<256x1024xf32>
      tpu.vector_store %arg6[%swap3A, %swap3A_25], %dot_general3A_24 {strides = array<i32>} : memref<256x1024xf32, #tpu.memory_space<vmem>>, vector<256x1024xf32>,
    } else {
    }
    return
  }
  func.func @transform_0(%arg0: i32, %arg1: memref<24xi32, #tpu.memory_space<smem>>, %arg2: memref<1xi32, #tpu.memory_space<smem>>) -> (i32, i32) {
    %c0_i32 = arith.constant 0 : i32
    %c0_i32_0 = arith.constant 0 : i32
    return %arg0, %c0_i32 : i32, i32
  }
  func.func @transform_1(%arg0: i32, %arg1: memref<24xi32, #tpu.memory_space<smem>>, %arg2: memref<1xi32, #tpu.memory_space<smem>>) -> (i32, i32, i32) {
    %get3A = arith.index_cast %arg0 : i32 to index
    %get3A_0 = memref.load %arg1[%get3A] : memref<24xi32, #tpu.memory_space<smem>>
    %c0_i32 = arith.constant 0 : i32
    %c0_i32_1 = arith.constant 0 : i32
    %c0_i32_2 = arith.constant 0 : i32
    return %get3A_0, %c0_i32, %c0_i32_1 : i32, i32, i32
  }
  func.func @transform_2(%arg0: i32, %arg1: memref<24xi32, #tpu.memory_space<smem>>, %arg2: memref<1xi32, #tpu.memory_space<smem>>) -> (i32, i32, i32) {
    %get3A = arith.index_cast %arg0 : i32 to index
    %get3A_0 = memref.load %arg1[%get3A] : memref<24xi32, #tpu.memory_space<smem>>
    %c0_i32 = arith.constant 0 : i32
    %c0_i32_1 = arith.constant 0 : i32
    %c0_i32_2 = arith.constant 0 : i32
    return %get3A_0, %c0_i32, %c0_i32_1 : i32, i32, i32
  }
  func.func @transform_3(%arg0: i32, %arg1: memref<24xi32, #tpu.memory_space<smem>>, %arg2: memref<1xi32, #tpu.memory_space<smem>>) -> (i32, i32) {
    %c0_i32 = arith.constant 0 : i32
    %c0_i32_0 = arith.constant 0 : i32
    return %arg0, %c0_i32 : i32, i32
  }
}

module attributes {stable_mosaic.version = 14 : i64} {
  func.func @_routing_body(%arg0: memref<2048x8xf32, #tpu.memory_space<vmem>>, %arg1: memref<1x2048xi32, #tpu.memory_space<vmem>>, %arg2: memref<1x2048xi32, #tpu.memory_space<vmem>>, %arg3: memref<2048x16xf32, #tpu.memory_space<vmem>>, %arg4: memref<2048x16xf32, #tpu.memory_space<vmem>>, %arg5: memref<1x24xi32, #tpu.memory_space<vmem>>, %arg6: memref<1x1xi32, #tpu.memory_space<vmem>>) attributes {dimension_semantics = [], scalar_prefetch = 0 : i64, scratch_operands = 0 : i64, tpu.core_type = #tpu.core_type<tc>} {
    %get3A = arith.constant 0 : index
    %get3A_0 = arith.constant 0 : index
    %get3A_1 = vector.load %arg0[%get3A, %get3A_0] : memref<2048x8xf32, #tpu.memory_space<vmem>>, vector<2048x8xf32>
    %iota3A = tpu.iota {dimensions = array<i32: 1>} : vector<2048x8xi32>
    %reduce_max3A = arith.constant dense<0xFF800000> : vector<2048xf32>
    %reduce_max3A_2 = vector.multi_reduction <maximumf>, %get3A_1, %reduce_max3A [1] : vector<2048x8xf32> to vector<2048xf32>
    %broadcast_in_dim3A = vector.shape_cast %reduce_max3A_2 : vector<2048xf32> to vector<2048x1xf32>
    %eq3A = vector.broadcast %broadcast_in_dim3A : vector<2048x1xf32> to vector<2048x8xf32>
    %eq3A_3 = arith.cmpf oeq, %get3A_1, %eq3A : vector<2048x8xf32>
    %jit3A = arith.constant 8 : i32
    %broadcast_in_dim3A_4 = vector.broadcast %jit3A : i32 to vector<2048x8xi32>
    %select_n3A = arith.select %eq3A_3, %iota3A, %broadcast_in_dim3A_4 : vector<2048x8xi1>, vector<2048x8xi32>
    %reduce_min3A = arith.constant dense<2147483647> : vector<2048xi32>
    %reduce_min3A_5 = vector.multi_reduction <minsi>, %select_n3A, %reduce_min3A [1] : vector<2048x8xi32> to vector<2048xi32>
    %broadcast_in_dim3A_6 = vector.shape_cast %reduce_min3A_5 : vector<2048xi32> to vector<2048x1xi32>
    %eq3A_7 = vector.broadcast %broadcast_in_dim3A_6 : vector<2048x1xi32> to vector<2048x8xi32>
    %eq3A_8 = arith.cmpi eq, %iota3A, %eq3A_7 : vector<2048x8xi32>
    %jit3A_9 = arith.constant 0xFF800000 : f32
    %broadcast_in_dim3A_10 = vector.broadcast %jit3A_9 : f32 to vector<2048x8xf32>
    %select_n3A_11 = arith.select %eq3A_8, %broadcast_in_dim3A_10, %get3A_1 : vector<2048x8xi1>, vector<2048x8xf32>
    %reduce_max3A_12 = arith.constant dense<0xFF800000> : vector<2048xf32>
    %reduce_max3A_13 = vector.multi_reduction <maximumf>, %select_n3A_11, %reduce_max3A_12 [1] : vector<2048x8xf32> to vector<2048xf32>
    %broadcast_in_dim3A_14 = vector.shape_cast %reduce_max3A_13 : vector<2048xf32> to vector<2048x1xf32>
    %eq3A_15 = vector.broadcast %broadcast_in_dim3A_14 : vector<2048x1xf32> to vector<2048x8xf32>
    %eq3A_16 = arith.cmpf oeq, %select_n3A_11, %eq3A_15 : vector<2048x8xf32>
    %jit3A_17 = arith.constant 8 : i32
    %broadcast_in_dim3A_18 = vector.broadcast %jit3A_17 : i32 to vector<2048x8xi32>
    %select_n3A_19 = arith.select %eq3A_16, %iota3A, %broadcast_in_dim3A_18 : vector<2048x8xi1>, vector<2048x8xi32>
    %reduce_min3A_20 = arith.constant dense<2147483647> : vector<2048xi32>
    %reduce_min3A_21 = vector.multi_reduction <minsi>, %select_n3A_19, %reduce_min3A_20 [1] : vector<2048x8xi32> to vector<2048xi32>
    %broadcast_in_dim3A_22 = vector.shape_cast %reduce_min3A_21 : vector<2048xi32> to vector<2048x1xi32>
    %sub3A = arith.subf %broadcast_in_dim3A, %broadcast_in_dim3A_14 : vector<2048x1xf32>
    %logistic3A = arith.negf %sub3A : vector<2048x1xf32>
    %logistic3A_23 = math.exp %logistic3A : vector<2048x1xf32>
    %logistic3A_24 = arith.constant 1.000000e+00 : f32
    %logistic3A_25 = vector.broadcast %logistic3A_24 : f32 to vector<2048x1xf32>
    %logistic3A_26 = arith.addf %logistic3A_25, %logistic3A_23 : vector<2048x1xf32>
    %logistic3A_27 = arith.divf %logistic3A_25, %logistic3A_26 : vector<2048x1xf32>
    %eq3A_28 = vector.broadcast %broadcast_in_dim3A_6 : vector<2048x1xi32> to vector<2048x8xi32>
    %eq3A_29 = arith.cmpi eq, %iota3A, %eq3A_28 : vector<2048x8xi32>
    %eq3A_30 = vector.broadcast %broadcast_in_dim3A_22 : vector<2048x1xi32> to vector<2048x8xi32>
    %eq3A_31 = arith.cmpi eq, %iota3A, %eq3A_30 : vector<2048x8xi32>
    %convert_element_type3A = arith.extui %eq3A_29 : vector<2048x8xi1> to vector<2048x8xi32>
    %convert_element_type3A_32 = arith.extui %eq3A_31 : vector<2048x8xi1> to vector<2048x8xi32>
    %add3A = arith.addi %convert_element_type3A, %convert_element_type3A_32 : vector<2048x8xi32>
    %broadcast_in_dim3A_33 = arith.constant 0 : i32
    %broadcast_in_dim3A_34 = vector.broadcast %broadcast_in_dim3A_33 : i32 to vector<1x8xi32>
    %slice3A = vector.extract_strided_slice %add3A {offsets = [0, 0], sizes = [2047, 8], strides = [1, 1]} : vector<2048x8xi32> to vector<2047x8xi32>
    %concatenate3A = tpu.concatenate %broadcast_in_dim3A_34, %slice3A in 0 : vector<1x8xi32>, vector<2047x8xi32> -> vector<2048x8xi32>
    %add3A_35 = arith.addi %add3A, %concatenate3A : vector<2048x8xi32>
    %broadcast_in_dim3A_36 = arith.constant 0 : i32
    %broadcast_in_dim3A_37 = vector.broadcast %broadcast_in_dim3A_36 : i32 to vector<2x8xi32>
    %slice3A_38 = vector.extract_strided_slice %add3A_35 {offsets = [0, 0], sizes = [2046, 8], strides = [1, 1]} : vector<2048x8xi32> to vector<2046x8xi32>
    %concatenate3A_39 = tpu.concatenate %broadcast_in_dim3A_37, %slice3A_38 in 0 : vector<2x8xi32>, vector<2046x8xi32> -> vector<2048x8xi32>
    %add3A_40 = arith.addi %add3A_35, %concatenate3A_39 : vector<2048x8xi32>
    %broadcast_in_dim3A_41 = arith.constant 0 : i32
    %broadcast_in_dim3A_42 = vector.broadcast %broadcast_in_dim3A_41 : i32 to vector<4x8xi32>
    %slice3A_43 = vector.extract_strided_slice %add3A_40 {offsets = [0, 0], sizes = [2044, 8], strides = [1, 1]} : vector<2048x8xi32> to vector<2044x8xi32>
    %concatenate3A_44 = tpu.concatenate %broadcast_in_dim3A_42, %slice3A_43 in 0 : vector<4x8xi32>, vector<2044x8xi32> -> vector<2048x8xi32>
    %add3A_45 = arith.addi %add3A_40, %concatenate3A_44 : vector<2048x8xi32>
    %broadcast_in_dim3A_46 = arith.constant 0 : i32
    %broadcast_in_dim3A_47 = vector.broadcast %broadcast_in_dim3A_46 : i32 to vector<8x8xi32>
    %slice3A_48 = vector.extract_strided_slice %add3A_45 {offsets = [0, 0], sizes = [2040, 8], strides = [1, 1]} : vector<2048x8xi32> to vector<2040x8xi32>
    %concatenate3A_49 = tpu.concatenate %broadcast_in_dim3A_47, %slice3A_48 in 0 : vector<8x8xi32>, vector<2040x8xi32> -> vector<2048x8xi32>
    %add3A_50 = arith.addi %add3A_45, %concatenate3A_49 : vector<2048x8xi32>
    %broadcast_in_dim3A_51 = arith.constant 0 : i32
    %broadcast_in_dim3A_52 = vector.broadcast %broadcast_in_dim3A_51 : i32 to vector<16x8xi32>
    %slice3A_53 = vector.extract_strided_slice %add3A_50 {offsets = [0, 0], sizes = [2032, 8], strides = [1, 1]} : vector<2048x8xi32> to vector<2032x8xi32>
    %concatenate3A_54 = tpu.concatenate %broadcast_in_dim3A_52, %slice3A_53 in 0 : vector<16x8xi32>, vector<2032x8xi32> -> vector<2048x8xi32>
    %add3A_55 = arith.addi %add3A_50, %concatenate3A_54 : vector<2048x8xi32>
    %broadcast_in_dim3A_56 = arith.constant 0 : i32
    %broadcast_in_dim3A_57 = vector.broadcast %broadcast_in_dim3A_56 : i32 to vector<32x8xi32>
    %slice3A_58 = vector.extract_strided_slice %add3A_55 {offsets = [0, 0], sizes = [2016, 8], strides = [1, 1]} : vector<2048x8xi32> to vector<2016x8xi32>
    %concatenate3A_59 = tpu.concatenate %broadcast_in_dim3A_57, %slice3A_58 in 0 : vector<32x8xi32>, vector<2016x8xi32> -> vector<2048x8xi32>
    %add3A_60 = arith.addi %add3A_55, %concatenate3A_59 : vector<2048x8xi32>
    %broadcast_in_dim3A_61 = arith.constant 0 : i32
    %broadcast_in_dim3A_62 = vector.broadcast %broadcast_in_dim3A_61 : i32 to vector<64x8xi32>
    %slice3A_63 = vector.extract_strided_slice %add3A_60 {offsets = [0, 0], sizes = [1984, 8], strides = [1, 1]} : vector<2048x8xi32> to vector<1984x8xi32>
    %concatenate3A_64 = tpu.concatenate %broadcast_in_dim3A_62, %slice3A_63 in 0 : vector<64x8xi32>, vector<1984x8xi32> -> vector<2048x8xi32>
    %add3A_65 = arith.addi %add3A_60, %concatenate3A_64 : vector<2048x8xi32>
    %broadcast_in_dim3A_66 = arith.constant 0 : i32
    %broadcast_in_dim3A_67 = vector.broadcast %broadcast_in_dim3A_66 : i32 to vector<128x8xi32>
    %slice3A_68 = vector.extract_strided_slice %add3A_65 {offsets = [0, 0], sizes = [1920, 8], strides = [1, 1]} : vector<2048x8xi32> to vector<1920x8xi32>
    %concatenate3A_69 = tpu.concatenate %broadcast_in_dim3A_67, %slice3A_68 in 0 : vector<128x8xi32>, vector<1920x8xi32> -> vector<2048x8xi32>
    %add3A_70 = arith.addi %add3A_65, %concatenate3A_69 : vector<2048x8xi32>
    %broadcast_in_dim3A_71 = arith.constant 0 : i32
    %broadcast_in_dim3A_72 = vector.broadcast %broadcast_in_dim3A_71 : i32 to vector<256x8xi32>
    %slice3A_73 = vector.extract_strided_slice %add3A_70 {offsets = [0, 0], sizes = [1792, 8], strides = [1, 1]} : vector<2048x8xi32> to vector<1792x8xi32>
    %concatenate3A_74 = tpu.concatenate %broadcast_in_dim3A_72, %slice3A_73 in 0 : vector<256x8xi32>, vector<1792x8xi32> -> vector<2048x8xi32>
    %add3A_75 = arith.addi %add3A_70, %concatenate3A_74 : vector<2048x8xi32>
    %broadcast_in_dim3A_76 = arith.constant 0 : i32
    %broadcast_in_dim3A_77 = vector.broadcast %broadcast_in_dim3A_76 : i32 to vector<512x8xi32>
    %slice3A_78 = vector.extract_strided_slice %add3A_75 {offsets = [0, 0], sizes = [1536, 8], strides = [1, 1]} : vector<2048x8xi32> to vector<1536x8xi32>
    %concatenate3A_79 = tpu.concatenate %broadcast_in_dim3A_77, %slice3A_78 in 0 : vector<512x8xi32>, vector<1536x8xi32> -> vector<2048x8xi32>
    %add3A_80 = arith.addi %add3A_75, %concatenate3A_79 : vector<2048x8xi32>
    %broadcast_in_dim3A_81 = arith.constant 0 : i32
    %broadcast_in_dim3A_82 = vector.broadcast %broadcast_in_dim3A_81 : i32 to vector<1024x8xi32>
    %slice3A_83 = vector.extract_strided_slice %add3A_80 {offsets = [0, 0], sizes = [1024, 8], strides = [1, 1]} : vector<2048x8xi32> to vector<1024x8xi32>
    %concatenate3A_84 = tpu.concatenate %broadcast_in_dim3A_82, %slice3A_83 in 0 : vector<1024x8xi32>, vector<1024x8xi32> -> vector<2048x8xi32>
    %add3A_85 = arith.addi %add3A_80, %concatenate3A_84 : vector<2048x8xi32>
    %sub3A_86 = arith.subi %add3A_85, %add3A : vector<2048x8xi32>
    %slice3A_87 = vector.extract_strided_slice %add3A_85 {offsets = [2047, 0], sizes = [1, 8], strides = [1, 1]} : vector<2048x8xi32> to vector<1x8xi32>
    %add3A_88 = arith.constant 255 : i32
    %add3A_89 = vector.broadcast %add3A_88 : i32 to vector<1x8xi32>
    %add3A_90 = arith.addi %slice3A_87, %add3A_89 : vector<1x8xi32>
    %jit3A_91 = arith.constant 256 : i32
    %div3A = vector.broadcast %jit3A_91 : i32 to vector<1x8xi32>
    %div3A_92 = arith.divsi %add3A_90, %div3A : vector<1x8xi32>
    %sign3A = arith.constant 0 : i32
    %sign3A_93 = vector.broadcast %sign3A : i32 to vector<1x8xi32>
    %sign3A_94 = arith.cmpi sgt, %add3A_90, %sign3A_93 : vector<1x8xi32>
    %sign3A_95 = arith.extui %sign3A_94 : vector<1x8xi1> to vector<1x8xi32>
    %sign3A_96 = arith.constant 0 : i32
    %sign3A_97 = vector.broadcast %sign3A_96 : i32 to vector<1x8xi32>
    %sign3A_98 = arith.cmpi slt, %add3A_90, %sign3A_97 : vector<1x8xi32>
    %sign3A_99 = arith.extui %sign3A_98 : vector<1x8xi1> to vector<1x8xi32>
    %sign3A_100 = arith.subi %sign3A_95, %sign3A_99 : vector<1x8xi32>
    %sign3A_101 = arith.constant 0 : i32
    %sign3A_102 = arith.cmpi sgt, %jit3A_91, %sign3A_101 : i32
    %sign3A_103 = arith.extui %sign3A_102 : i1 to i32
    %sign3A_104 = arith.constant 0 : i32
    %sign3A_105 = arith.cmpi slt, %jit3A_91, %sign3A_104 : i32
    %sign3A_106 = arith.extui %sign3A_105 : i1 to i32
    %sign3A_107 = arith.subi %sign3A_103, %sign3A_106 : i32
    %ne3A = vector.broadcast %sign3A_107 : i32 to vector<1x8xi32>
    %ne3A_108 = arith.cmpi ne, %sign3A_100, %ne3A : vector<1x8xi32>
    %rem3A = vector.broadcast %jit3A_91 : i32 to vector<1x8xi32>
    %rem3A_109 = arith.remsi %add3A_90, %rem3A : vector<1x8xi32>
    %ne3A_110 = arith.constant 0 : i32
    %ne3A_111 = vector.broadcast %ne3A_110 : i32 to vector<1x8xi32>
    %ne3A_112 = arith.cmpi ne, %rem3A_109, %ne3A_111 : vector<1x8xi32>
    %and3A = arith.andi %ne3A_108, %ne3A_112 : vector<1x8xi1>
    %sub3A_113 = arith.constant 1 : i32
    %sub3A_114 = vector.broadcast %sub3A_113 : i32 to vector<1x8xi32>
    %sub3A_115 = arith.subi %div3A_92, %sub3A_114 : vector<1x8xi32>
    %select_n3A_116 = arith.select %and3A, %sub3A_115, %div3A_92 : vector<1x8xi1>, vector<1x8xi32>
    %mul3A = arith.constant 256 : i32
    %mul3A_117 = vector.broadcast %mul3A : i32 to vector<1x8xi32>
    %mul3A_118 = arith.muli %select_n3A_116, %mul3A_117 : vector<1x8xi32>
    %broadcast_in_dim3A_119 = arith.constant 0 : i32
    %broadcast_in_dim3A_120 = vector.broadcast %broadcast_in_dim3A_119 : i32 to vector<1x1xi32>
    %slice3A_121 = vector.extract_strided_slice %mul3A_118 {offsets = [0, 0], sizes = [1, 7], strides = [1, 1]} : vector<1x8xi32> to vector<1x7xi32>
    %concatenate3A_122 = tpu.concatenate %broadcast_in_dim3A_120, %slice3A_121 in 1 : vector<1x1xi32>, vector<1x7xi32> -> vector<1x8xi32>
    %add3A_123 = arith.addi %mul3A_118, %concatenate3A_122 : vector<1x8xi32>
    %broadcast_in_dim3A_124 = arith.constant 0 : i32
    %broadcast_in_dim3A_125 = vector.broadcast %broadcast_in_dim3A_124 : i32 to vector<1x2xi32>
    %slice3A_126 = vector.extract_strided_slice %add3A_123 {offsets = [0, 0], sizes = [1, 6], strides = [1, 1]} : vector<1x8xi32> to vector<1x6xi32>
    %concatenate3A_127 = tpu.concatenate %broadcast_in_dim3A_125, %slice3A_126 in 1 : vector<1x2xi32>, vector<1x6xi32> -> vector<1x8xi32>
    %add3A_128 = arith.addi %add3A_123, %concatenate3A_127 : vector<1x8xi32>
    %broadcast_in_dim3A_129 = arith.constant 0 : i32
    %broadcast_in_dim3A_130 = vector.broadcast %broadcast_in_dim3A_129 : i32 to vector<1x4xi32>
    %slice3A_131 = vector.extract_strided_slice %add3A_128 {offsets = [0, 0], sizes = [1, 4], strides = [1, 1]} : vector<1x8xi32> to vector<1x4xi32>
    %concatenate3A_132 = tpu.concatenate %broadcast_in_dim3A_130, %slice3A_131 in 1 : vector<1x4xi32>, vector<1x4xi32> -> vector<1x8xi32>
    %add3A_133 = arith.addi %add3A_128, %concatenate3A_132 : vector<1x8xi32>
    %sub3A_134 = arith.subi %add3A_133, %mul3A_118 : vector<1x8xi32>
    %add3A_135 = vector.broadcast %sub3A_134 : vector<1x8xi32> to vector<2048x8xi32>
    %add3A_136 = arith.addi %add3A_135, %sub3A_86 : vector<2048x8xi32>
    %jit3A_137 = arith.constant 0 : i32
    %broadcast_in_dim3A_138 = vector.broadcast %jit3A_137 : i32 to vector<2048x8xi32>
    %select_n3A_139 = arith.select %eq3A_29, %add3A_136, %broadcast_in_dim3A_138 : vector<2048x8xi1>, vector<2048x8xi32>
    %reduce_sum3A = arith.constant dense<0> : vector<2048xi32>
    %reduce_sum3A_140 = vector.multi_reduction <add>, %select_n3A_139, %reduce_sum3A [1] : vector<2048x8xi32> to vector<2048xi32>
    %broadcast_in_dim3A_141 = vector.shape_cast %reduce_sum3A_140 : vector<2048xi32> to vector<2048x1xi32>
    %add3A_142 = vector.broadcast %sub3A_134 : vector<1x8xi32> to vector<2048x8xi32>
    %add3A_143 = arith.addi %add3A_142, %sub3A_86 : vector<2048x8xi32>
    %jit3A_144 = arith.constant 0 : i32
    %broadcast_in_dim3A_145 = vector.broadcast %jit3A_144 : i32 to vector<2048x8xi32>
    %select_n3A_146 = arith.select %eq3A_31, %add3A_143, %broadcast_in_dim3A_145 : vector<2048x8xi1>, vector<2048x8xi32>
    %reduce_sum3A_147 = arith.constant dense<0> : vector<2048xi32>
    %reduce_sum3A_148 = vector.multi_reduction <add>, %select_n3A_146, %reduce_sum3A_147 [1] : vector<2048x8xi32> to vector<2048xi32>
    %broadcast_in_dim3A_149 = vector.shape_cast %reduce_sum3A_148 : vector<2048xi32> to vector<2048x1xi32>
    %reshape3A = vector.shape_cast %broadcast_in_dim3A_141 : vector<2048x1xi32> to vector<1x2048xi32>
    %swap3A = arith.constant 0 : index
    %swap3A_150 = arith.constant 0 : index
    %swap3A_151 = vector.load %arg1[%swap3A, %swap3A_150] : memref<1x2048xi32, #tpu.memory_space<vmem>>, vector<1x2048xi32>
    tpu.vector_store %arg1[%swap3A, %swap3A_150], %reshape3A {strides = array<i32>} : memref<1x2048xi32, #tpu.memory_space<vmem>>, vector<1x2048xi32>,
    %reshape3A_152 = vector.shape_cast %broadcast_in_dim3A_149 : vector<2048x1xi32> to vector<1x2048xi32>
    %swap3A_153 = arith.constant 0 : index
    %swap3A_154 = arith.constant 0 : index
    %swap3A_155 = vector.load %arg2[%swap3A_153, %swap3A_154] : memref<1x2048xi32, #tpu.memory_space<vmem>>, vector<1x2048xi32>
    tpu.vector_store %arg2[%swap3A_153, %swap3A_154], %reshape3A_152 {strides = array<i32>} : memref<1x2048xi32, #tpu.memory_space<vmem>>, vector<1x2048xi32>,
    %broadcast_in_dim3A_156 = vector.shape_cast %logistic3A_27 : vector<2048x1xf32> to vector<2048x1xf32>
    %broadcast_in_dim3A_157 = vector.broadcast %broadcast_in_dim3A_156 : vector<2048x1xf32> to vector<2048x16xf32>
    %swap3A_158 = arith.constant 0 : index
    %swap3A_159 = arith.constant 0 : index
    %swap3A_160 = vector.load %arg3[%swap3A_158, %swap3A_159] : memref<2048x16xf32, #tpu.memory_space<vmem>>, vector<2048x16xf32>
    tpu.vector_store %arg3[%swap3A_158, %swap3A_159], %broadcast_in_dim3A_157 {strides = array<i32>} : memref<2048x16xf32, #tpu.memory_space<vmem>>, vector<2048x16xf32>,
    %sub3A_161 = arith.constant 1.000000e+00 : f32
    %sub3A_162 = vector.broadcast %sub3A_161 : f32 to vector<2048x1xf32>
    %sub3A_163 = arith.subf %sub3A_162, %logistic3A_27 : vector<2048x1xf32>
    %broadcast_in_dim3A_164 = vector.shape_cast %sub3A_163 : vector<2048x1xf32> to vector<2048x1xf32>
    %broadcast_in_dim3A_165 = vector.broadcast %broadcast_in_dim3A_164 : vector<2048x1xf32> to vector<2048x16xf32>
    %swap3A_166 = arith.constant 0 : index
    %swap3A_167 = arith.constant 0 : index
    %swap3A_168 = vector.load %arg4[%swap3A_166, %swap3A_167] : memref<2048x16xf32, #tpu.memory_space<vmem>>, vector<2048x16xf32>
    tpu.vector_store %arg4[%swap3A_166, %swap3A_167], %broadcast_in_dim3A_165 {strides = array<i32>} : memref<2048x16xf32, #tpu.memory_space<vmem>>, vector<2048x16xf32>,
    %iota3A_169 = tpu.iota {dimensions = array<i32: 1>} : vector<1x24xi32>
    %mul3A_170 = arith.constant 256 : i32
    %mul3A_171 = vector.broadcast %mul3A_170 : i32 to vector<1x24xi32>
    %mul3A_172 = arith.muli %iota3A_169, %mul3A_171 : vector<1x24xi32>
    %broadcast_in_dim3A_173 = arith.constant 0 : i32
    %broadcast_in_dim3A_174 = vector.broadcast %broadcast_in_dim3A_173 : i32 to vector<1x24xi32>
    %slice3A_175 = vector.extract_strided_slice %sub3A_134 {offsets = [0, 0], sizes = [1, 1], strides = [1, 1]} : vector<1x8xi32> to vector<1x1xi32>
    %le3A = vector.broadcast %slice3A_175 : vector<1x1xi32> to vector<1x24xi32>
    %le3A_176 = arith.cmpi sle, %le3A, %mul3A_172 : vector<1x24xi32>
    %convert_element_type3A_177 = arith.extui %le3A_176 : vector<1x24xi1> to vector<1x24xi32>
    %add3A_178 = arith.addi %broadcast_in_dim3A_174, %convert_element_type3A_177 : vector<1x24xi32>
    %slice3A_179 = vector.extract_strided_slice %sub3A_134 {offsets = [0, 1], sizes = [1, 1], strides = [1, 1]} : vector<1x8xi32> to vector<1x1xi32>
    %le3A_180 = vector.broadcast %slice3A_179 : vector<1x1xi32> to vector<1x24xi32>
    %le3A_181 = arith.cmpi sle, %le3A_180, %mul3A_172 : vector<1x24xi32>
    %convert_element_type3A_182 = arith.extui %le3A_181 : vector<1x24xi1> to vector<1x24xi32>
    %add3A_183 = arith.addi %add3A_178, %convert_element_type3A_182 : vector<1x24xi32>
    %slice3A_184 = vector.extract_strided_slice %sub3A_134 {offsets = [0, 2], sizes = [1, 1], strides = [1, 1]} : vector<1x8xi32> to vector<1x1xi32>
    %le3A_185 = vector.broadcast %slice3A_184 : vector<1x1xi32> to vector<1x24xi32>
    %le3A_186 = arith.cmpi sle, %le3A_185, %mul3A_172 : vector<1x24xi32>
    %convert_element_type3A_187 = arith.extui %le3A_186 : vector<1x24xi1> to vector<1x24xi32>
    %add3A_188 = arith.addi %add3A_183, %convert_element_type3A_187 : vector<1x24xi32>
    %slice3A_189 = vector.extract_strided_slice %sub3A_134 {offsets = [0, 3], sizes = [1, 1], strides = [1, 1]} : vector<1x8xi32> to vector<1x1xi32>
    %le3A_190 = vector.broadcast %slice3A_189 : vector<1x1xi32> to vector<1x24xi32>
    %le3A_191 = arith.cmpi sle, %le3A_190, %mul3A_172 : vector<1x24xi32>
    %convert_element_type3A_192 = arith.extui %le3A_191 : vector<1x24xi1> to vector<1x24xi32>
    %add3A_193 = arith.addi %add3A_188, %convert_element_type3A_192 : vector<1x24xi32>
    %slice3A_194 = vector.extract_strided_slice %sub3A_134 {offsets = [0, 4], sizes = [1, 1], strides = [1, 1]} : vector<1x8xi32> to vector<1x1xi32>
    %le3A_195 = vector.broadcast %slice3A_194 : vector<1x1xi32> to vector<1x24xi32>
    %le3A_196 = arith.cmpi sle, %le3A_195, %mul3A_172 : vector<1x24xi32>
    %convert_element_type3A_197 = arith.extui %le3A_196 : vector<1x24xi1> to vector<1x24xi32>
    %add3A_198 = arith.addi %add3A_193, %convert_element_type3A_197 : vector<1x24xi32>
    %slice3A_199 = vector.extract_strided_slice %sub3A_134 {offsets = [0, 5], sizes = [1, 1], strides = [1, 1]} : vector<1x8xi32> to vector<1x1xi32>
    %le3A_200 = vector.broadcast %slice3A_199 : vector<1x1xi32> to vector<1x24xi32>
    %le3A_201 = arith.cmpi sle, %le3A_200, %mul3A_172 : vector<1x24xi32>
    %convert_element_type3A_202 = arith.extui %le3A_201 : vector<1x24xi1> to vector<1x24xi32>
    %add3A_203 = arith.addi %add3A_198, %convert_element_type3A_202 : vector<1x24xi32>
    %slice3A_204 = vector.extract_strided_slice %sub3A_134 {offsets = [0, 6], sizes = [1, 1], strides = [1, 1]} : vector<1x8xi32> to vector<1x1xi32>
    %le3A_205 = vector.broadcast %slice3A_204 : vector<1x1xi32> to vector<1x24xi32>
    %le3A_206 = arith.cmpi sle, %le3A_205, %mul3A_172 : vector<1x24xi32>
    %convert_element_type3A_207 = arith.extui %le3A_206 : vector<1x24xi1> to vector<1x24xi32>
    %add3A_208 = arith.addi %add3A_203, %convert_element_type3A_207 : vector<1x24xi32>
    %slice3A_209 = vector.extract_strided_slice %sub3A_134 {offsets = [0, 7], sizes = [1, 1], strides = [1, 1]} : vector<1x8xi32> to vector<1x1xi32>
    %le3A_210 = vector.broadcast %slice3A_209 : vector<1x1xi32> to vector<1x24xi32>
    %le3A_211 = arith.cmpi sle, %le3A_210, %mul3A_172 : vector<1x24xi32>
    %convert_element_type3A_212 = arith.extui %le3A_211 : vector<1x24xi1> to vector<1x24xi32>
    %add3A_213 = arith.addi %add3A_208, %convert_element_type3A_212 : vector<1x24xi32>
    %sub3A_214 = arith.constant 1 : i32
    %sub3A_215 = vector.broadcast %sub3A_214 : i32 to vector<1x24xi32>
    %sub3A_216 = arith.subi %add3A_213, %sub3A_215 : vector<1x24xi32>
    %swap3A_217 = arith.constant 0 : index
    %swap3A_218 = arith.constant 0 : index
    %swap3A_219 = vector.load %arg5[%swap3A_217, %swap3A_218] : memref<1x24xi32, #tpu.memory_space<vmem>>, vector<1x24xi32>
    tpu.vector_store %arg5[%swap3A_217, %swap3A_218], %sub3A_216 {strides = array<i32>} : memref<1x24xi32, #tpu.memory_space<vmem>>, vector<1x24xi32>,
    %reduce_sum3A_220 = vector.shape_cast %mul3A_118 : vector<1x8xi32> to vector<1x1x8xi32>
    %reduce_sum3A_221 = arith.constant dense<0> : vector<1xi32>
    %reduce_sum3A_222 = vector.multi_reduction <add>, %reduce_sum3A_220, %reduce_sum3A_221 [1, 2] : vector<1x1x8xi32> to vector<1xi32>
    %reduce_sum3A_223 = vector.shape_cast %reduce_sum3A_222 : vector<1xi32> to vector<1x1x1xi32>
    %reduce_sum3A_224 = vector.extract %reduce_sum3A_223[0, 0, 0] : i32 from vector<1x1x1xi32>
    %broadcast_in_dim3A_225 = vector.broadcast %reduce_sum3A_224 : i32 to vector<1x1xi32>
    %jit3A_226 = arith.constant 256 : i32
    %div3A_227 = vector.broadcast %jit3A_226 : i32 to vector<1x1xi32>
    %div3A_228 = arith.divsi %broadcast_in_dim3A_225, %div3A_227 : vector<1x1xi32>
    %sign3A_229 = arith.constant 0 : i32
    %sign3A_230 = vector.broadcast %sign3A_229 : i32 to vector<1x1xi32>
    %sign3A_231 = arith.cmpi sgt, %broadcast_in_dim3A_225, %sign3A_230 : vector<1x1xi32>
    %sign3A_232 = arith.extui %sign3A_231 : vector<1x1xi1> to vector<1x1xi32>
    %sign3A_233 = arith.constant 0 : i32
    %sign3A_234 = vector.broadcast %sign3A_233 : i32 to vector<1x1xi32>
    %sign3A_235 = arith.cmpi slt, %broadcast_in_dim3A_225, %sign3A_234 : vector<1x1xi32>
    %sign3A_236 = arith.extui %sign3A_235 : vector<1x1xi1> to vector<1x1xi32>
    %sign3A_237 = arith.subi %sign3A_232, %sign3A_236 : vector<1x1xi32>
    %sign3A_238 = arith.constant 0 : i32
    %sign3A_239 = arith.cmpi sgt, %jit3A_226, %sign3A_238 : i32
    %sign3A_240 = arith.extui %sign3A_239 : i1 to i32
    %sign3A_241 = arith.constant 0 : i32
    %sign3A_242 = arith.cmpi slt, %jit3A_226, %sign3A_241 : i32
    %sign3A_243 = arith.extui %sign3A_242 : i1 to i32
    %sign3A_244 = arith.subi %sign3A_240, %sign3A_243 : i32
    %ne3A_245 = vector.broadcast %sign3A_244 : i32 to vector<1x1xi32>
    %ne3A_246 = arith.cmpi ne, %sign3A_237, %ne3A_245 : vector<1x1xi32>
    %rem3A_247 = vector.broadcast %jit3A_226 : i32 to vector<1x1xi32>
    %rem3A_248 = arith.remsi %broadcast_in_dim3A_225, %rem3A_247 : vector<1x1xi32>
    %ne3A_249 = arith.constant 0 : i32
    %ne3A_250 = vector.broadcast %ne3A_249 : i32 to vector<1x1xi32>
    %ne3A_251 = arith.cmpi ne, %rem3A_248, %ne3A_250 : vector<1x1xi32>
    %and3A_252 = arith.andi %ne3A_246, %ne3A_251 : vector<1x1xi1>
    %sub3A_253 = arith.constant 1 : i32
    %sub3A_254 = vector.broadcast %sub3A_253 : i32 to vector<1x1xi32>
    %sub3A_255 = arith.subi %div3A_228, %sub3A_254 : vector<1x1xi32>
    %select_n3A_256 = arith.select %and3A_252, %sub3A_255, %div3A_228 : vector<1x1xi1>, vector<1x1xi32>
    %swap3A_257 = arith.constant 0 : index
    %swap3A_258 = arith.constant 0 : index
    %swap3A_259 = vector.load %arg6[%swap3A_257, %swap3A_258] : memref<1x1xi32, #tpu.memory_space<vmem>>, vector<1x1xi32>
    tpu.vector_store %arg6[%swap3A_257, %swap3A_258], %select_n3A_256 {strides = array<i32>} : memref<1x1xi32, #tpu.memory_space<vmem>>, vector<1x1xi32>,
    return
  }
}

</mosaic_0001>

<sc_bundles>
// kernel: kernel.6.cloned.1.call-start
scs
__scs_entry_jumppad:
0x0: {  	(pc) =	sbr.rel $0x88, $3  }
0x1: {  	(tag) =	ssettag $0x0;
	lr =	simm.s32 $0x1  }
0x2: {  	[smem:$0x3F9D] =	sst lr;
	_ =	strace $0xD0000000  }
0x3: {  	_ = 	snop  }
0x4: {  	_ = 	snop  }
0x5: {  	_ = 	snop  }
0x6: {  	_ = 	snop  }
0x7: {  	_ = 	snop  }
__scs_overlays_trampoline_lowered:
0x8: {  	[smem:$0x3FAC] =	sst s0  }
0x9: {  	[smem:$0x3FAD] =	sst s1  }
0xa: {  	[smem:$0x3FAE] =	sst s2  }
0xb: {  	[smem:$0x3FAF] =	sst s3  }
0xc: {  	[smem:$0x3FB0] =	sst s4  }
0xd: {  	[smem:$0x3FB1] =	sst s5  }
0xe: {  	[smem:$0x3FB2] =	sst s6  }
0xf: {  	[smem:$0x3FB3] =	sst s7  }
0x10: {  	[smem:$0x3FB4] =	sst s8  }
0x11: {  	[smem:$0x3FB5] =	sst s9;
	s0 =	simm.s32 @!p0 $0x0  }
0x12: {  	s1 =	sld [smem:$0x3F9B];
	s0 =	simm.s32 @p0 $0x1  }
0x13: {  	[smem:$0x3FB6] =	sst s0;
	s0 =	simm.s32 @!p1 $0x0  }
0x14: {  	s2 =	sld [smem:$0x3F9A];
	s0 =	simm.s32 @p1 $0x1  }
0x15: {  	[smem:$0x3FB7] =	sst s0;
	s0 =	simm.s32 @!p2 $0x0  }
0x16: {  	s3 =	sld [smem:$0x3FDB];
	s0 =	simm.s32 @p2 $0x1  }
0x17: {  	s4 =	simm.s32 $0x1BF5;
	[smem:$0x3FB9] =	sst s0  }
0x18: {  	s0 =	sld [smem:$0x3F9C];
	_ =	swait.ge [sflag:s4], $0x0  }
0x19: {  	s7 =	sld [smem:$0x3F9D]  }
0x1a: {  	s8 =	sadd.s32 $0xFFFFE003, lr  }
0x1b: {  	s9 =	sadd.s32 $0xFFFFFEF7, lr;
	s5 =	simm.s32 $0xFFFFFFFF;
	p2 =	slt.u32 s8, $0xFFFFF086  }
0x1c: {  	p1 =	slt.u32 s9, $0xF7A;
	s5 =	simm.s32 @!p2 $0x0  }
0x1d: {  	s5 =	simm.s32 @p1 $0x1;
	p0 =	seq.s32 s7, s2  }
0x1e: {  	s7 =	smul.u32 @!p0 $0xF7A, s2;
	p2 =	seq.s32 @!p0 s5, $0x0  }
0x1f: {  	s9 =	smul.u32 $0xF7A, s1;
	s8 =	simm.s32 @!p0 $0x1BF5;
	p2 =	por !p2, p0  }
0x20: {  	[sflag:s8] =	ssyncset.s32 @!p0 $0xFFFFF086;
	s6 =	sadd.s32 @!p0 s3, s7;
	s7 =	simm.s32 @!p0 $0x108  }
0x21: {  	s3 =	sadd.s32 s3, s9;
	s6 =	sadd.s32 @!p0 $0x88, s6;
	s7 =	simm.s32 @p2 $0x1082  }
0x22: {  	[simem:s7], [sflag:s8] =	dma.local @!p0 [hbm:s6], $0xF7A  }
0x23: {  	s9 =	sor.u32 $0xD0000000, s2;
	s6 =	simm.s32 $0x108;
	_ =	swait.ge @!p0 [sflag:s8], $0x0  }
0x24: {  	s3 =	sadd.s32 $0x88, s3;
	s6 =	simm.s32 @!p1 $0x1082;
	[sflag:s4] =	ssyncset.s32 $0xFFFFF086  }
0x25: {  	[simem:s6], [sflag:s4] =	dma.local [hbm:s3], $0xF7A  }
0x26: {  	[smem:$0x3F9D] =	sst s1;
	(tag) =	ssettag s2;
	_ =	strace s9  }
0x27: {  	s1 =	sld [smem:$0x3FAD]  }
0x28: {  	s2 =	sld [smem:$0x3FAE]  }
0x29: {  	s4 =	sld [smem:$0x3FB0]  }
0x2a: {  	p0 =	seq.s32 s5, $0x0;
	s5 =	sld [smem:$0x3FB1]  }
0x2b: {  	s6 =	sld [smem:$0x3FB2]  }
0x2c: {  	s7 =	sld [smem:$0x3FB3]  }
0x2d: {  	s3 =	simm.s32 $0x108;
	s8 =	sld [smem:$0x3FB4]  }
0x2e: {  	s3 =	simm.s32 @!p0 $0x1082;
	s9 =	sld [smem:$0x3FB5]  }
0x2f: {  	lr =	sadd.s32 s0, s3;
	s0 =	sld [smem:$0x3FAC]  }
0x30: {  	s3 =	sld [smem:$0x3FAF]  }
0x31: {  	[smem:$0x3FB8] =	sst s10  }
0x32: {  	s10 =	sld [smem:$0x3FB6];
	_ =	sdelay $0x3  }
0x33: {  	p0 =	seq.s32 s10, $0x1;
	s10 =	sld [smem:$0x3FB8];
	_ =	sdelay $0x3  }
0x34: {  	[smem:$0x3FB8] =	sst s10  }
0x35: {  	s10 =	sld [smem:$0x3FB7];
	_ =	sdelay $0x3  }
0x36: {  	p1 =	seq.s32 s10, $0x1;
	s10 =	sld [smem:$0x3FB8];
	_ =	sdelay $0x3  }
0x37: {  	[smem:$0x3FB8] =	sst s10  }
0x38: {  	s10 =	sld [smem:$0x3FB9]  }
0x39: {  	_ = 	snop;
	(pc) =	sbr.ind lr, $3  }
0x3a: {  	_ = 	snop  }
0x3b: {  	_ = 	snop  }
0x3c: {  	p2 =	seq.s32 s10, $0x1;
	s10 =	sld [smem:$0x3FB8]  }
0x3d: {  	_ =	shalt  }
0x3e: {  	_ =	shalt  }
0x3f: {  	_ =	shalt  }
0x40: {  	_ =	shalt  }
0x41: {  	_ =	shalt  }
0x42: {  	_ =	shalt  }
0x43: {  	_ =	shalt  }
0x44: {  	_ =	shalt  }
0x45: {  	_ =	shalt  }
0x46: {  	_ =	shalt  }
0x47: {  	_ =	shalt  }
0x48: {  	_ =	shalt  }
0x49: {  	_ =	shalt  }
0x4a: {  	_ =	shalt  }
0x4b: {  	_ =	shalt  }
0x4c: {  	_ =	shalt  }
0x4d: {  	_ =	shalt  }
0x4e: {  	_ =	shalt  }
0x4f: {  	_ =	shalt  }
0x50: {  	_ =	shalt  }
0x51: {  	_ =	shalt  }
0x52: {  	_ =	shalt  }
0x53: {  	_ =	shalt  }
0x54: {  	_ =	shalt  }
0x55: {  	_ =	shalt  }
0x56: {  	_ =	shalt  }
0x57: {  	_ =	shalt  }
0x58: {  	_ =	shalt  }
0x59: {  	_ =	shalt  }
0x5a: {  	_ =	shalt  }
0x5b: {  	_ =	shalt  }
0x5c: {  	_ =	shalt  }
0x5d: {  	_ =	shalt  }
0x5e: {  	_ =	shalt  }
0x5f: {  	_ =	shalt  }
0x60: {  	_ =	shalt  }
0x61: {  	_ =	shalt  }
0x62: {  	_ =	shalt  }
0x63: {  	_ =	shalt  }
0x64: {  	_ =	shalt  }
0x65: {  	_ =	shalt  }
0x66: {  	_ =	shalt  }
0x67: {  	_ =	shalt  }
0x68: {  	_ =	shalt  }
0x69: {  	_ =	shalt  }
0x6a: {  	_ =	shalt  }
0x6b: {  	_ =	shalt  }
0x6c: {  	_ =	shalt  }
0x6d: {  	_ =	shalt  }
0x6e: {  	_ =	shalt  }
0x6f: {  	_ =	shalt  }
0x70: {  	_ =	shalt  }
0x71: {  	_ =	shalt  }
0x72: {  	_ =	shalt  }
0x73: {  	_ =	shalt  }
0x74: {  	_ =	shalt  }
0x75: {  	_ =	shalt  }
0x76: {  	_ =	shalt  }
0x77: {  	_ =	shalt  }
0x78: {  	_ =	shalt  }
0x79: {  	_ =	shalt  }
0x7a: {  	_ =	shalt  }
0x7b: {  	_ =	shalt  }
0x7c: {  	_ =	shalt  }
0x7d: {  	_ =	shalt  }
0x7e: {  	_ =	shalt  }
0x7f: {  	_ =	shalt  }
0x80: {  	_ =	shalt  }
0x81: {  	_ =	shalt  }
0x82: {  	_ =	shalt  }
0x83: {  	_ =	shalt  }
0x84: {  	_ =	shalt  }
0x85: {  	_ =	shalt  }
0x86: {  	_ =	shalt  }
0x87: {  	_ =	shalt  }
.Lfunc_end0:
.L_simem_size_0:
called_computation_lowered:
.L_overlay_start_0:
0x88: {  	s2 =	sld [smem:$0x3FD9]  }
0x89: {  	s3 =	sld [smem:$0x3FFE];
	_ =	sdelay $0x1  }
0x8a: {  	s1 =	srdreg.scid  }
0x8b: {  	s0 =	sand.u32 $0x1, s1  }
0x8c: {  	s17 =	sshll.u32 s0, $0xA;
	s2 =	sadd.s32 s3, s2  }
0x8d: {  	s2 =	sadd.s32 s2, s17  }
0x8e: {  	[smem:$0x3FC4] =	sst s2  }
0x8f: {  	_ = 	snop  }
0x90: {  	s2 =	sld [smem:$0x3FC9];
	(tm) =	ssettm $0x1  }
0x91: {  	s18 =	sld [smem:$0x3FFB];
	_ =	sdelay $0x3  }
0x92: {  	_ =	strace s18  }
0x93: {  	s3 =	sld [smem:$0x3FFC];
	_ =	sdelay $0x3  }
0x94: {  	_ =	strace s3  }
0x95: {  	s3 =	sld [smem:$0x3FFD];
	_ =	sdelay $0x3  }
0x96: {  	_ =	strace s3  }
0x97: {  	_ =	strace $0x8FFFFFFF  }
0x98: {  	s19 =	sld [smem:$0x3FDB];
	_ =	sdelay $0x1  }
0x99: {  	s4 =	simm.s32 $_scs_section_size  }
0x9a: {  	s5 =	simm.s32 $_size__tile_overlayer_lowered;
	s6 =	simm.s32 $_tile_overlayer_lowered  }
0x9b: {  	s22 =	simm.s32 $0x1BFF;
	s21 =	sshll.u32 s6, $0x1;
	s3 =	sadd.s32 s4, s19  }
0x9c: {  	s7 =	simm.s32 $0x0;
	s20 =	sshll.u32 s5, $0x1;
	s5 =	sadd.s32 s21, s3  }
0x9d: {  	[timem:s7], [sflag:s22] =	dma.local [hbm:s5], s20  }
0x9e: {  	_ =	swait.ge [sflag:s22], s20  }
0x9f: {  	s4 =	ssub.s32 $0x0, s20;
	[sflag:s22] =	ssyncset.done $0x0  }
0xa0: {  	[sflag:s22] =	ssyncadd.s32 s4;
	_ =	sdelay $0x1  }
0xa1: {  	s23 =	simm.s32 $0x1B8B  }
0xa2: {  	_ =	swait.ge [sflag:s23], $0x1  }
0xa3: {  	[sflag:s23] =	ssyncset.done $0x0  }
0xa4: {  	s25 =	simm.s32 $0x1B8E;
	s24 =	sld [smem:$0x3FFE];
	[sflag:s23] =	ssyncadd.s32 $0xFFFFFFFF  }
0xa5: {  	s26 =	simm.s32 $execute0_lowered;
	[smem:$0x3FD2] =	sst s25  }
0xa6: {  	s5 =	sshll.u32 s26, $0x1;
	_ =	strace $0x80000046;
	[dreg:$0x1] =	wrdreg $0xFFFFFFFF  }
0xa7: {  	s28 =	simm.s32 $_size_execute0_lowered;
	s3 =	sadd.s32 s3, s5;
	[dreg:$0x0] =	wrdreg $0x0  }
0xa8: {  	s5 =	sshll.u32 s28, $0x1;
	[dreg:$0x2] =	wrdreg s3  }
0xa9: {  	[dreg:$0x3] =	wrdreg s5  }
0xaa: {  	[dreg:$0x4] =	wrdreg $0xC0  }
0xab: {  	_ =	task [dreg:s7], $0x5FFFF  }
0xac: {  	[dreg:$0x1] =	wrdreg $0xFFFFFFFF  }
0xad: {  	[dreg:$0x0] =	wrdreg $0x60  }
0xae: {  	[dreg:$0x2] =	wrdreg s24  }
0xaf: {  	[dreg:$0x3] =	wrdreg s2  }
0xb0: {  	[dreg:$0x4] =	wrdreg $0x9  }
0xb1: {  	_ =	task.clear_ibuf [dreg:s7], $0x5FFFF;
	_ =	strace $0x90000046  }
0xb2: {  	s29 =	simm.s32 $0x9;
	_ =	strace $0x80000048  }
0xb3: {  	_ =	swait.ge [sflag:s29], $0x1  }
0xb4: {  	[sflag:s29] =	ssyncadd.s32 $0xFFFFFFFF  }
0xb5: {  	_ =	strace $0x90000048  }
0xb6: {  	_ =	sfence  }
0xb7: {  	s30 =	sld [smem:$0x0];
	_ =	sdelay $0x2  }
0xb8: {  	s31 =	sshll.u32 s1, $0xD;
	s1 =	sshrl.u32 s1, $0x2  }
0xb9: {  	s3 =	sand.u32 $0x4000, s31;
	s1 =	sadd.s32 s1, s30  }
0xba: {  	s0 =	sor.u32 s3, s0;
	s1 =	sshll.u32 s1, $0x11  }
0xbb: {  	s0 =	sor.u32 s1, s0  }
0xbc: {  	s0 =	sadd.s32 $0x8F2B, s0  }
0xbd: {  	[sflag:s0] =	ssyncadd.remote.s32 $0x1  }
0xbe: {  	_ =	sfence.sel $0xFFFF  }
0xbf: {  	[dreg:$0x0] =	wrdreg $0xFFFFFFFF;
	(pc) =	sbr.abs _section_cstart, $3  }
0xc0: {  	[dreg:$0x1] =	wrdreg $0xFFFFFFFF  }
0xc1: {  	_ =	task.clear_ibuf [dreg:s7], $0x2FFFF;
	_ =	strace $0x9FFFFFFF  }
0xc2: {  	(tm) =	ssettm $0x7FFFFFFF  }
0xc3: {  	_ =	shalt  }
tec
execute0_lowered:
.L_overlay_start_1:
0x0: {  	(tag) =	ssettag $0x1  }
0x1: {  	s0 =	srdreg.scid  }
0x2: {  	s1 =	rddreg [dreg:$0x0];
	s2 =	stileid.u32  }
0x3: {  	s4 =	rddreg [dreg:$0x1];
	s26 =	simm.s32 $0x80;
	s11 =	simm.s32 $0x1  }
0x4: {  	s25 =	simm.s32 $0x2100;
	s28 =	simm.s32 $0x3100;
	s29 =	simm.s32 $0x3900  }
0x5: {  	s30 =	simm.s32 $0x4100;
	s31 =	simm.s32 $0x4900;
	s12 =	simm.s32 $0x6100  }
0x6: {  	s13 =	simm.s32 $0x6900;
	s14 =	simm.s32 $0x7100;
	s15 =	simm.s32 $0x7900  }
0x7: {  	s16 =	simm.s32 $0x8100;
	s17 =	simm.s32 $0x8900;
	s18 =	simm.s32 $0x9100  }
0x8: {  	s19 =	simm.s32 $0x9900;
	s20 =	simm.s32 $0xA100;
	s21 =	simm.s32 $0xA900  }
0x9: {  	s0 =	sand.u32 $0x1, s0;
	s3 =	sshll.u32 s2, $0x7;
	s2 =	simm.s32 $0x0  }
0xa: {  	s10 =	simm.s32 $0xB900;
	s5 =	sshll.u32 s0, $0x6;
	[smem:$0x7FF] =	sst s2  }
0xb: {  	s0 =	ssub.s32 $0x2, s0;
	s5 =	sor.u32 s5, s3;
	_ =	strace $0x80000047  }
0xc: {  	s7 =	sshrl.u32 s0, $0x1;
	[dreg:$0x6] =	wrdreg s26;
	s26 =	simm.s32 $0x2900  }
0xd: {  	s3 =	sshrl.u32 s5, $0x3;
	s5 =	sshll.u32 s5, $0x7;
	s0 =	ssub.s32 s0, s7  }
0xe: {  	s6 =	sadd.s32 s3, s1;
	s3 =	sadd.s32 $0x11600, s1;
	s4 =	sadd.s32 s4, s5  }
0xf: {  	v2 =	vlaneseq.u32;
	s5 =	sadd.s32 $0x11800, s1;
	s8 =	sadd.s32 $0x1200, s6;
	[dreg:$0x5] =	wrdreg s4  }
0x10: {  	vm0 =	vmmov $0xffff;
	v1 =	vshrl.u32 v2, $0x3;
	s7 =	smax.u32 s0, $0x1;
	s6 =	sadd.s32 $0x1400, s6;
	[dreg:$0x3] =	wrdreg s8  }
0x11: {  	v0 =	vand.u32 $0x7, v2;
	v2 =	vor.u32 $0x8, v2;
	v1 =	vmul.u32 $0x8, v1;
	s4 =	sadd.s32 $0x11700, s1;
	[dreg:$0x4] =	wrdreg s6;
	s6 =	sadd.s32 $0x11900, s1  }
.LBB2_1:
0x12: {  	s22 =	rddreg [dreg:$0x3]  }
0x13: {  	s23 =	rddreg [dreg:$0x4]  }
0x14: {  	[tilespmem:s2], [sflag:$0x1] =	stream.linear.gather [hbm4b:s22+s2], $0x40, $0x38;
	[tilespmem:$0x10100] =	vst v63  }
0x15: {  	s24 =	rddreg [dreg:$0x6]  }
0x16: {  	[tilespmem:s24], [sflag:$0x2] =	stream.linear.gather [hbm4b:s23+s2], $0x40, $0x38;
	[tilespmem:$0x10100] =	vst v63  }
0x17: {  	s8 =	rddreg [dreg:$0x5];
	s9 =	simm.s32 $0x100;
	s0 =	simm.s32 $0x3  }
0x18: {  	[tilespmem:s9], [sflag:$0x3] =	stream.linear.gather [hbm4b:s8+s2], $0x10000, $0x38;
	[tilespmem:$0x10100] =	vst v63  }
0x19: {  	_ =	swait.ge [sflag:s0], $0x10000  }
0x1a: {  	[sflag:s0] =	ssyncset.done $0x0  }
0x1b: {  	[sflag:s0] =	ssyncadd.s32 $0xFFFF0000  }
0x1c: {  	_ =	swait.ge [sflag:s11], $0x40  }
0x1d: {  	[sflag:s11] =	ssyncset.done $0x0  }
0x1e: {  	s0 =	simm.s32 $0x2;
	[sflag:s11] =	ssyncadd.s32 $0xFFFFFFC0  }
0x1f: {  	_ =	swait.ge [sflag:s0], $0x40  }
0x20: {  	[sflag:s0] =	ssyncset.done $0x0  }
0x21: {  	[sflag:s0] =	ssyncadd.s32 $0xFFFFFFC0  }
0x22: {  	v3 =	vld [tilespmem:$0x0];
	_ =	sdelay $0x4  }
0x23: {  	v4 =	vshll.u32 v3, $0x3  }
0x24: {  	v3 =	vand.u32 $0x7, v3;
	v4 =	vand.u32 $0xFFFFFFC0, v4  }
0x25: {  	v3 =	vor.u32 v3, v4  }
0x26: {  	v4 =	vperm.xlane v3, v0;
	_ =	sdelay $0x1  }
0x27: {  	v4 =	vadd.s32 v1, v4;
	_ =	sdelay $0x4  }
0x28: {  	[hbm4b:s3+s2] =	stream.indirect_vreg.scatter [tilespmem:s9], [sflag:$0x1], $0x80, v4, vm0, $0xb8;
	[tilespmem:$0x10100] =	vst v63  }
0x29: {  	s22 =	simm.s32 $0x900;
	v3 =	vperm.xlane v3, v2  }
0x2a: {  	[hbm4b:s4+s2] =	stream.indirect_vreg.scatter [tilespmem:s22], [sflag:$0x1], $0x80, v4, vm0, $0xb8;
	[tilespmem:$0x10100] =	vst v63  }
0x2b: {  	s23 =	simm.s32 $0x1100;
	v3 =	vadd.s32 v1, v3  }
0x2c: {  	[hbm4b:s5+s2] =	stream.indirect_vreg.scatter [tilespmem:s23], [sflag:$0x1], $0x80, v4, vm0, $0xb8;
	[tilespmem:$0x10100] =	vst v63  }
0x2d: {  	s24 =	simm.s32 $0x1900  }
0x2e: {  	[hbm4b:s6+s2] =	stream.indirect_vreg.scatter [tilespmem:s24], [sflag:$0x1], $0x80, v4, vm0, $0xb8;
	[tilespmem:$0x10100] =	vst v63  }
0x2f: {  	_ = 	snop  }
0x30: {  	[hbm4b:s3+s2] =	stream.indirect_vreg.scatter [tilespmem:s25], [sflag:$0x1], $0x80, v3, vm0, $0xb8;
	[tilespmem:$0x10100] =	vst v63  }
0x31: {  	_ = 	snop  }
0x32: {  	[hbm4b:s4+s2] =	stream.indirect_vreg.scatter [tilespmem:s26], [sflag:$0x1], $0x80, v3, vm0, $0xb8;
	[tilespmem:$0x10100] =	vst v63  }
0x33: {  	_ = 	snop  }
0x34: {  	[hbm4b:s5+s2] =	stream.indirect_vreg.scatter [tilespmem:s28], [sflag:$0x1], $0x80, v3, vm0, $0xb8;
	[tilespmem:$0x10100] =	vst v63  }
0x35: {  	_ = 	snop  }
0x36: {  	[hbm4b:s6+s2] =	stream.indirect_vreg.scatter [tilespmem:s29], [sflag:$0x1], $0x80, v3, vm0, $0xb8;
	[tilespmem:$0x10100] =	vst v63  }
0x37: {  	v3 =	vld [tilespmem:$0x10];
	_ =	sdelay $0x4  }
0x38: {  	v57 =	vshll.u32 v3, $0x3  }
0x39: {  	v3 =	vand.u32 $0x7, v3;
	v4 =	vand.u32 $0xFFFFFFC0, v57  }
0x3a: {  	v3 =	vor.u32 v3, v4  }
0x3b: {  	v4 =	vperm.xlane v3, v0;
	_ =	sdelay $0x1  }
0x3c: {  	v4 =	vadd.s32 v1, v4;
	_ =	sdelay $0x4  }
0x3d: {  	[hbm4b:s3+s2] =	stream.indirect_vreg.scatter [tilespmem:s30], [sflag:$0x1], $0x80, v4, vm0, $0xb8;
	[tilespmem:$0x10100] =	vst v63  }
0x3e: {  	v3 =	vperm.xlane v3, v2  }
0x3f: {  	[hbm4b:s4+s2] =	stream.indirect_vreg.scatter [tilespmem:s31], [sflag:$0x1], $0x80, v4, vm0, $0xb8;
	[tilespmem:$0x10100] =	vst v63  }
0x40: {  	s1 =	simm.s32 $0x5100;
	v3 =	vadd.s32 v1, v3  }
0x41: {  	[hbm4b:s5+s2] =	stream.indirect_vreg.scatter [tilespmem:s1], [sflag:$0x1], $0x80, v4, vm0, $0xb8;
	[tilespmem:$0x10100] =	vst v63  }
0x42: {  	s8 =	simm.s32 $0x5900  }
0x43: {  	[hbm4b:s6+s2] =	stream.indirect_vreg.scatter [tilespmem:s8], [sflag:$0x1], $0x80, v4, vm0, $0xb8;
	[tilespmem:$0x10100] =	vst v63  }
0x44: {  	_ = 	snop  }
0x45: {  	[hbm4b:s3+s2] =	stream.indirect_vreg.scatter [tilespmem:s12], [sflag:$0x1], $0x80, v3, vm0, $0xb8;
	[tilespmem:$0x10100] =	vst v63  }
0x46: {  	_ = 	snop  }
0x47: {  	[hbm4b:s4+s2] =	stream.indirect_vreg.scatter [tilespmem:s13], [sflag:$0x1], $0x80, v3, vm0, $0xb8;
	[tilespmem:$0x10100] =	vst v63  }
0x48: {  	_ = 	snop  }
0x49: {  	[hbm4b:s5+s2] =	stream.indirect_vreg.scatter [tilespmem:s14], [sflag:$0x1], $0x80, v3, vm0, $0xb8;
	[tilespmem:$0x10100] =	vst v63  }
0x4a: {  	_ = 	snop  }
0x4b: {  	[hbm4b:s6+s2] =	stream.indirect_vreg.scatter [tilespmem:s15], [sflag:$0x1], $0x80, v3, vm0, $0xb8;
	[tilespmem:$0x10100] =	vst v63  }
0x4c: {  	v3 =	vld [tilespmem:$0x20];
	_ =	sdelay $0x4  }
0x4d: {  	v58 =	vshll.u32 v3, $0x3  }
0x4e: {  	v3 =	vand.u32 $0x7, v3;
	v4 =	vand.u32 $0xFFFFFFC0, v58  }
0x4f: {  	v3 =	vor.u32 v3, v4  }
0x50: {  	v4 =	vperm.xlane v3, v0;
	_ =	sdelay $0x1  }
0x51: {  	v4 =	vadd.s32 v1, v4;
	_ =	sdelay $0x4  }
0x52: {  	[hbm4b:s3+s2] =	stream.indirect_vreg.scatter [tilespmem:s16], [sflag:$0x1], $0x80, v4, vm0, $0xb8;
	[tilespmem:$0x10100] =	vst v63  }
0x53: {  	v3 =	vperm.xlane v3, v2  }
0x54: {  	[hbm4b:s4+s2] =	stream.indirect_vreg.scatter [tilespmem:s17], [sflag:$0x1], $0x80, v4, vm0, $0xb8;
	[tilespmem:$0x10100] =	vst v63  }
0x55: {  	v3 =	vadd.s32 v1, v3  }
0x56: {  	[hbm4b:s5+s2] =	stream.indirect_vreg.scatter [tilespmem:s18], [sflag:$0x1], $0x80, v4, vm0, $0xb8;
	[tilespmem:$0x10100] =	vst v63  }
0x57: {  	_ = 	snop  }
0x58: {  	[hbm4b:s6+s2] =	stream.indirect_vreg.scatter [tilespmem:s19], [sflag:$0x1], $0x80, v4, vm0, $0xb8;
	[tilespmem:$0x10100] =	vst v63  }
0x59: {  	_ = 	snop  }
0x5a: {  	[hbm4b:s3+s2] =	stream.indirect_vreg.scatter [tilespmem:s20], [sflag:$0x1], $0x80, v3, vm0, $0xb8;
	[tilespmem:$0x10100] =	vst v63  }
0x5b: {  	_ = 	snop  }
0x5c: {  	[hbm4b:s4+s2] =	stream.indirect_vreg.scatter [tilespmem:s21], [sflag:$0x1], $0x80, v3, vm0, $0xb8;
	[tilespmem:$0x10100] =	vst v63  }
0x5d: {  	s8 =	simm.s32 $0xB100  }
0x5e: {  	[hbm4b:s5+s2] =	stream.indirect_vreg.scatter [tilespmem:s8], [sflag:$0x1], $0x80, v3, vm0, $0xb8;
	[tilespmem:$0x10100] =	vst v63  }
0x5f: {  	_ = 	snop  }
0x60: {  	[hbm4b:s6+s2] =	stream.indirect_vreg.scatter [tilespmem:s10], [sflag:$0x1], $0x80, v3, vm0, $0xb8;
	[tilespmem:$0x10100] =	vst v63  }
0x61: {  	v3 =	vld [tilespmem:$0x30];
	_ =	sdelay $0x4  }
0x62: {  	v59 =	vshll.u32 v3, $0x3  }
0x63: {  	v3 =	vand.u32 $0x7, v3;
	v4 =	vand.u32 $0xFFFFFFC0, v59  }
0x64: {  	v3 =	vor.u32 v3, v4  }
0x65: {  	v4 =	vperm.xlane v3, v0;
	_ =	sdelay $0x1  }
0x66: {  	v4 =	vadd.s32 v1, v4;
	_ =	sdelay $0x3  }
0x67: {  	s1 =	simm.s32 $0xC100  }
0x68: {  	[hbm4b:s3+s2] =	stream.indirect_vreg.scatter [tilespmem:s1], [sflag:$0x1], $0x80, v4, vm0, $0xb8;
	[tilespmem:$0x10100] =	vst v63  }
0x69: {  	v3 =	vperm.xlane v3, v2;
	s1 =	simm.s32 $0xC900  }
0x6a: {  	[hbm4b:s4+s2] =	stream.indirect_vreg.scatter [tilespmem:s1], [sflag:$0x1], $0x80, v4, vm0, $0xb8;
	[tilespmem:$0x10100] =	vst v63  }
0x6b: {  	v3 =	vadd.s32 v1, v3;
	s1 =	simm.s32 $0xD100  }
0x6c: {  	[hbm4b:s5+s2] =	stream.indirect_vreg.scatter [tilespmem:s1], [sflag:$0x1], $0x80, v4, vm0, $0xb8;
	[tilespmem:$0x10100] =	vst v63  }
0x6d: {  	s1 =	simm.s32 $0xD900  }
0x6e: {  	[hbm4b:s6+s2] =	stream.indirect_vreg.scatter [tilespmem:s1], [sflag:$0x1], $0x80, v4, vm0, $0xb8;
	[tilespmem:$0x10100] =	vst v63  }
0x6f: {  	s1 =	simm.s32 $0xE100  }
0x70: {  	[hbm4b:s3+s2] =	stream.indirect_vreg.scatter [tilespmem:s1], [sflag:$0x1], $0x80, v3, vm0, $0xb8;
	[tilespmem:$0x10100] =	vst v63  }
0x71: {  	s1 =	simm.s32 $0xE900  }
0x72: {  	[hbm4b:s4+s2] =	stream.indirect_vreg.scatter [tilespmem:s1], [sflag:$0x1], $0x80, v3, vm0, $0xb8;
	[tilespmem:$0x10100] =	vst v63  }
0x73: {  	s1 =	simm.s32 $0xF100  }
0x74: {  	[hbm4b:s5+s2] =	stream.indirect_vreg.scatter [tilespmem:s1], [sflag:$0x1], $0x80, v3, vm0, $0xb8;
	[tilespmem:$0x10100] =	vst v63  }
0x75: {  	s1 =	simm.s32 $0xF900  }
0x76: {  	[hbm4b:s6+s2] =	stream.indirect_vreg.scatter [tilespmem:s1], [sflag:$0x1], $0x80, v3, vm0, $0xb8;
	[tilespmem:$0x10100] =	vst v63  }
0x77: {  	v3 =	vld [tilespmem:$0x80];
	_ =	sdelay $0x4  }
0x78: {  	v60 =	vshll.u32 v3, $0x3  }
0x79: {  	v3 =	vand.u32 $0x7, v3;
	v4 =	vand.u32 $0xFFFFFFC0, v60  }
0x7a: {  	v3 =	vor.u32 v3, v4  }
0x7b: {  	v4 =	vperm.xlane v3, v0;
	_ =	sdelay $0x1  }
0x7c: {  	v4 =	vadd.s32 v1, v4;
	_ =	sdelay $0x4  }
0x7d: {  	[hbm4b:s3+s2] =	stream.indirect_vreg.scatter [tilespmem:s9], [sflag:$0x2], $0x80, v4, vm0, $0xb8;
	[tilespmem:$0x10100] =	vst v63  }
0x7e: {  	v3 =	vperm.xlane v3, v2  }
0x7f: {  	[hbm4b:s4+s2] =	stream.indirect_vreg.scatter [tilespmem:s22], [sflag:$0x2], $0x80, v4, vm0, $0xb8;
	[tilespmem:$0x10100] =	vst v63  }
0x80: {  	v3 =	vadd.s32 v1, v3  }
0x81: {  	[hbm4b:s5+s2] =	stream.indirect_vreg.scatter [tilespmem:s23], [sflag:$0x2], $0x80, v4, vm0, $0xb8;
	[tilespmem:$0x10100] =	vst v63  }
0x82: {  	_ = 	snop  }
0x83: {  	[hbm4b:s6+s2] =	stream.indirect_vreg.scatter [tilespmem:s24], [sflag:$0x2], $0x80, v4, vm0, $0xb8;
	[tilespmem:$0x10100] =	vst v63  }
0x84: {  	_ = 	snop  }
0x85: {  	[hbm4b:s3+s2] =	stream.indirect_vreg.scatter [tilespmem:s25], [sflag:$0x2], $0x80, v3, vm0, $0xb8;
	[tilespmem:$0x10100] =	vst v63  }
0x86: {  	_ = 	snop  }
0x87: {  	[hbm4b:s4+s2] =	stream.indirect_vreg.scatter [tilespmem:s26], [sflag:$0x2], $0x80, v3, vm0, $0xb8;
	[tilespmem:$0x10100] =	vst v63  }
0x88: {  	_ = 	snop  }
0x89: {  	[hbm4b:s5+s2] =	stream.indirect_vreg.scatter [tilespmem:s28], [sflag:$0x2], $0x80, v3, vm0, $0xb8;
	[tilespmem:$0x10100] =	vst v63  }
0x8a: {  	_ = 	snop  }
0x8b: {  	[hbm4b:s6+s2] =	stream.indirect_vreg.scatter [tilespmem:s29], [sflag:$0x2], $0x80, v3, vm0, $0xb8;
	[tilespmem:$0x10100] =	vst v63  }
0x8c: {  	v3 =	vld [tilespmem:$0x90];
	_ =	sdelay $0x4  }
0x8d: {  	v61 =	vshll.u32 v3, $0x3  }
0x8e: {  	v3 =	vand.u32 $0x7, v3;
	v4 =	vand.u32 $0xFFFFFFC0, v61  }
0x8f: {  	v3 =	vor.u32 v3, v4  }
0x90: {  	v4 =	vperm.xlane v3, v0;
	_ =	sdelay $0x1  }
0x91: {  	v4 =	vadd.s32 v1, v4;
	_ =	sdelay $0x4  }
0x92: {  	[hbm4b:s3+s2] =	stream.indirect_vreg.scatter [tilespmem:s30], [sflag:$0x2], $0x80, v4, vm0, $0xb8;
	[tilespmem:$0x10100] =	vst v63  }
0x93: {  	v3 =	vperm.xlane v3, v2  }
0x94: {  	[hbm4b:s4+s2] =	stream.indirect_vreg.scatter [tilespmem:s31], [sflag:$0x2], $0x80, v4, vm0, $0xb8;
	[tilespmem:$0x10100] =	vst v63  }
0x95: {  	s23 =	simm.s32 $0x5100;
	v3 =	vadd.s32 v1, v3  }
0x96: {  	[hbm4b:s5+s2] =	stream.indirect_vreg.scatter [tilespmem:s23], [sflag:$0x2], $0x80, v4, vm0, $0xb8;
	[tilespmem:$0x10100] =	vst v63  }
0x97: {  	s24 =	simm.s32 $0x5900  }
0x98: {  	[hbm4b:s6+s2] =	stream.indirect_vreg.scatter [tilespmem:s24], [sflag:$0x2], $0x80, v4, vm0, $0xb8;
	[tilespmem:$0x10100] =	vst v63  }
0x99: {  	_ = 	snop  }
0x9a: {  	[hbm4b:s3+s2] =	stream.indirect_vreg.scatter [tilespmem:s12], [sflag:$0x2], $0x80, v3, vm0, $0xb8;
	[tilespmem:$0x10100] =	vst v63  }
0x9b: {  	_ = 	snop  }
0x9c: {  	[hbm4b:s4+s2] =	stream.indirect_vreg.scatter [tilespmem:s13], [sflag:$0x2], $0x80, v3, vm0, $0xb8;
	[tilespmem:$0x10100] =	vst v63  }
0x9d: {  	_ = 	snop  }
0x9e: {  	[hbm4b:s5+s2] =	stream.indirect_vreg.scatter [tilespmem:s14], [sflag:$0x2], $0x80, v3, vm0, $0xb8;
	[tilespmem:$0x10100] =	vst v63  }
0x9f: {  	_ = 	snop  }
0xa0: {  	[hbm4b:s6+s2] =	stream.indirect_vreg.scatter [tilespmem:s15], [sflag:$0x2], $0x80, v3, vm0, $0xb8;
	[tilespmem:$0x10100] =	vst v63  }
0xa1: {  	v3 =	vld [tilespmem:$0xA0];
	_ =	sdelay $0x4  }
0xa2: {  	v62 =	vshll.u32 v3, $0x3  }
0xa3: {  	v3 =	vand.u32 $0x7, v3;
	v4 =	vand.u32 $0xFFFFFFC0, v62  }
0xa4: {  	v3 =	vor.u32 v3, v4  }
0xa5: {  	v4 =	vperm.xlane v3, v0;
	_ =	sdelay $0x1  }
0xa6: {  	v4 =	vadd.s32 v1, v4;
	_ =	sdelay $0x4  }
0xa7: {  	[hbm4b:s3+s2] =	stream.indirect_vreg.scatter [tilespmem:s16], [sflag:$0x2], $0x80, v4, vm0, $0xb8;
	[tilespmem:$0x10100] =	vst v63  }
0xa8: {  	v3 =	vperm.xlane v3, v2  }
0xa9: {  	[hbm4b:s4+s2] =	stream.indirect_vreg.scatter [tilespmem:s17], [sflag:$0x2], $0x80, v4, vm0, $0xb8;
	[tilespmem:$0x10100] =	vst v63  }
0xaa: {  	v3 =	vadd.s32 v1, v3  }
0xab: {  	[hbm4b:s5+s2] =	stream.indirect_vreg.scatter [tilespmem:s18], [sflag:$0x2], $0x80, v4, vm0, $0xb8;
	[tilespmem:$0x10100] =	vst v63  }
0xac: {  	_ = 	snop  }
0xad: {  	[hbm4b:s6+s2] =	stream.indirect_vreg.scatter [tilespmem:s19], [sflag:$0x2], $0x80, v4, vm0, $0xb8;
	[tilespmem:$0x10100] =	vst v63  }
0xae: {  	_ = 	snop  }
0xaf: {  	[hbm4b:s3+s2] =	stream.indirect_vreg.scatter [tilespmem:s20], [sflag:$0x2], $0x80, v3, vm0, $0xb8;
	[tilespmem:$0x10100] =	vst v63  }
0xb0: {  	_ = 	snop  }
0xb1: {  	[hbm4b:s4+s2] =	stream.indirect_vreg.scatter [tilespmem:s21], [sflag:$0x2], $0x80, v3, vm0, $0xb8;
	[tilespmem:$0x10100] =	vst v63  }
0xb2: {  	_ = 	snop  }
0xb3: {  	[hbm4b:s5+s2] =	stream.indirect_vreg.scatter [tilespmem:s8], [sflag:$0x2], $0x80, v3, vm0, $0xb8;
	[tilespmem:$0x10100] =	vst v63  }
0xb4: {  	_ = 	snop  }
0xb5: {  	[hbm4b:s6+s2] =	stream.indirect_vreg.scatter [tilespmem:s10], [sflag:$0x2], $0x80, v3, vm0, $0xb8;
	[tilespmem:$0x10100] =	vst v63  }
0xb6: {  	v3 =	vld [tilespmem:$0xB0];
	_ =	sdelay $0x4  }
0xb7: {  	v63 =	vshll.u32 v3, $0x3  }
0xb8: {  	v3 =	vand.u32 $0x7, v3;
	v4 =	vand.u32 $0xFFFFFFC0, v63  }
0xb9: {  	v3 =	vor.u32 v3, v4  }
0xba: {  	v4 =	vperm.xlane v3, v0;
	_ =	sdelay $0x1  }
0xbb: {  	v4 =	vadd.s32 v1, v4;
	_ =	sdelay $0x3  }
0xbc: {  	s22 =	simm.s32 $0xC100  }
0xbd: {  	[hbm4b:s3+s2] =	stream.indirect_vreg.scatter [tilespmem:s22], [sflag:$0x2], $0x80, v4, vm0, $0xb8;
	[tilespmem:$0x10100] =	vst v63  }
0xbe: {  	s23 =	simm.s32 $0xC900;
	v3 =	vperm.xlane v3, v2  }
0xbf: {  	[hbm4b:s4+s2] =	stream.indirect_vreg.scatter [tilespmem:s23], [sflag:$0x2], $0x80, v4, vm0, $0xb8;
	[tilespmem:$0x10100] =	vst v63  }
0xc0: {  	s24 =	simm.s32 $0xD100;
	v3 =	vadd.s32 v1, v3  }
0xc1: {  	[hbm4b:s5+s2] =	stream.indirect_vreg.scatter [tilespmem:s24], [sflag:$0x2], $0x80, v4, vm0, $0xb8;
	[tilespmem:$0x10100] =	vst v63  }
0xc2: {  	s9 =	simm.s32 $0xD900  }
0xc3: {  	[hbm4b:s6+s2] =	stream.indirect_vreg.scatter [tilespmem:s9], [sflag:$0x2], $0x80, v4, vm0, $0xb8;
	[tilespmem:$0x10100] =	vst v63  }
0xc4: {  	s22 =	simm.s32 $0xE100  }
0xc5: {  	[hbm4b:s3+s2] =	stream.indirect_vreg.scatter [tilespmem:s22], [sflag:$0x2], $0x80, v3, vm0, $0xb8;
	[tilespmem:$0x10100] =	vst v63  }
0xc6: {  	s23 =	simm.s32 $0xE900  }
0xc7: {  	[hbm4b:s4+s2] =	stream.indirect_vreg.scatter [tilespmem:s23], [sflag:$0x2], $0x80, v3, vm0, $0xb8;
	[tilespmem:$0x10100] =	vst v63  }
0xc8: {  	s24 =	simm.s32 $0xF100  }
0xc9: {  	[hbm4b:s5+s2] =	stream.indirect_vreg.scatter [tilespmem:s24], [sflag:$0x2], $0x80, v3, vm0, $0xb8;
	[tilespmem:$0x10100] =	vst v63  }
0xca: {  	_ = 	snop  }
0xcb: {  	[hbm4b:s6+s2] =	stream.indirect_vreg.scatter [tilespmem:s1], [sflag:$0x2], $0x80, v3, vm0, $0xb8;
	[tilespmem:$0x10100] =	vst v63  }
0xcc: {  	p0 =	sne.s32 s7, $0x1;
	_ =	swait.ge [sflag:s11], $0x10000  }
.Ltmp0:
0xcd: {  	[sflag:s11] =	ssyncset.done $0x0;
	(pc) =	sbr.rel @p0 .LBB2_1-.Ltmp0, $4  }
0xce: {  	[sflag:s11] =	ssyncadd.s32 $0xFFFF0000  }
0xcf: {  	_ =	swait.ge [sflag:s0], $0x10000  }
0xd0: {  	[sflag:s0] =	ssyncset.done $0x0  }
0xd1: {  	s7 =	sadd.s32 $0xFFFFFFFF, s7;
	[sflag:s0] =	ssyncadd.s32 $0xFFFF0000  }
0xd2: {  	_ =	sfence.sel $0x180000  }
0xd3: {  	[bflag:$0x0] =	sbarrier.arrive $0xFFFF  }
0xd4: {  	_ =	strace $0x90000047  }
0xd5: {  	s0 =	stileid.u32;
	[bflag:$0x2] =	sbarrier.arrive $0xFFFF  }
0xd6: {  	p0 =	sne.s32 s0, $0x0;
	s0 =	rddreg [dreg:$0x2]  }
0xd7: {  	s0 =	sadd.s32 @!p0 $0x100000, s0  }
0xd8: {  	[sflag:s0] =	ssyncadd.tile.s32 @!p0 $0x1;
	_ =	shalt  }
.Lfunc_end2:
_tile_overlayer_lowered:
.L_overlay_start_2:
0xd9: {  	(tag) =	ssettag $0x2  }
0xda: {  	s0 =	rddreg [dreg:$0x0];
	s2 =	stileid.u32  }
0xdb: {  	s1 =	rddreg [dreg:$0x1];
	p0 =	sne.s32 s2, $0x0  }
0xdc: {  	s3 =	rddreg [dreg:$0x2];
	[bflag:$0x3] =	sbarrier.arrive $0xFFFF;
	s2 =	simm.s32 @!p0 $0x1C03  }
0xdd: {  	[timem:s3], [sflag:s2] =	dma.local @!p0 [hbm:s0], s1  }
0xde: {  	s0 =	simm.s32 @!p0 $0x3  }
0xdf: {  	_ =	swait.ge @!p0 [sflag:s0], s1  }
0xe0: {  	s1 =	ssub.s32 @!p0 $0x0, s1;
	[sflag:s0] =	ssyncset.done @!p0 $0x0  }
0xe1: {  	[sflag:s0] =	ssyncadd.s32 @!p0 s1  }
0xe2: {  	[bflag:$0x3] =	sbarrier.arrive $0xFFFF  }
0xe3: {  	_ =	shalt  }

// kernel: kernel.9.cloned.1.call-start
scs
__scs_entry_jumppad:
0x0: {  	(pc) =	sbr.rel $0x88, $3  }
0x1: {  	(tag) =	ssettag $0x0;
	lr =	simm.s32 $0x1  }
0x2: {  	[smem:$0x3F9D] =	sst lr;
	_ =	strace $0xD0000000  }
0x3: {  	_ = 	snop  }
0x4: {  	_ = 	snop  }
0x5: {  	_ = 	snop  }
0x6: {  	_ = 	snop  }
0x7: {  	_ = 	snop  }
__scs_overlays_trampoline_lowered:
0x8: {  	[smem:$0x3FAC] =	sst s0  }
0x9: {  	[smem:$0x3FAD] =	sst s1  }
0xa: {  	[smem:$0x3FAE] =	sst s2  }
0xb: {  	[smem:$0x3FAF] =	sst s3  }
0xc: {  	[smem:$0x3FB0] =	sst s4  }
0xd: {  	[smem:$0x3FB1] =	sst s5  }
0xe: {  	[smem:$0x3FB2] =	sst s6  }
0xf: {  	[smem:$0x3FB3] =	sst s7  }
0x10: {  	[smem:$0x3FB4] =	sst s8  }
0x11: {  	[smem:$0x3FB5] =	sst s9;
	s0 =	simm.s32 @!p0 $0x0  }
0x12: {  	s1 =	sld [smem:$0x3F9B];
	s0 =	simm.s32 @p0 $0x1  }
0x13: {  	[smem:$0x3FB6] =	sst s0;
	s0 =	simm.s32 @!p1 $0x0  }
0x14: {  	s2 =	sld [smem:$0x3F9A];
	s0 =	simm.s32 @p1 $0x1  }
0x15: {  	[smem:$0x3FB7] =	sst s0;
	s0 =	simm.s32 @!p2 $0x0  }
0x16: {  	s3 =	sld [smem:$0x3FDB];
	s0 =	simm.s32 @p2 $0x1  }
0x17: {  	s4 =	simm.s32 $0x1BF5;
	[smem:$0x3FB9] =	sst s0  }
0x18: {  	s0 =	sld [smem:$0x3F9C];
	_ =	swait.ge [sflag:s4], $0x0  }
0x19: {  	s7 =	sld [smem:$0x3F9D]  }
0x1a: {  	s8 =	sadd.s32 $0xFFFFE003, lr  }
0x1b: {  	s9 =	sadd.s32 $0xFFFFFEF7, lr;
	s5 =	simm.s32 $0xFFFFFFFF;
	p2 =	slt.u32 s8, $0xFFFFF086  }
0x1c: {  	p1 =	slt.u32 s9, $0xF7A;
	s5 =	simm.s32 @!p2 $0x0  }
0x1d: {  	s5 =	simm.s32 @p1 $0x1;
	p0 =	seq.s32 s7, s2  }
0x1e: {  	s7 =	smul.u32 @!p0 $0xF7A, s2;
	p2 =	seq.s32 @!p0 s5, $0x0  }
0x1f: {  	s9 =	smul.u32 $0xF7A, s1;
	s8 =	simm.s32 @!p0 $0x1BF5;
	p2 =	por !p2, p0  }
0x20: {  	[sflag:s8] =	ssyncset.s32 @!p0 $0xFFFFF086;
	s6 =	sadd.s32 @!p0 s3, s7;
	s7 =	simm.s32 @!p0 $0x108  }
0x21: {  	s3 =	sadd.s32 s3, s9;
	s6 =	sadd.s32 @!p0 $0x88, s6;
	s7 =	simm.s32 @p2 $0x1082  }
0x22: {  	[simem:s7], [sflag:s8] =	dma.local @!p0 [hbm:s6], $0xF7A  }
0x23: {  	s9 =	sor.u32 $0xD0000000, s2;
	s6 =	simm.s32 $0x108;
	_ =	swait.ge @!p0 [sflag:s8], $0x0  }
0x24: {  	s3 =	sadd.s32 $0x88, s3;
	s6 =	simm.s32 @!p1 $0x1082;
	[sflag:s4] =	ssyncset.s32 $0xFFFFF086  }
0x25: {  	[simem:s6], [sflag:s4] =	dma.local [hbm:s3], $0xF7A  }
0x26: {  	[smem:$0x3F9D] =	sst s1;
	(tag) =	ssettag s2;
	_ =	strace s9  }
0x27: {  	s1 =	sld [smem:$0x3FAD]  }
0x28: {  	s2 =	sld [smem:$0x3FAE]  }
0x29: {  	s4 =	sld [smem:$0x3FB0]  }
0x2a: {  	p0 =	seq.s32 s5, $0x0;
	s5 =	sld [smem:$0x3FB1]  }
0x2b: {  	s6 =	sld [smem:$0x3FB2]  }
0x2c: {  	s7 =	sld [smem:$0x3FB3]  }
0x2d: {  	s3 =	simm.s32 $0x108;
	s8 =	sld [smem:$0x3FB4]  }
0x2e: {  	s3 =	simm.s32 @!p0 $0x1082;
	s9 =	sld [smem:$0x3FB5]  }
0x2f: {  	lr =	sadd.s32 s0, s3;
	s0 =	sld [smem:$0x3FAC]  }
0x30: {  	s3 =	sld [smem:$0x3FAF]  }
0x31: {  	[smem:$0x3FB8] =	sst s10  }
0x32: {  	s10 =	sld [smem:$0x3FB6];
	_ =	sdelay $0x3  }
0x33: {  	p0 =	seq.s32 s10, $0x1;
	s10 =	sld [smem:$0x3FB8];
	_ =	sdelay $0x3  }
0x34: {  	[smem:$0x3FB8] =	sst s10  }
0x35: {  	s10 =	sld [smem:$0x3FB7];
	_ =	sdelay $0x3  }
0x36: {  	p1 =	seq.s32 s10, $0x1;
	s10 =	sld [smem:$0x3FB8];
	_ =	sdelay $0x3  }
0x37: {  	[smem:$0x3FB8] =	sst s10  }
0x38: {  	s10 =	sld [smem:$0x3FB9]  }
0x39: {  	_ = 	snop;
	(pc) =	sbr.ind lr, $3  }
0x3a: {  	_ = 	snop  }
0x3b: {  	_ = 	snop  }
0x3c: {  	p2 =	seq.s32 s10, $0x1;
	s10 =	sld [smem:$0x3FB8]  }
0x3d: {  	_ =	shalt  }
0x3e: {  	_ =	shalt  }
0x3f: {  	_ =	shalt  }
0x40: {  	_ =	shalt  }
0x41: {  	_ =	shalt  }
0x42: {  	_ =	shalt  }
0x43: {  	_ =	shalt  }
0x44: {  	_ =	shalt  }
0x45: {  	_ =	shalt  }
0x46: {  	_ =	shalt  }
0x47: {  	_ =	shalt  }
0x48: {  	_ =	shalt  }
0x49: {  	_ =	shalt  }
0x4a: {  	_ =	shalt  }
0x4b: {  	_ =	shalt  }
0x4c: {  	_ =	shalt  }
0x4d: {  	_ =	shalt  }
0x4e: {  	_ =	shalt  }
0x4f: {  	_ =	shalt  }
0x50: {  	_ =	shalt  }
0x51: {  	_ =	shalt  }
0x52: {  	_ =	shalt  }
0x53: {  	_ =	shalt  }
0x54: {  	_ =	shalt  }
0x55: {  	_ =	shalt  }
0x56: {  	_ =	shalt  }
0x57: {  	_ =	shalt  }
0x58: {  	_ =	shalt  }
0x59: {  	_ =	shalt  }
0x5a: {  	_ =	shalt  }
0x5b: {  	_ =	shalt  }
0x5c: {  	_ =	shalt  }
0x5d: {  	_ =	shalt  }
0x5e: {  	_ =	shalt  }
0x5f: {  	_ =	shalt  }
0x60: {  	_ =	shalt  }
0x61: {  	_ =	shalt  }
0x62: {  	_ =	shalt  }
0x63: {  	_ =	shalt  }
0x64: {  	_ =	shalt  }
0x65: {  	_ =	shalt  }
0x66: {  	_ =	shalt  }
0x67: {  	_ =	shalt  }
0x68: {  	_ =	shalt  }
0x69: {  	_ =	shalt  }
0x6a: {  	_ =	shalt  }
0x6b: {  	_ =	shalt  }
0x6c: {  	_ =	shalt  }
0x6d: {  	_ =	shalt  }
0x6e: {  	_ =	shalt  }
0x6f: {  	_ =	shalt  }
0x70: {  	_ =	shalt  }
0x71: {  	_ =	shalt  }
0x72: {  	_ =	shalt  }
0x73: {  	_ =	shalt  }
0x74: {  	_ =	shalt  }
0x75: {  	_ =	shalt  }
0x76: {  	_ =	shalt  }
0x77: {  	_ =	shalt  }
0x78: {  	_ =	shalt  }
0x79: {  	_ =	shalt  }
0x7a: {  	_ =	shalt  }
0x7b: {  	_ =	shalt  }
0x7c: {  	_ =	shalt  }
0x7d: {  	_ =	shalt  }
0x7e: {  	_ =	shalt  }
0x7f: {  	_ =	shalt  }
0x80: {  	_ =	shalt  }
0x81: {  	_ =	shalt  }
0x82: {  	_ =	shalt  }
0x83: {  	_ =	shalt  }
0x84: {  	_ =	shalt  }
0x85: {  	_ =	shalt  }
0x86: {  	_ =	shalt  }
0x87: {  	_ =	shalt  }
.Lfunc_end0:
.L_simem_size_0:
called_computation.1_lowered:
.L_overlay_start_0:
0x88: {  	s2 =	sld [smem:$0x3FD9]  }
0x89: {  	s3 =	sld [smem:$0x3FFE];
	_ =	sdelay $0x1  }
0x8a: {  	s1 =	srdreg.scid  }
0x8b: {  	s0 =	sand.u32 $0x1, s1  }
0x8c: {  	s17 =	sshll.u32 s0, $0xA;
	s2 =	sadd.s32 s3, s2  }
0x8d: {  	s2 =	sadd.s32 s2, s17  }
0x8e: {  	[smem:$0x3FC4] =	sst s2  }
0x8f: {  	_ = 	snop  }
0x90: {  	s2 =	sld [smem:$0x3FD0];
	(tm) =	ssettm $0x1  }
0x91: {  	s18 =	sld [smem:$0x3FFB];
	_ =	sdelay $0x3  }
0x92: {  	_ =	strace s18  }
0x93: {  	s3 =	sld [smem:$0x3FFC];
	_ =	sdelay $0x3  }
0x94: {  	_ =	strace s3  }
0x95: {  	s3 =	sld [smem:$0x3FFD];
	_ =	sdelay $0x3  }
0x96: {  	_ =	strace s3  }
0x97: {  	_ =	strace $0x8FFFFFFF  }
0x98: {  	s19 =	sld [smem:$0x3FDB];
	_ =	sdelay $0x1  }
0x99: {  	s4 =	simm.s32 $_scs_section_size  }
0x9a: {  	s5 =	simm.s32 $_size__tile_overlayer_lowered;
	s6 =	simm.s32 $_tile_overlayer_lowered  }
0x9b: {  	s22 =	simm.s32 $0x1BFF;
	s21 =	sshll.u32 s6, $0x1;
	s3 =	sadd.s32 s4, s19  }
0x9c: {  	s7 =	simm.s32 $0x0;
	s20 =	sshll.u32 s5, $0x1;
	s5 =	sadd.s32 s21, s3  }
0x9d: {  	[timem:s7], [sflag:s22] =	dma.local [hbm:s5], s20  }
0x9e: {  	_ =	swait.ge [sflag:s22], s20  }
0x9f: {  	s4 =	ssub.s32 $0x0, s20;
	[sflag:s22] =	ssyncset.done $0x0  }
0xa0: {  	[sflag:s22] =	ssyncadd.s32 s4;
	_ =	sdelay $0x1  }
0xa1: {  	s23 =	simm.s32 $0x1B8B  }
0xa2: {  	_ =	swait.ge [sflag:s23], $0x1  }
0xa3: {  	[sflag:s23] =	ssyncset.done $0x0  }
0xa4: {  	s25 =	simm.s32 $0x1B8E;
	s24 =	sld [smem:$0x3FFE];
	[sflag:s23] =	ssyncadd.s32 $0xFFFFFFFF  }
0xa5: {  	s26 =	simm.s32 $execute0_lowered;
	[smem:$0x3FD2] =	sst s25  }
0xa6: {  	s5 =	sshll.u32 s26, $0x1;
	_ =	strace $0x80000049;
	[dreg:$0x1] =	wrdreg $0xFFFFFFFF  }
0xa7: {  	s28 =	simm.s32 $_size_execute0_lowered;
	s3 =	sadd.s32 s3, s5;
	[dreg:$0x0] =	wrdreg $0x0  }
0xa8: {  	s5 =	sshll.u32 s28, $0x1;
	[dreg:$0x2] =	wrdreg s3  }
0xa9: {  	[dreg:$0x3] =	wrdreg s5  }
0xaa: {  	[dreg:$0x4] =	wrdreg $0xC0  }
0xab: {  	_ =	task [dreg:s7], $0x5FFFF  }
0xac: {  	[dreg:$0x1] =	wrdreg $0xFFFFFFFF  }
0xad: {  	[dreg:$0x0] =	wrdreg $0x60  }
0xae: {  	[dreg:$0x2] =	wrdreg s24  }
0xaf: {  	[dreg:$0x3] =	wrdreg s2  }
0xb0: {  	[dreg:$0x4] =	wrdreg $0x9  }
0xb1: {  	_ =	task.clear_ibuf [dreg:s7], $0x5FFFF;
	_ =	strace $0x90000049  }
0xb2: {  	s29 =	simm.s32 $0x9;
	_ =	strace $0x8000004B  }
0xb3: {  	_ =	swait.ge [sflag:s29], $0x1  }
0xb4: {  	[sflag:s29] =	ssyncadd.s32 $0xFFFFFFFF  }
0xb5: {  	_ =	strace $0x9000004B  }
0xb6: {  	_ =	sfence  }
0xb7: {  	s30 =	sld [smem:$0x0];
	_ =	sdelay $0x2  }
0xb8: {  	s31 =	sshll.u32 s1, $0xD;
	s1 =	sshrl.u32 s1, $0x2  }
0xb9: {  	s3 =	sand.u32 $0x4000, s31;
	s1 =	sadd.s32 s1, s30  }
0xba: {  	s0 =	sor.u32 s3, s0;
	s1 =	sshll.u32 s1, $0x11  }
0xbb: {  	s0 =	sor.u32 s1, s0  }
0xbc: {  	s0 =	sadd.s32 $0x8F2B, s0  }
0xbd: {  	[sflag:s0] =	ssyncadd.remote.s32 $0x1  }
0xbe: {  	_ =	sfence.sel $0xFFFF  }
0xbf: {  	[dreg:$0x0] =	wrdreg $0xFFFFFFFF;
	(pc) =	sbr.abs _section_cstart, $3  }
0xc0: {  	[dreg:$0x1] =	wrdreg $0xFFFFFFFF  }
0xc1: {  	_ =	task.clear_ibuf [dreg:s7], $0x2FFFF;
	_ =	strace $0x9FFFFFFF  }
0xc2: {  	(tm) =	ssettm $0x7FFFFFFF  }
0xc3: {  	_ =	shalt  }
tec
execute0_lowered:
.L_overlay_start_1:
0x0: {  	(tag) =	ssettag $0x1  }
0x1: {  	s0 =	rddreg [dreg:$0x0]  }
0x2: {  	s1 =	rddreg [dreg:$0x1];
	s2 =	srdreg.scid  }
0x3: {  	s4 =	stileid.u32;
	s15 =	simm.s32 $0x3;
	s16 =	simm.s32 $0x1  }
0x4: {  	s17 =	simm.s32 $0x2;
	s18 =	simm.s32 $0xC100;
	s20 =	simm.s32 $0xD900  }
0x5: {  	s21 =	simm.s32 $0xE900;
	s28 =	simm.s32 $0x12900;
	s29 =	simm.s32 $0x13100  }
0x6: {  	s12 =	simm.s32 $0x13900;
	s30 =	simm.s32 $0x0;
	s3 =	sand.u32 $0x1, s2  }
0x7: {  	s2 =	simm.s32 $0x0;
	s4 =	sshll.u32 s4, $0x7;
	s9 =	sadd.s32 $0xD1800, s0  }
0x8: {  	s10 =	sadd.s32 $0xD1900, s0;
	s5 =	sshll.u32 s3, $0x6;
	[smem:$0x7FF] =	sst s2  }
0x9: {  	s6 =	ssub.s32 $0x2, s3;
	s3 =	sadd.s32 $0xD1600, s0;
	s4 =	sor.u32 s5, s4  }
0xa: {  	_ =	strace $0x8000004A;
	s7 =	sshrl.u32 s6, $0x1;
	s5 =	sshrl.u32 s4, $0x3  }
0xb: {  	s22 =	sshll.u32 s4, $0x4;
	s6 =	ssub.s32 s6, s7;
	s4 =	sshll.u32 s4, $0x7  }
0xc: {  	s7 =	simm.s32 $0x10100;
	s5 =	sadd.s32 s5, s0;
	s31 =	smax.u32 s6, $0x1  }
0xd: {  	s8 =	sadd.s32 s22, s0;
	s23 =	sadd.s32 $0x1200, s5;
	[dreg:$0x8] =	wrdreg s31  }
0xe: {  	s11 =	sadd.s32 s1, s4;
	s5 =	sadd.s32 $0x1400, s5;
	[dreg:$0x3] =	wrdreg s23  }
0xf: {  	v2 =	vlaneseq.u32;
	s6 =	simm.s32 $0xF100;
	s24 =	sadd.s32 $0x1600, s8;
	[dreg:$0x4] =	wrdreg s5  }
0x10: {  	v0 =	vand.u32 $0x7, v2;
	v1 =	vshrl.u32 v2, $0x3;
	s22 =	simm.s32 $0xF900;
	s25 =	sadd.s32 $0x9600, s8;
	[dreg:$0x5] =	wrdreg s24  }
0x11: {  	v63 =	vor.u32 $0x8, v2;
	v62 =	vmul.u32 $0x8, v1;
	[tilespmem:$0x1FFD0] =	vst v0;
	s8 =	sadd.s32 $0xD1700, s0;
	s26 =	sadd.s32 $0x1000, s11;
	[dreg:$0x6] =	wrdreg s25  }
0x12: {  	[tilespmem:$0x1FFF0] =	vst v63;
	[dreg:$0x7] =	wrdreg s26;
	s5 =	simm.s32 $0xE100;
	s23 =	simm.s32 $0x10900  }
0x13: {  	vm0 =	vmmov $0xffff;
	[tilespmem:$0x1FFE0] =	vst v62;
	s24 =	simm.s32 $0x11100;
	s25 =	simm.s32 $0x11900;
	s26 =	simm.s32 $0x12100  }
.LBB2_1:
0x14: {  	s0 =	rddreg [dreg:$0x3]  }
0x15: {  	[tilespmem:s2], [sflag:$0x1] =	stream.linear.gather [hbm4b:s0+s2], $0x40, $0x38;
	[tilespmem:$0x14100] =	vst v63  }
0x16: {  	s19 =	rddreg [dreg:$0x4];
	s1 =	simm.s32 $0x80  }
0x17: {  	[tilespmem:s1], [sflag:$0x2] =	stream.linear.gather [hbm4b:s19+s2], $0x40, $0x38;
	[tilespmem:$0x14100] =	vst v63  }
0x18: {  	s13 =	simm.s32 $0x100;
	s1 =	rddreg [dreg:$0x5]  }
0x19: {  	[tilespmem:s13], [sflag:$0x3] =	stream.linear.gather [hbm4b:s1+s2], $0x2000, $0x38;
	[tilespmem:$0x14100] =	vst v63  }
0x1a: {  	_ =	swait.ge [sflag:s15], $0x2000  }
0x1b: {  	[sflag:s15] =	ssyncset.done $0x0  }
0x1c: {  	s31 =	simm.s32 $0x2100;
	s4 =	rddreg [dreg:$0x6];
	[sflag:s15] =	ssyncadd.s32 $0xFFFFE000  }
0x1d: {  	[tilespmem:s31], [sflag:$0x3] =	stream.linear.gather [hbm4b:s4+s2], $0x2000, $0x38;
	[tilespmem:$0x14100] =	vst v63  }
0x1e: {  	_ =	swait.ge [sflag:s15], $0x2000  }
0x1f: {  	[sflag:s15] =	ssyncset.done $0x0  }
0x20: {  	[sflag:s15] =	ssyncadd.s32 $0xFFFFE000  }
0x21: {  	_ =	swait.ge [sflag:s16], $0x40  }
0x22: {  	[sflag:s16] =	ssyncset.done $0x0  }
0x23: {  	[sflag:s16] =	ssyncadd.s32 $0xFFFFFFC0  }
0x24: {  	_ =	swait.ge [sflag:s17], $0x40  }
0x25: {  	[sflag:s17] =	ssyncset.done $0x0  }
0x26: {  	[sflag:s17] =	ssyncadd.s32 $0xFFFFFFC0  }
0x27: {  	v3 =	vld [tilespmem:$0x0];
	_ =	sdelay $0x2  }
0x28: {  	v0 =	vld [tilespmem:$0x1FFD0];
	_ =	sdelay $0x1  }
0x29: {  	v1 =	vld [tilespmem:$0x1FFE0];
	v4 =	vshll.u32 v3, $0x3  }
0x2a: {  	v3 =	vand.u32 $0x7, v3;
	v4 =	vand.u32 $0xFFFFFFC0, v4  }
0x2b: {  	v3 =	vor.u32 v3, v4  }
0x2c: {  	v4 =	vperm.xlane v3, v0;
	_ =	sdelay $0x1  }
0x2d: {  	v4 =	vadd.s32 v1, v4  }
0x2e: {  	v2 =	vld [tilespmem:$0x1FFF0];
	_ =	sdelay $0x2  }
0x2f: {  	s14 =	simm.s32 $0x4100  }
0x30: {  	[tilespmem:s14], [sflag:$0x1] =	stream.indirect_vreg.gather [hbm4b:s3+s2], $0x80, v4, vm0, $0xb8;
	[tilespmem:$0x14100] =	vst v63  }
0x31: {  	s19 =	simm.s32 $0x4900;
	v3 =	vperm.xlane v3, v2  }
0x32: {  	[tilespmem:s19], [sflag:$0x1] =	stream.indirect_vreg.gather [hbm4b:s8+s2], $0x80, v4, vm0, $0xb8;
	[tilespmem:$0x14100] =	vst v63  }
0x33: {  	s1 =	simm.s32 $0x5100;
	v3 =	vadd.s32 v1, v3  }
0x34: {  	[tilespmem:s1], [sflag:$0x1] =	stream.indirect_vreg.gather [hbm4b:s9+s2], $0x80, v4, vm0, $0xb8;
	[tilespmem:$0x14100] =	vst v63  }
0x35: {  	s4 =	simm.s32 $0x5900  }
0x36: {  	[tilespmem:s4], [sflag:$0x1] =	stream.indirect_vreg.gather [hbm4b:s10+s2], $0x80, v4, vm0, $0xb8;
	[tilespmem:$0x14100] =	vst v63  }
0x37: {  	s14 =	simm.s32 $0x6100  }
0x38: {  	[tilespmem:s14], [sflag:$0x1] =	stream.indirect_vreg.gather [hbm4b:s3+s2], $0x80, v3, vm0, $0xb8;
	[tilespmem:$0x14100] =	vst v63  }
0x39: {  	s19 =	simm.s32 $0x6900  }
0x3a: {  	[tilespmem:s19], [sflag:$0x1] =	stream.indirect_vreg.gather [hbm4b:s8+s2], $0x80, v3, vm0, $0xb8;
	[tilespmem:$0x14100] =	vst v63  }
0x3b: {  	s1 =	simm.s32 $0x7100  }
0x3c: {  	[tilespmem:s1], [sflag:$0x1] =	stream.indirect_vreg.gather [hbm4b:s9+s2], $0x80, v3, vm0, $0xb8;
	[tilespmem:$0x14100] =	vst v63  }
0x3d: {  	s4 =	simm.s32 $0x7900  }
0x3e: {  	[tilespmem:s4], [sflag:$0x1] =	stream.indirect_vreg.gather [hbm4b:s10+s2], $0x80, v3, vm0, $0xb8;
	[tilespmem:$0x14100] =	vst v63  }
0x3f: {  	v3 =	vld [tilespmem:$0x10];
	_ =	sdelay $0x4  }
0x40: {  	v60 =	vshll.u32 v3, $0x3  }
0x41: {  	v3 =	vand.u32 $0x7, v3;
	v4 =	vand.u32 $0xFFFFFFC0, v60  }
0x42: {  	v3 =	vor.u32 v3, v4  }
0x43: {  	v4 =	vperm.xlane v3, v0;
	_ =	sdelay $0x1  }
0x44: {  	v4 =	vadd.s32 v1, v4;
	_ =	sdelay $0x3  }
0x45: {  	s14 =	simm.s32 $0x8100  }
0x46: {  	[tilespmem:s14], [sflag:$0x1] =	stream.indirect_vreg.gather [hbm4b:s3+s2], $0x80, v4, vm0, $0xb8;
	[tilespmem:$0x14100] =	vst v63  }
0x47: {  	s19 =	simm.s32 $0x8900;
	v3 =	vperm.xlane v3, v2  }
0x48: {  	[tilespmem:s19], [sflag:$0x1] =	stream.indirect_vreg.gather [hbm4b:s8+s2], $0x80, v4, vm0, $0xb8;
	[tilespmem:$0x14100] =	vst v63  }
0x49: {  	s1 =	simm.s32 $0x9100;
	v3 =	vadd.s32 v1, v3  }
0x4a: {  	[tilespmem:s1], [sflag:$0x1] =	stream.indirect_vreg.gather [hbm4b:s9+s2], $0x80, v4, vm0, $0xb8;
	[tilespmem:$0x14100] =	vst v63  }
0x4b: {  	s4 =	simm.s32 $0x9900  }
0x4c: {  	[tilespmem:s4], [sflag:$0x1] =	stream.indirect_vreg.gather [hbm4b:s10+s2], $0x80, v4, vm0, $0xb8;
	[tilespmem:$0x14100] =	vst v63  }
0x4d: {  	s14 =	simm.s32 $0xA100  }
0x4e: {  	[tilespmem:s14], [sflag:$0x1] =	stream.indirect_vreg.gather [hbm4b:s3+s2], $0x80, v3, vm0, $0xb8;
	[tilespmem:$0x14100] =	vst v63  }
0x4f: {  	s19 =	simm.s32 $0xA900  }
0x50: {  	[tilespmem:s19], [sflag:$0x1] =	stream.indirect_vreg.gather [hbm4b:s8+s2], $0x80, v3, vm0, $0xb8;
	[tilespmem:$0x14100] =	vst v63  }
0x51: {  	s1 =	simm.s32 $0xB100  }
0x52: {  	[tilespmem:s1], [sflag:$0x1] =	stream.indirect_vreg.gather [hbm4b:s9+s2], $0x80, v3, vm0, $0xb8;
	[tilespmem:$0x14100] =	vst v63  }
0x53: {  	s4 =	simm.s32 $0xB900  }
0x54: {  	[tilespmem:s4], [sflag:$0x1] =	stream.indirect_vreg.gather [hbm4b:s10+s2], $0x80, v3, vm0, $0xb8;
	[tilespmem:$0x14100] =	vst v63  }
0x55: {  	_ =	swait.ge [sflag:s16], $0x8000  }
0x56: {  	[sflag:s16] =	ssyncset.done $0x0  }
0x57: {  	[sflag:s16] =	ssyncadd.s32 $0xFFFF8000  }
0x58: {  	v61 =	vld [tilespmem:$0x80];
	_ =	sdelay $0x4  }
0x59: {  	v62 =	vshll.u32 v61, $0x3  }
0x5a: {  	v3 =	vand.u32 $0x7, v61;
	v4 =	vand.u32 $0xFFFFFFC0, v62  }
0x5b: {  	v3 =	vor.u32 v3, v4  }
0x5c: {  	v4 =	vperm.xlane v3, v0;
	_ =	sdelay $0x1  }
0x5d: {  	v4 =	vadd.s32 v1, v4;
	_ =	sdelay $0x4  }
0x5e: {  	[tilespmem:s18], [sflag:$0x2] =	stream.indirect_vreg.gather [hbm4b:s3+s2], $0x80, v4, vm0, $0xb8;
	[tilespmem:$0x14100] =	vst v63  }
0x5f: {  	s14 =	simm.s32 $0xC900;
	v3 =	vperm.xlane v3, v2  }
0x60: {  	[tilespmem:s14], [sflag:$0x2] =	stream.indirect_vreg.gather [hbm4b:s8+s2], $0x80, v4, vm0, $0xb8;
	[tilespmem:$0x14100] =	vst v63  }
0x61: {  	s19 =	simm.s32 $0xD100;
	v3 =	vadd.s32 v1, v3  }
0x62: {  	[tilespmem:s19], [sflag:$0x2] =	stream.indirect_vreg.gather [hbm4b:s9+s2], $0x80, v4, vm0, $0xb8;
	[tilespmem:$0x14100] =	vst v63  }
0x63: {  	_ = 	snop  }
0x64: {  	[tilespmem:s20], [sflag:$0x2] =	stream.indirect_vreg.gather [hbm4b:s10+s2], $0x80, v4, vm0, $0xb8;
	[tilespmem:$0x14100] =	vst v63  }
0x65: {  	_ = 	snop  }
0x66: {  	[tilespmem:s5], [sflag:$0x2] =	stream.indirect_vreg.gather [hbm4b:s3+s2], $0x80, v3, vm0, $0xb8;
	[tilespmem:$0x14100] =	vst v63  }
0x67: {  	_ = 	snop  }
0x68: {  	[tilespmem:s21], [sflag:$0x2] =	stream.indirect_vreg.gather [hbm4b:s8+s2], $0x80, v3, vm0, $0xb8;
	[tilespmem:$0x14100] =	vst v63  }
0x69: {  	_ = 	snop  }
0x6a: {  	[tilespmem:s6], [sflag:$0x2] =	stream.indirect_vreg.gather [hbm4b:s9+s2], $0x80, v3, vm0, $0xb8;
	[tilespmem:$0x14100] =	vst v63  }
0x6b: {  	_ = 	snop  }
0x6c: {  	[tilespmem:s22], [sflag:$0x2] =	stream.indirect_vreg.gather [hbm4b:s10+s2], $0x80, v3, vm0, $0xb8;
	[tilespmem:$0x14100] =	vst v63  }
0x6d: {  	v3 =	vld [tilespmem:$0x90];
	_ =	sdelay $0x4  }
0x6e: {  	v63 =	vshll.u32 v3, $0x3  }
0x6f: {  	v3 =	vand.u32 $0x7, v3;
	v4 =	vand.u32 $0xFFFFFFC0, v63  }
0x70: {  	v3 =	vor.u32 v3, v4  }
0x71: {  	v4 =	vperm.xlane v3, v0;
	_ =	sdelay $0x1  }
0x72: {  	v4 =	vadd.s32 v1, v4;
	_ =	sdelay $0x4  }
0x73: {  	[tilespmem:s7], [sflag:$0x2] =	stream.indirect_vreg.gather [hbm4b:s3+s2], $0x80, v4, vm0, $0xb8;
	[tilespmem:$0x14100] =	vst v63  }
0x74: {  	v3 =	vperm.xlane v3, v2  }
0x75: {  	[tilespmem:s23], [sflag:$0x2] =	stream.indirect_vreg.gather [hbm4b:s8+s2], $0x80, v4, vm0, $0xb8;
	[tilespmem:$0x14100] =	vst v63  }
0x76: {  	v3 =	vadd.s32 v1, v3  }
0x77: {  	[tilespmem:s24], [sflag:$0x2] =	stream.indirect_vreg.gather [hbm4b:s9+s2], $0x80, v4, vm0, $0xb8;
	[tilespmem:$0x14100] =	vst v63  }
0x78: {  	_ = 	snop  }
0x79: {  	[tilespmem:s25], [sflag:$0x2] =	stream.indirect_vreg.gather [hbm4b:s10+s2], $0x80, v4, vm0, $0xb8;
	[tilespmem:$0x14100] =	vst v63  }
0x7a: {  	_ = 	snop  }
0x7b: {  	[tilespmem:s26], [sflag:$0x2] =	stream.indirect_vreg.gather [hbm4b:s3+s2], $0x80, v3, vm0, $0xb8;
	[tilespmem:$0x14100] =	vst v63  }
0x7c: {  	_ = 	snop  }
0x7d: {  	[tilespmem:s28], [sflag:$0x2] =	stream.indirect_vreg.gather [hbm4b:s8+s2], $0x80, v3, vm0, $0xb8;
	[tilespmem:$0x14100] =	vst v63  }
0x7e: {  	_ = 	snop  }
0x7f: {  	[tilespmem:s29], [sflag:$0x2] =	stream.indirect_vreg.gather [hbm4b:s9+s2], $0x80, v3, vm0, $0xb8;
	[tilespmem:$0x14100] =	vst v63  }
0x80: {  	_ = 	snop  }
0x81: {  	[tilespmem:s12], [sflag:$0x2] =	stream.indirect_vreg.gather [hbm4b:s10+s2], $0x80, v3, vm0, $0xb8;
	[tilespmem:$0x14100] =	vst v63  }
0x82: {  	_ =	swait.ge [sflag:s17], $0x8000  }
0x83: {  	s0 =	simm.s32 $0x0;
	[sflag:s17] =	ssyncset.done $0x0  }
0x84: {  	s1 =	simm.s32 $0x0;
	s14 =	simm.s32 $0x0;
	[sflag:s17] =	ssyncadd.s32 $0xFFFF8000  }
.LBB2_2:
0x85: {  	v3 =	vld [tilespmem:s13+$0x0];
	s19 =	sand.u32 $0x6000, s1;
	s4 =	sand.u32 $0x380, s14  }
0x86: {  	v4 =	vld [tilespmem:s31+$0x0];
	s19 =	sor.u32 s4, s19  }
0x87: {  	v6 =	vld [tilespmem:s19+$0x4100]  }
0x88: {  	v7 =	vld [tilespmem:s19+$0xC100]  }
0x89: {  	v10 =	vld [tilespmem:s19+$0x4110]  }
0x8a: {  	v11 =	vld [tilespmem:s19+$0xC110]  }
0x8b: {  	v14 =	vld [tilespmem:s19+$0x4120]  }
0x8c: {  	v17 =	vld [tilespmem:s19+$0xC120]  }
0x8d: {  	v20 =	vld [tilespmem:s19+$0x4130]  }
0x8e: {  	v21 =	vld [tilespmem:s19+$0xC130]  }
0x8f: {  	v26 =	vld [tilespmem:s19+$0x4140]  }
0x90: {  	v27 =	vld [tilespmem:s19+$0xC140]  }
0x91: {  	v28 =	vld [tilespmem:s19+$0x4150]  }
0x92: {  	v29 =	vld [tilespmem:s19+$0xC150]  }
0x93: {  	v30 =	vld [tilespmem:s19+$0x4160]  }
0x94: {  	v31 =	vld [tilespmem:s19+$0xC160]  }
0x95: {  	v32 =	vld [tilespmem:s19+$0x4170]  }
0x96: {  	v33 =	vld [tilespmem:s19+$0xC170]  }
0x97: {  	v34 =	vld [tilespmem:s19+$0x4500]  }
0x98: {  	v35 =	vld [tilespmem:s19+$0xC500]  }
0x99: {  	v36 =	vld [tilespmem:s19+$0x4510]  }
0x9a: {  	v37 =	vld [tilespmem:s19+$0xC510]  }
0x9b: {  	v38 =	vld [tilespmem:s19+$0x4520]  }
0x9c: {  	v39 =	vld [tilespmem:s19+$0xC520]  }
0x9d: {  	v40 =	vld [tilespmem:s19+$0x4530]  }
0x9e: {  	v41 =	vld [tilespmem:s19+$0xC530]  }
0x9f: {  	v42 =	vld [tilespmem:s19+$0x4540]  }
0xa0: {  	v43 =	vld [tilespmem:s19+$0xC540]  }
0xa1: {  	v44 =	vld [tilespmem:s19+$0x4550]  }
0xa2: {  	v45 =	vld [tilespmem:s19+$0xC550]  }
0xa3: {  	v46 =	vld [tilespmem:s19+$0x4560]  }
0xa4: {  	v47 =	vld [tilespmem:s19+$0xC560]  }
0xa5: {  	v48 =	vld [tilespmem:s19+$0x4570]  }
0xa6: {  	v49 =	vld [tilespmem:s19+$0xC570]  }
0xa7: {  	v50 =	vld [tilespmem:s19+$0x4900]  }
0xa8: {  	v51 =	vld [tilespmem:s19+$0xC900]  }
0xa9: {  	v52 =	vld [tilespmem:s19+$0x4910]  }
0xaa: {  	v53 =	vld [tilespmem:s19+$0xC910]  }
0xab: {  	v54 =	vld [tilespmem:s19+$0x4920]  }
0xac: {  	v55 =	vld [tilespmem:s19+$0xC920]  }
0xad: {  	v56 =	vld [tilespmem:s19+$0x4930]  }
0xae: {  	v57 =	vld [tilespmem:s19+$0xC930]  }
0xaf: {  	v58 =	vld [tilespmem:s19+$0x4940]  }
0xb0: {  	v59 =	vld [tilespmem:s19+$0xC940]  }
0xb1: {  	v60 =	vld [tilespmem:s19+$0x4950]  }
0xb2: {  	v61 =	vld [tilespmem:s19+$0xC950]  }
0xb3: {  	v62 =	vld [tilespmem:s19+$0x4960]  }
0xb4: {  	v63 =	vld [tilespmem:s19+$0xC960]  }
0xb5: {  	v5 =	vld [tilespmem:s19+$0x4970]  }
0xb6: {  	v2 =	vld [tilespmem:s19+$0xC970]  }
0xb7: {  	v24 =	vld [tilespmem:s19+$0x4D00]  }
0xb8: {  	v25 =	vld [tilespmem:s19+$0xCD00]  }
0xb9: {  	v22 =	vld [tilespmem:s19+$0x4D10]  }
0xba: {  	v23 =	vld [tilespmem:s19+$0xCD10]  }
0xbb: {  	v18 =	vld [tilespmem:s19+$0x4D20]  }
0xbc: {  	v19 =	vld [tilespmem:s19+$0xCD20]  }
0xbd: {  	v15 =	vld [tilespmem:s19+$0x4D30]  }
0xbe: {  	v0 =	vld [tilespmem:s19+$0x4D60]  }
0xbf: {  	v16 =	vld [tilespmem:s19+$0xCD30]  }
0xc0: {  	v12 =	vld [tilespmem:s19+$0x4D40]  }
0xc1: {  	v13 =	vld [tilespmem:s19+$0xCD40]  }
0xc2: {  	v8 =	vld [tilespmem:s19+$0x4D50];
	v1 =	vmul.f32 v6, v3  }
0xc3: {  	v9 =	vld [tilespmem:s19+$0xCD50];
	[tilespmem:$0x1FFC0] =	vst v0;
	v0 =	vmul.f32 v7, v4;
	v10 =	vmul.f32 v10, v3  }
0xc4: {  	v7 =	vld [tilespmem:s19+$0xCD60];
	v11 =	vmul.f32 v11, v4;
	v14 =	vmul.f32 v14, v3  }
0xc5: {  	v6 =	vld [tilespmem:s19+$0x4D70];
	v17 =	vmul.f32 v17, v4;
	v20 =	vmul.f32 v20, v3  }
0xc6: {  	v21 =	vmul.f32 v21, v4;
	v26 =	vmul.f32 v26, v3;
	v1 =	vadd.f32 v0, v1;
	v0 =	vld [tilespmem:s19+$0xCD70]  }
0xc7: {  	v5 =	vmul.f32 v5, v3;
	v2 =	vmul.f32 v2, v4;
	v10 =	vadd.f32 v11, v10;
	v11 =	vld [tilespmem:s19+$0x5100]  }
0xc8: {  	v24 =	vmul.f32 v24, v3;
	v25 =	vmul.f32 v25, v4;
	[tilespmem:s19+$0xC100] =	vst v1;
	v1 =	vadd.f32 v17, v14;
	v14 =	vld [tilespmem:s19+$0xD100]  }
0xc9: {  	[tilespmem:s19+$0xC110] =	vst v10;
	v10 =	vadd.f32 v21, v20;
	v21 =	vmul.f32 v28, v3;
	v28 =	vmul.f32 v29, v4;
	v17 =	vld [tilespmem:s19+$0x5110]  }
0xca: {  	v27 =	vmul.f32 v27, v4;
	v34 =	vmul.f32 v34, v3;
	v2 =	vadd.f32 v2, v5;
	v20 =	vld [tilespmem:s19+$0xD110]  }
0xcb: {  	v35 =	vmul.f32 v35, v4;
	v25 =	vadd.f32 v25, v24;
	[tilespmem:s19+$0xC130] =	vst v10;
	v10 =	vadd.f32 v28, v21;
	v21 =	vld [tilespmem:s19+$0x5120]  }
0xcc: {  	v29 =	vmul.f32 v33, v4;
	[tilespmem:s19+$0xC120] =	vst v1;
	v1 =	vadd.f32 v27, v26;
	v27 =	vmul.f32 v31, v4;
	v31 =	vld [tilespmem:s19+$0x5130]  }
0xcd: {  	[tilespmem:s19+$0xC970] =	vst v2;
	v26 =	vmul.f32 v30, v3;
	v28 =	vmul.f32 v32, v3;
	v32 =	vld [tilespmem:s19+$0xD130]  }
0xce: {  	v38 =	vmul.f32 v38, v3;
	[tilespmem:s19+$0xCD00] =	vst v25;
	v30 =	vmul.f32 v15, v3;
	v15 =	vld [tilespmem:s19+$0x5540]  }
0xcf: {  	v39 =	vmul.f32 v39, v4;
	v33 =	vadd.f32 v27, v26;
	v26 =	vld [tilespmem:s19+$0xD120];
	[tilespmem:s19+$0xC150] =	vst v10;
	v10 =	vadd.f32 v29, v28  }
0xd0: {  	[tilespmem:s19+$0xC140] =	vst v1;
	v28 =	vmul.f32 v36, v3;
	v36 =	vmul.f32 v37, v4;
	v37 =	vadd.f32 v35, v34;
	v34 =	vld [tilespmem:s19+$0xD140]  }
0xd1: {  	v40 =	vmul.f32 v40, v3;
	v52 =	vmul.f32 v52, v3;
	v35 =	vld [tilespmem:s19+$0x5150];
	[tilespmem:s19+$0xC160] =	vst v33  }
0xd2: {  	v18 =	vmul.f32 v18, v3;
	v27 =	vld [tilespmem:s19+$0xD520];
	[tilespmem:s19+$0xC170] =	vst v10;
	v10 =	vadd.f32 v36, v28;
	v36 =	vmul.f32 v41, v4  }
0xd3: {  	v33 =	vld [tilespmem:s19+$0x5140];
	[tilespmem:s19+$0xC500] =	vst v37;
	v37 =	vadd.f32 v39, v38;
	v38 =	vmul.f32 v42, v3;
	v39 =	vmul.f32 v43, v4  }
0xd4: {  	v41 =	vmul.f32 v45, v4;
	v28 =	vld [tilespmem:s19+$0x5520];
	[tilespmem:s19+$0xC510] =	vst v10;
	v10 =	vadd.f32 v36, v40;
	v40 =	vmul.f32 v44, v3  }
0xd5: {  	v43 =	vmul.f32 v46, v3;
	[tilespmem:s19+$0xC520] =	vst v37;
	v42 =	vadd.f32 v39, v38;
	v44 =	vmul.f32 v47, v4;
	v36 =	vld [tilespmem:s19+$0xD150]  }
0xd6: {  	v46 =	vmul.f32 v48, v3;
	v47 =	vmul.f32 v49, v4;
	v37 =	vld [tilespmem:s19+$0x5160];
	[tilespmem:s19+$0xC530] =	vst v10;
	v45 =	vadd.f32 v41, v40  }
0xd7: {  	v49 =	vmul.f32 v50, v3;
	v50 =	vmul.f32 v51, v4;
	v38 =	vld [tilespmem:s19+$0xD160];
	[tilespmem:s19+$0xC540] =	vst v42;
	v48 =	vadd.f32 v44, v43  }
0xd8: {  	v19 =	vmul.f32 v19, v4;
	v39 =	vld [tilespmem:s19+$0x5170];
	v51 =	vadd.f32 v47, v46;
	v44 =	vmul.f32 v53, v4;
	[tilespmem:s19+$0xC550] =	vst v45  }
0xd9: {  	v46 =	vmul.f32 v54, v3;
	v47 =	vmul.f32 v55, v4;
	v40 =	vld [tilespmem:s19+$0xD170];
	[tilespmem:s19+$0xC560] =	vst v48;
	v45 =	vadd.f32 v50, v49  }
0xda: {  	v41 =	vld [tilespmem:s19+$0x5500];
	v53 =	vmul.f32 v59, v4;
	v55 =	vmul.f32 v60, v3;
	[tilespmem:s19+$0xC570] =	vst v51;
	v48 =	vadd.f32 v44, v52  }
0xdb: {  	v42 =	vld [tilespmem:s19+$0xD500];
	v49 =	vmul.f32 v56, v3;
	v50 =	vmul.f32 v57, v4;
	v51 =	vadd.f32 v47, v46;
	[tilespmem:s19+$0xC900] =	vst v45  }
0xdc: {  	v43 =	vld [tilespmem:s19+$0x5510];
	v59 =	vmul.f32 v63, v4;
	v52 =	vmul.f32 v58, v3;
	v46 =	vadd.f32 v19, v18;
	[tilespmem:s19+$0xC910] =	vst v48  }
0xdd: {  	v63 =	vmul.f32 v23, v4;
	v23 =	vld [tilespmem:s19+$0xD530];
	v56 =	vmul.f32 v61, v4;
	v54 =	vadd.f32 v50, v49;
	[tilespmem:s19+$0xC920] =	vst v51  }
0xde: {  	v58 =	vmul.f32 v62, v3;
	v44 =	vld [tilespmem:s19+$0xD510];
	v57 =	vadd.f32 v53, v52;
	[tilespmem:s19+$0xCD20] =	vst v46  }
0xdf: {  	v62 =	vmul.f32 v22, v3;
	v22 =	vld [tilespmem:s19+$0x5530];
	v60 =	vadd.f32 v56, v55;
	[tilespmem:s19+$0xC930] =	vst v54  }
0xe0: {  	v12 =	vmul.f32 v12, v3;
	v13 =	vmul.f32 v13, v4;
	v18 =	vld [tilespmem:s19+$0x5910];
	v61 =	vadd.f32 v59, v58;
	[tilespmem:s19+$0xC940] =	vst v57  }
0xe1: {  	v25 =	vmul.f32 v34, v4;
	v24 =	vmul.f32 v33, v3;
	v19 =	vld [tilespmem:s19+$0xD910];
	v29 =	vadd.f32 v63, v62;
	[tilespmem:s19+$0xC950] =	vst v60  }
0xe2: {  	v45 =	vmul.f32 v16, v4;
	v16 =	vld [tilespmem:s19+$0xD540];
	v48 =	vmul.f32 v8, v3;
	v50 =	vadd.f32 v13, v12;
	[tilespmem:s19+$0xC960] =	vst v61  }
0xe3: {  	v49 =	vmul.f32 v9, v4;
	v9 =	vld [tilespmem:s19+$0x5550];
	v63 =	vmul.f32 v31, v3;
	v31 =	vadd.f32 v25, v24;
	[tilespmem:s19+$0xCD10] =	vst v29  }
0xe4: {  	v0 =	vmul.f32 v0, v4;
	v51 =	vld [tilespmem:$0x1FFC0];
	v53 =	vmul.f32 v6, v3;
	v47 =	vadd.f32 v45, v30;
	[tilespmem:s19+$0xCD40] =	vst v50  }
0xe5: {  	v12 =	vld [tilespmem:s19+$0xD550];
	v55 =	vmul.f32 v11, v3;
	v56 =	vmul.f32 v14, v4;
	v52 =	vadd.f32 v49, v48;
	[tilespmem:s19+$0xD140] =	vst v31  }
0xe6: {  	v6 =	vld [tilespmem:s19+$0x5560];
	v58 =	vmul.f32 v20, v4;
	v20 =	vmul.f32 v32, v4;
	v0 =	vadd.f32 v0, v53;
	[tilespmem:s19+$0xCD30] =	vst v47  }
0xe7: {  	v33 =	vmul.f32 v38, v4;
	v11 =	vld [tilespmem:s19+$0x5570];
	v32 =	vmul.f32 v37, v3;
	v59 =	vadd.f32 v56, v55;
	[tilespmem:s19+$0xCD50] =	vst v52  }
0xe8: {  	v13 =	vld [tilespmem:s19+$0xD570];
	v57 =	vmul.f32 v17, v3;
	v61 =	vmul.f32 v26, v4;
	v26 =	vadd.f32 v20, v63;
	[tilespmem:s19+$0xCD70] =	vst v0  }
0xe9: {  	v7 =	vmul.f32 v7, v4;
	v14 =	vld [tilespmem:s19+$0x5900];
	v60 =	vmul.f32 v21, v3;
	v37 =	vadd.f32 v33, v32;
	[tilespmem:s19+$0xD100] =	vst v59  }
0xea: {  	v17 =	vld [tilespmem:s19+$0xD900];
	v29 =	vmul.f32 v35, v3;
	v30 =	vmul.f32 v36, v4;
	v62 =	vadd.f32 v58, v57;
	[tilespmem:s19+$0xD130] =	vst v26  }
0xeb: {  	v35 =	vmul.f32 v39, v3;
	v36 =	vmul.f32 v40, v4;
	v20 =	vld [tilespmem:s19+$0x5920];
	v21 =	vadd.f32 v61, v60;
	[tilespmem:s19+$0xD160] =	vst v37  }
0xec: {  	v38 =	vmul.f32 v41, v3;
	v39 =	vmul.f32 v42, v4;
	v40 =	vld [tilespmem:s19+$0xD920];
	v34 =	vadd.f32 v30, v29;
	[tilespmem:s19+$0xD110] =	vst v62  }
0xed: {  	v42 =	vmul.f32 v43, v3;
	v48 =	vld [tilespmem:s19+$0xD930];
	v43 =	vmul.f32 v44, v4;
	v41 =	vadd.f32 v36, v35;
	[tilespmem:s19+$0xD120] =	vst v21  }
0xee: {  	v46 =	vmul.f32 v28, v3;
	v56 =	vld [tilespmem:s19+$0xD940];
	v45 =	vadd.f32 v39, v38;
	v47 =	vmul.f32 v27, v4;
	[tilespmem:s19+$0xD150] =	vst v34  }
0xef: {  	v63 =	vld [tilespmem:s19+$0xD950];
	v50 =	vmul.f32 v22, v3;
	v10 =	vmul.f32 v51, v3;
	v49 =	vadd.f32 v43, v42;
	[tilespmem:s19+$0xD170] =	vst v41  }
0xf0: {  	v31 =	vld [tilespmem:s19+$0xD960];
	v33 =	vmul.f32 v18, v3;
	v51 =	vmul.f32 v23, v4;
	[tilespmem:s19+$0xD500] =	vst v45;
	v53 =	vadd.f32 v47, v46  }
0xf1: {  	v44 =	vld [tilespmem:s19+$0x5930];
	v58 =	vmul.f32 v9, v3;
	v59 =	vmul.f32 v12, v4;
	v54 =	vadd.f32 v7, v10;
	[tilespmem:s19+$0xD510] =	vst v49  }
0xf2: {  	v52 =	vld [tilespmem:s19+$0x5940];
	v23 =	vmul.f32 v11, v3;
	v26 =	vmul.f32 v13, v4;
	v57 =	vadd.f32 v51, v50;
	[tilespmem:s19+$0xD520] =	vst v53  }
0xf3: {  	v60 =	vld [tilespmem:s19+$0x5950];
	v55 =	vmul.f32 v16, v4;
	v34 =	vmul.f32 v19, v4;
	v16 =	vadd.f32 v59, v58;
	[tilespmem:s19+$0xCD60] =	vst v54  }
0xf4: {  	v27 =	vld [tilespmem:s19+$0x5960];
	v29 =	vmul.f32 v14, v3;
	v30 =	vmul.f32 v17, v4;
	v32 =	vadd.f32 v26, v23;
	[tilespmem:s19+$0xD530] =	vst v57  }
0xf5: {  	v35 =	vld [tilespmem:s19+$0x5970];
	v37 =	vmul.f32 v20, v3;
	v38 =	vmul.f32 v40, v4;
	v40 =	vadd.f32 v34, v33;
	[tilespmem:s19+$0xD550] =	vst v16  }
0xf6: {  	v39 =	vld [tilespmem:s19+$0xD970];
	v42 =	vmul.f32 v48, v4;
	v41 =	vmul.f32 v44, v3;
	v36 =	vadd.f32 v30, v29;
	[tilespmem:s19+$0xD570] =	vst v32  }
0xf7: {  	v10 =	vld [tilespmem:s19+$0xD560];
	v54 =	vmul.f32 v15, v3;
	v43 =	vadd.f32 v38, v37;
	[tilespmem:s19+$0xD910] =	vst v40  }
0xf8: {  	v45 =	vmul.f32 v56, v4;
	v44 =	vmul.f32 v52, v3;
	v46 =	vadd.f32 v42, v41;
	[tilespmem:s19+$0xD900] =	vst v36  }
0xf9: {  	v48 =	vmul.f32 v63, v4;
	v47 =	vmul.f32 v60, v3;
	v61 =	vadd.f32 v55, v54;
	[tilespmem:s19+$0xD920] =	vst v43  }
0xfa: {  	v51 =	vmul.f32 v31, v4;
	v50 =	vmul.f32 v27, v3;
	v49 =	vadd.f32 v45, v44;
	[tilespmem:s19+$0xD930] =	vst v46  }
0xfb: {  	v53 =	vmul.f32 v35, v3;
	v52 =	vadd.f32 v48, v47;
	v54 =	vmul.f32 v39, v4;
	[tilespmem:s19+$0xD540] =	vst v61  }
0xfc: {  	v6 =	vmul.f32 v6, v3;
	v55 =	vadd.f32 v51, v50;
	v62 =	vmul.f32 v10, v4;
	[tilespmem:s19+$0xD940] =	vst v49  }
0xfd: {  	s4 =	sand.u32 $0x7, s0;
	[tilespmem:s19+$0xD950] =	vst v52;
	v56 =	vadd.f32 v54, v53  }
0xfe: {  	s4 =	sshll.u32 s4, $0x7;
	[tilespmem:s19+$0xD960] =	vst v55;
	v28 =	vadd.f32 v62, v6  }
0xff: {  	s4 =	sadd.s32 s4, s1;
	[tilespmem:s19+$0xD970] =	vst v56  }
0x100: {  	[tilespmem:s19+$0xD560] =	vst v28;
	s19 =	sor.u32 $0x1C00, s4  }
0x101: {  	v0 =	vld [tilespmem:s19+$0x4100]  }
0x102: {  	v1 =	vld [tilespmem:s19+$0xC100];
	_ =	sdelay $0x4  }
0x103: {  	v0 =	vmul.f32 v0, v3;
	v1 =	vmul.f32 v1, v4;
	_ =	sdelay $0x1  }
0x104: {  	v0 =	vadd.f32 v1, v0;
	_ =	sdelay $0x1  }
0x105: {  	[tilespmem:s19+$0xC100] =	vst v0;
	s19 =	sor.u32 $0x1C10, s4  }
0x106: {  	v0 =	vld [tilespmem:s19+$0x4100]  }
0x107: {  	v57 =	vld [tilespmem:s19+$0xC100];
	_ =	sdelay $0x4  }
0x108: {  	v0 =	vmul.f32 v0, v3;
	v1 =	vmul.f32 v57, v4;
	_ =	sdelay $0x1  }
0x109: {  	v0 =	vadd.f32 v1, v0;
	_ =	sdelay $0x1  }
0x10a: {  	[tilespmem:s19+$0xC100] =	vst v0;
	s19 =	sor.u32 $0x1C20, s4  }
0x10b: {  	v0 =	vld [tilespmem:s19+$0x4100]  }
0x10c: {  	v58 =	vld [tilespmem:s19+$0xC100];
	_ =	sdelay $0x4  }
0x10d: {  	v0 =	vmul.f32 v0, v3;
	v1 =	vmul.f32 v58, v4;
	_ =	sdelay $0x1  }
0x10e: {  	v0 =	vadd.f32 v1, v0;
	_ =	sdelay $0x1  }
0x10f: {  	[tilespmem:s19+$0xC100] =	vst v0;
	s19 =	sor.u32 $0x1C30, s4  }
0x110: {  	v0 =	vld [tilespmem:s19+$0x4100]  }
0x111: {  	v59 =	vld [tilespmem:s19+$0xC100];
	_ =	sdelay $0x4  }
0x112: {  	v0 =	vmul.f32 v0, v3;
	v1 =	vmul.f32 v59, v4;
	_ =	sdelay $0x1  }
0x113: {  	v0 =	vadd.f32 v1, v0;
	_ =	sdelay $0x1  }
0x114: {  	[tilespmem:s19+$0xC100] =	vst v0;
	s19 =	sor.u32 $0x1C40, s4  }
0x115: {  	v0 =	vld [tilespmem:s19+$0x4100]  }
0x116: {  	v60 =	vld [tilespmem:s19+$0xC100];
	_ =	sdelay $0x4  }
0x117: {  	v0 =	vmul.f32 v0, v3;
	v1 =	vmul.f32 v60, v4;
	_ =	sdelay $0x1  }
0x118: {  	v0 =	vadd.f32 v1, v0;
	_ =	sdelay $0x1  }
0x119: {  	[tilespmem:s19+$0xC100] =	vst v0;
	s19 =	sor.u32 $0x1C50, s4  }
0x11a: {  	v0 =	vld [tilespmem:s19+$0x4100]  }
0x11b: {  	v61 =	vld [tilespmem:s19+$0xC100];
	_ =	sdelay $0x4  }
0x11c: {  	v0 =	vmul.f32 v0, v3;
	v1 =	vmul.f32 v61, v4;
	_ =	sdelay $0x1  }
0x11d: {  	v0 =	vadd.f32 v1, v0;
	_ =	sdelay $0x1  }
0x11e: {  	[tilespmem:s19+$0xC100] =	vst v0;
	s19 =	sor.u32 $0x1C60, s4  }
0x11f: {  	v0 =	vld [tilespmem:s19+$0x4100]  }
0x120: {  	v62 =	vld [tilespmem:s19+$0xC100];
	_ =	sdelay $0x4  }
0x121: {  	v0 =	vmul.f32 v0, v3;
	v1 =	vmul.f32 v62, v4;
	_ =	sdelay $0x1  }
0x122: {  	v0 =	vadd.f32 v1, v0;
	_ =	sdelay $0x1  }
0x123: {  	s4 =	sor.u32 $0x1C70, s4;
	[tilespmem:s19+$0xC100] =	vst v0  }
0x124: {  	v0 =	vld [tilespmem:s4+$0x4100]  }
0x125: {  	v63 =	vld [tilespmem:s4+$0xC100];
	_ =	sdelay $0x3  }
0x126: {  	p0 =	sne.s32 s14, $0xF80  }
.Ltmp0:
0x127: {  	v0 =	vmul.f32 v0, v3;
	v1 =	vmul.f32 v63, v4;
	(pc) =	sbr.rel @p0 .LBB2_2-.Ltmp0, $4  }
0x128: {  	_ = 	snop  }
0x129: {  	v0 =	vadd.f32 v1, v0  }
0x12a: {  	s13 =	sadd.s32 $0x80, s13;
	s31 =	sadd.s32 $0x80, s31  }
0x12b: {  	s14 =	sadd.s32 $0x80, s14;
	s0 =	sadd.s32 $0x1, s0;
	s1 =	sadd.s32 $0x400, s1;
	[tilespmem:s4+$0xC100] =	vst v0  }
0x12c: {  	s13 =	simm.s32 $0x0  }
0x12d: {  	[hbm4b:s11+s13] =	stream.linear.scatter [tilespmem:s18], [sflag:$0x3], $0x8000, $0x38;
	[tilespmem:$0x14100] =	vst v63  }
0x12e: {  	_ =	swait.ge [sflag:s15], $0x8000  }
0x12f: {  	[sflag:s15] =	ssyncset.done $0x0  }
0x130: {  	[sflag:s15] =	ssyncadd.s32 $0xFFFF8000  }
0x131: {  	v0 =	vld [tilespmem:$0x20];
	_ =	sdelay $0x2  }
0x132: {  	v2 =	vld [tilespmem:$0x1FFD0];
	_ =	sdelay $0x1  }
0x133: {  	v3 =	vld [tilespmem:$0x1FFE0];
	v1 =	vshll.u32 v0, $0x3  }
0x134: {  	v0 =	vand.u32 $0x7, v0;
	v1 =	vand.u32 $0xFFFFFFC0, v1  }
0x135: {  	v0 =	vor.u32 v0, v1  }
0x136: {  	v1 =	vperm.xlane v0, v2;
	_ =	sdelay $0x1  }
0x137: {  	v1 =	vadd.s32 v3, v1  }
0x138: {  	v4 =	vld [tilespmem:$0x1FFF0];
	_ =	sdelay $0x2  }
0x139: {  	s0 =	simm.s32 $0x4100  }
0x13a: {  	[tilespmem:s0], [sflag:$0x1] =	stream.indirect_vreg.gather [hbm4b:s3+s13], $0x80, v1, vm0, $0xb8;
	[tilespmem:$0x14100] =	vst v63  }
0x13b: {  	s19 =	simm.s32 $0x4900;
	v0 =	vperm.xlane v0, v4  }
0x13c: {  	[tilespmem:s19], [sflag:$0x1] =	stream.indirect_vreg.gather [hbm4b:s8+s13], $0x80, v1, vm0, $0xb8;
	[tilespmem:$0x14100] =	vst v63  }
0x13d: {  	s1 =	simm.s32 $0x5100;
	v0 =	vadd.s32 v3, v0  }
0x13e: {  	[tilespmem:s1], [sflag:$0x1] =	stream.indirect_vreg.gather [hbm4b:s9+s13], $0x80, v1, vm0, $0xb8;
	[tilespmem:$0x14100] =	vst v63  }
0x13f: {  	s4 =	simm.s32 $0x5900  }
0x140: {  	[tilespmem:s4], [sflag:$0x1] =	stream.indirect_vreg.gather [hbm4b:s10+s13], $0x80, v1, vm0, $0xb8;
	[tilespmem:$0x14100] =	vst v63  }
0x141: {  	s14 =	simm.s32 $0x6100  }
0x142: {  	[tilespmem:s14], [sflag:$0x1] =	stream.indirect_vreg.gather [hbm4b:s3+s13], $0x80, v0, vm0, $0xb8;
	[tilespmem:$0x14100] =	vst v63  }
0x143: {  	s19 =	simm.s32 $0x6900  }
0x144: {  	[tilespmem:s19], [sflag:$0x1] =	stream.indirect_vreg.gather [hbm4b:s8+s13], $0x80, v0, vm0, $0xb8;
	[tilespmem:$0x14100] =	vst v63  }
0x145: {  	s1 =	simm.s32 $0x7100  }
0x146: {  	[tilespmem:s1], [sflag:$0x1] =	stream.indirect_vreg.gather [hbm4b:s9+s13], $0x80, v0, vm0, $0xb8;
	[tilespmem:$0x14100] =	vst v63  }
0x147: {  	s4 =	simm.s32 $0x7900  }
0x148: {  	[tilespmem:s4], [sflag:$0x1] =	stream.indirect_vreg.gather [hbm4b:s10+s13], $0x80, v0, vm0, $0xb8;
	[tilespmem:$0x14100] =	vst v63  }
0x149: {  	v0 =	vld [tilespmem:$0x30];
	_ =	sdelay $0x4  }
0x14a: {  	v60 =	vshll.u32 v0, $0x3  }
0x14b: {  	v0 =	vand.u32 $0x7, v0;
	v1 =	vand.u32 $0xFFFFFFC0, v60  }
0x14c: {  	v0 =	vor.u32 v0, v1  }
0x14d: {  	v1 =	vperm.xlane v0, v2;
	_ =	sdelay $0x1  }
0x14e: {  	v1 =	vadd.s32 v3, v1;
	_ =	sdelay $0x3  }
0x14f: {  	s14 =	simm.s32 $0x8100  }
0x150: {  	[tilespmem:s14], [sflag:$0x1] =	stream.indirect_vreg.gather [hbm4b:s3+s13], $0x80, v1, vm0, $0xb8;
	[tilespmem:$0x14100] =	vst v63  }
0x151: {  	s19 =	simm.s32 $0x8900;
	v0 =	vperm.xlane v0, v4  }
0x152: {  	[tilespmem:s19], [sflag:$0x1] =	stream.indirect_vreg.gather [hbm4b:s8+s13], $0x80, v1, vm0, $0xb8;
	[tilespmem:$0x14100] =	vst v63  }
0x153: {  	s1 =	simm.s32 $0x9100;
	v0 =	vadd.s32 v3, v0  }
0x154: {  	[tilespmem:s1], [sflag:$0x1] =	stream.indirect_vreg.gather [hbm4b:s9+s13], $0x80, v1, vm0, $0xb8;
	[tilespmem:$0x14100] =	vst v63  }
0x155: {  	s4 =	simm.s32 $0x9900  }
0x156: {  	[tilespmem:s4], [sflag:$0x1] =	stream.indirect_vreg.gather [hbm4b:s10+s13], $0x80, v1, vm0, $0xb8;
	[tilespmem:$0x14100] =	vst v63  }
0x157: {  	s14 =	simm.s32 $0xA100  }
0x158: {  	[tilespmem:s14], [sflag:$0x1] =	stream.indirect_vreg.gather [hbm4b:s3+s13], $0x80, v0, vm0, $0xb8;
	[tilespmem:$0x14100] =	vst v63  }
0x159: {  	s19 =	simm.s32 $0xA900  }
0x15a: {  	[tilespmem:s19], [sflag:$0x1] =	stream.indirect_vreg.gather [hbm4b:s8+s13], $0x80, v0, vm0, $0xb8;
	[tilespmem:$0x14100] =	vst v63  }
0x15b: {  	s1 =	simm.s32 $0xB100  }
0x15c: {  	[tilespmem:s1], [sflag:$0x1] =	stream.indirect_vreg.gather [hbm4b:s9+s13], $0x80, v0, vm0, $0xb8;
	[tilespmem:$0x14100] =	vst v63  }
0x15d: {  	s4 =	simm.s32 $0xB900  }
0x15e: {  	[tilespmem:s4], [sflag:$0x1] =	stream.indirect_vreg.gather [hbm4b:s10+s13], $0x80, v0, vm0, $0xb8;
	[tilespmem:$0x14100] =	vst v63  }
0x15f: {  	_ =	swait.ge [sflag:s16], $0x8000  }
0x160: {  	[sflag:s16] =	ssyncset.done $0x0  }
0x161: {  	[sflag:s16] =	ssyncadd.s32 $0xFFFF8000  }
0x162: {  	v61 =	vld [tilespmem:$0xA0];
	_ =	sdelay $0x4  }
0x163: {  	v62 =	vshll.u32 v61, $0x3  }
0x164: {  	v0 =	vand.u32 $0x7, v61;
	v1 =	vand.u32 $0xFFFFFFC0, v62  }
0x165: {  	v0 =	vor.u32 v0, v1  }
0x166: {  	v1 =	vperm.xlane v0, v2;
	_ =	sdelay $0x1  }
0x167: {  	v1 =	vadd.s32 v3, v1;
	_ =	sdelay $0x4  }
0x168: {  	[tilespmem:s18], [sflag:$0x2] =	stream.indirect_vreg.gather [hbm4b:s3+s13], $0x80, v1, vm0, $0xb8;
	[tilespmem:$0x14100] =	vst v63  }
0x169: {  	s14 =	simm.s32 $0xC900;
	v0 =	vperm.xlane v0, v4  }
0x16a: {  	[tilespmem:s14], [sflag:$0x2] =	stream.indirect_vreg.gather [hbm4b:s8+s13], $0x80, v1, vm0, $0xb8;
	[tilespmem:$0x14100] =	vst v63  }
0x16b: {  	s19 =	simm.s32 $0xD100;
	v0 =	vadd.s32 v3, v0  }
0x16c: {  	[tilespmem:s19], [sflag:$0x2] =	stream.indirect_vreg.gather [hbm4b:s9+s13], $0x80, v1, vm0, $0xb8;
	[tilespmem:$0x14100] =	vst v63  }
0x16d: {  	_ = 	snop  }
0x16e: {  	[tilespmem:s20], [sflag:$0x2] =	stream.indirect_vreg.gather [hbm4b:s10+s13], $0x80, v1, vm0, $0xb8;
	[tilespmem:$0x14100] =	vst v63  }
0x16f: {  	_ = 	snop  }
0x170: {  	[tilespmem:s5], [sflag:$0x2] =	stream.indirect_vreg.gather [hbm4b:s3+s13], $0x80, v0, vm0, $0xb8;
	[tilespmem:$0x14100] =	vst v63  }
0x171: {  	_ = 	snop  }
0x172: {  	[tilespmem:s21], [sflag:$0x2] =	stream.indirect_vreg.gather [hbm4b:s8+s13], $0x80, v0, vm0, $0xb8;
	[tilespmem:$0x14100] =	vst v63  }
0x173: {  	_ = 	snop  }
0x174: {  	[tilespmem:s6], [sflag:$0x2] =	stream.indirect_vreg.gather [hbm4b:s9+s13], $0x80, v0, vm0, $0xb8;
	[tilespmem:$0x14100] =	vst v63  }
0x175: {  	_ = 	snop  }
0x176: {  	[tilespmem:s22], [sflag:$0x2] =	stream.indirect_vreg.gather [hbm4b:s10+s13], $0x80, v0, vm0, $0xb8;
	[tilespmem:$0x14100] =	vst v63  }
0x177: {  	v0 =	vld [tilespmem:$0xB0];
	_ =	sdelay $0x4  }
0x178: {  	v63 =	vshll.u32 v0, $0x3  }
0x179: {  	v0 =	vand.u32 $0x7, v0;
	v1 =	vand.u32 $0xFFFFFFC0, v63  }
0x17a: {  	v0 =	vor.u32 v0, v1  }
0x17b: {  	v1 =	vperm.xlane v0, v2;
	_ =	sdelay $0x1  }
0x17c: {  	v1 =	vadd.s32 v3, v1;
	_ =	sdelay $0x4  }
0x17d: {  	[tilespmem:s7], [sflag:$0x2] =	stream.indirect_vreg.gather [hbm4b:s3+s13], $0x80, v1, vm0, $0xb8;
	[tilespmem:$0x14100] =	vst v63  }
0x17e: {  	v0 =	vperm.xlane v0, v4  }
0x17f: {  	[tilespmem:s23], [sflag:$0x2] =	stream.indirect_vreg.gather [hbm4b:s8+s13], $0x80, v1, vm0, $0xb8;
	[tilespmem:$0x14100] =	vst v63  }
0x180: {  	v0 =	vadd.s32 v3, v0  }
0x181: {  	[tilespmem:s24], [sflag:$0x2] =	stream.indirect_vreg.gather [hbm4b:s9+s13], $0x80, v1, vm0, $0xb8;
	[tilespmem:$0x14100] =	vst v63  }
0x182: {  	_ = 	snop  }
0x183: {  	[tilespmem:s25], [sflag:$0x2] =	stream.indirect_vreg.gather [hbm4b:s10+s13], $0x80, v1, vm0, $0xb8;
	[tilespmem:$0x14100] =	vst v63  }
0x184: {  	_ = 	snop  }
0x185: {  	[tilespmem:s26], [sflag:$0x2] =	stream.indirect_vreg.gather [hbm4b:s3+s13], $0x80, v0, vm0, $0xb8;
	[tilespmem:$0x14100] =	vst v63  }
0x186: {  	_ = 	snop  }
0x187: {  	[tilespmem:s28], [sflag:$0x2] =	stream.indirect_vreg.gather [hbm4b:s8+s13], $0x80, v0, vm0, $0xb8;
	[tilespmem:$0x14100] =	vst v63  }
0x188: {  	_ = 	snop  }
0x189: {  	[tilespmem:s29], [sflag:$0x2] =	stream.indirect_vreg.gather [hbm4b:s9+s13], $0x80, v0, vm0, $0xb8;
	[tilespmem:$0x14100] =	vst v63  }
0x18a: {  	_ = 	snop  }
0x18b: {  	[tilespmem:s12], [sflag:$0x2] =	stream.indirect_vreg.gather [hbm4b:s10+s13], $0x80, v0, vm0, $0xb8;
	[tilespmem:$0x14100] =	vst v63  }
0x18c: {  	_ =	swait.ge [sflag:s17], $0x8000  }
0x18d: {  	s31 =	simm.s32 $0x1100;
	s0 =	simm.s32 $0x3100;
	[sflag:s17] =	ssyncset.done $0x0  }
0x18e: {  	s1 =	simm.s32 $0x0;
	s14 =	simm.s32 $0x0;
	[sflag:s17] =	ssyncadd.s32 $0xFFFF8000  }
.LBB2_4:
0x18f: {  	v3 =	vld [tilespmem:s31+$0x0];
	s4 =	sand.u32 $0x6000, s1;
	s19 =	sand.u32 $0x380, s14  }
0x190: {  	v4 =	vld [tilespmem:s0+$0x0];
	s19 =	sor.u32 s19, s4  }
0x191: {  	v0 =	vld [tilespmem:s19+$0x4100]  }
0x192: {  	v1 =	vld [tilespmem:s19+$0xC100]  }
0x193: {  	v2 =	vld [tilespmem:s19+$0x4110]  }
0x194: {  	v6 =	vld [tilespmem:s19+$0xC110]  }
0x195: {  	v10 =	vld [tilespmem:s19+$0x4120]  }
0x196: {  	v11 =	vld [tilespmem:s19+$0xC120]  }
0x197: {  	v14 =	vld [tilespmem:s19+$0x4130]  }
0x198: {  	v17 =	vld [tilespmem:s19+$0xC130]  }
0x199: {  	v20 =	vld [tilespmem:s19+$0x4140]  }
0x19a: {  	v21 =	vld [tilespmem:s19+$0xC140]  }
0x19b: {  	v26 =	vld [tilespmem:s19+$0x4150]  }
0x19c: {  	v27 =	vld [tilespmem:s19+$0xC150]  }
0x19d: {  	v28 =	vld [tilespmem:s19+$0x4160]  }
0x19e: {  	v29 =	vld [tilespmem:s19+$0xC160]  }
0x19f: {  	v30 =	vld [tilespmem:s19+$0x4170]  }
0x1a0: {  	v31 =	vld [tilespmem:s19+$0xC170]  }
0x1a1: {  	v32 =	vld [tilespmem:s19+$0x4500]  }
0x1a2: {  	v33 =	vld [tilespmem:s19+$0xC500]  }
0x1a3: {  	v34 =	vld [tilespmem:s19+$0x4510]  }
0x1a4: {  	v35 =	vld [tilespmem:s19+$0xC510]  }
0x1a5: {  	v36 =	vld [tilespmem:s19+$0x4520]  }
0x1a6: {  	v37 =	vld [tilespmem:s19+$0xC520]  }
0x1a7: {  	v38 =	vld [tilespmem:s19+$0x4530]  }
0x1a8: {  	v39 =	vld [tilespmem:s19+$0xC530]  }
0x1a9: {  	v40 =	vld [tilespmem:s19+$0x4540]  }
0x1aa: {  	v41 =	vld [tilespmem:s19+$0xC540]  }
0x1ab: {  	v42 =	vld [tilespmem:s19+$0x4550]  }
0x1ac: {  	v43 =	vld [tilespmem:s19+$0xC550]  }
0x1ad: {  	v44 =	vld [tilespmem:s19+$0x4560]  }
0x1ae: {  	v45 =	vld [tilespmem:s19+$0xC560]  }
0x1af: {  	v46 =	vld [tilespmem:s19+$0x4570]  }
0x1b0: {  	v47 =	vld [tilespmem:s19+$0xC570]  }
0x1b1: {  	v48 =	vld [tilespmem:s19+$0x4900]  }
0x1b2: {  	v49 =	vld [tilespmem:s19+$0xC900]  }
0x1b3: {  	v50 =	vld [tilespmem:s19+$0x4910]  }
0x1b4: {  	v51 =	vld [tilespmem:s19+$0xC910]  }
0x1b5: {  	v52 =	vld [tilespmem:s19+$0x4920]  }
0x1b6: {  	v53 =	vld [tilespmem:s19+$0xC920]  }
0x1b7: {  	v54 =	vld [tilespmem:s19+$0x4930]  }
0x1b8: {  	v55 =	vld [tilespmem:s19+$0xC930]  }
0x1b9: {  	v56 =	vld [tilespmem:s19+$0x4940]  }
0x1ba: {  	v57 =	vld [tilespmem:s19+$0xC940]  }
0x1bb: {  	v58 =	vld [tilespmem:s19+$0x4950]  }
0x1bc: {  	v59 =	vld [tilespmem:s19+$0xC950]  }
0x1bd: {  	v60 =	vld [tilespmem:s19+$0x4960]  }
0x1be: {  	v61 =	vld [tilespmem:s19+$0xC960]  }
0x1bf: {  	v62 =	vld [tilespmem:s19+$0x4970]  }
0x1c0: {  	v63 =	vld [tilespmem:s19+$0xC970]  }
0x1c1: {  	v24 =	vld [tilespmem:s19+$0x4D00]  }
0x1c2: {  	v25 =	vld [tilespmem:s19+$0xCD00]  }
0x1c3: {  	v22 =	vld [tilespmem:s19+$0x4D10]  }
0x1c4: {  	v23 =	vld [tilespmem:s19+$0xCD10]  }
0x1c5: {  	v18 =	vld [tilespmem:s19+$0x4D20]  }
0x1c6: {  	v19 =	vld [tilespmem:s19+$0xCD20]  }
0x1c7: {  	v15 =	vld [tilespmem:s19+$0x4D30]  }
0x1c8: {  	v16 =	vld [tilespmem:s19+$0xCD30]  }
0x1c9: {  	v5 =	vld [tilespmem:s19+$0x4D60]  }
0x1ca: {  	v12 =	vld [tilespmem:s19+$0x4D40]  }
0x1cb: {  	v13 =	vld [tilespmem:s19+$0xCD40]  }
0x1cc: {  	v8 =	vld [tilespmem:s19+$0x4D50]  }
0x1cd: {  	v9 =	vld [tilespmem:s19+$0xCD50];
	v0 =	vmul.f32 v0, v3;
	v1 =	vmul.f32 v1, v4  }
0x1ce: {  	v7 =	vld [tilespmem:s19+$0xCD60];
	[tilespmem:$0x1FFA0] =	vst v5;
	v5 =	vmul.f32 v2, v3;
	v2 =	vmul.f32 v6, v4  }
0x1cf: {  	v6 =	vld [tilespmem:s19+$0x4D70];
	v17 =	vmul.f32 v17, v4;
	v0 =	vadd.f32 v1, v0  }
0x1d0: {  	v1 =	vmul.f32 v10, v3;
	v10 =	vld [tilespmem:s19+$0xCD70];
	v5 =	vadd.f32 v2, v5;
	v2 =	vmul.f32 v14, v3  }
0x1d1: {  	v11 =	vmul.f32 v11, v4;
	v14 =	vld [tilespmem:s19+$0xD100]  }
0x1d2: {  	v26 =	vmul.f32 v26, v3;
	v2 =	vadd.f32 v17, v2;
	v17 =	vld [tilespmem:s19+$0x5110]  }
0x1d3: {  	[tilespmem:s19+$0xC100] =	vst v0;
	v0 =	vadd.f32 v11, v1;
	v1 =	vmul.f32 v20, v3;
	v11 =	vmul.f32 v21, v4;
	v20 =	vld [tilespmem:s19+$0xD110]  }
0x1d4: {  	v27 =	vmul.f32 v27, v4;
	v30 =	vmul.f32 v30, v3;
	v21 =	vld [tilespmem:s19+$0x5120];
	[tilespmem:$0x1FFB0] =	vst v6  }
0x1d5: {  	v31 =	vmul.f32 v31, v4;
	v33 =	vmul.f32 v33, v4;
	v6 =	vld [tilespmem:s19+$0x5100];
	[tilespmem:s19+$0xC120] =	vst v0;
	v0 =	vadd.f32 v11, v1  }
0x1d6: {  	v1 =	vmul.f32 v28, v3;
	v11 =	vmul.f32 v29, v4;
	[tilespmem:s19+$0xC130] =	vst v2;
	v2 =	vadd.f32 v27, v26;
	v26 =	vld [tilespmem:s19+$0xD120]  }
0x1d7: {  	[tilespmem:s19+$0xC110] =	vst v5;
	v5 =	vmul.f32 v34, v3;
	v34 =	vmul.f32 v37, v4;
	v28 =	vld [tilespmem:s19+$0x5130]  }
0x1d8: {  	v37 =	vmul.f32 v39, v4;
	v29 =	vld [tilespmem:s19+$0xD130];
	[tilespmem:s19+$0xC140] =	vst v0;
	v0 =	vadd.f32 v11, v1;
	v1 =	vmul.f32 v32, v3  }
0x1d9: {  	v27 =	vmul.f32 v16, v4;
	v16 =	vld [tilespmem:s19+$0x5540];
	[tilespmem:s19+$0xC150] =	vst v2;
	v2 =	vadd.f32 v31, v30;
	v32 =	vmul.f32 v35, v4  }
0x1da: {  	v30 =	vld [tilespmem:s19+$0x5140];
	[tilespmem:s19+$0xC160] =	vst v0;
	v0 =	vadd.f32 v33, v1;
	v33 =	vmul.f32 v36, v3;
	v36 =	vmul.f32 v38, v3  }
0x1db: {  	v39 =	vmul.f32 v40, v3;
	v40 =	vmul.f32 v41, v4;
	v31 =	vld [tilespmem:s19+$0xD140];
	[tilespmem:s19+$0xC170] =	vst v2;
	v35 =	vadd.f32 v32, v5  }
0x1dc: {  	v42 =	vmul.f32 v42, v3;
	v11 =	vld [tilespmem:s19+$0xD550];
	[tilespmem:s19+$0xC500] =	vst v0;
	v38 =	vadd.f32 v34, v33;
	v41 =	vadd.f32 v37, v36  }
0x1dd: {  	v32 =	vld [tilespmem:s19+$0x5150];
	[tilespmem:s19+$0xC510] =	vst v35;
	v36 =	vmul.f32 v43, v4;
	v37 =	vadd.f32 v40, v39;
	v39 =	vmul.f32 v45, v4  }
0x1de: {  	v33 =	vld [tilespmem:s19+$0xD150];
	v45 =	vmul.f32 v49, v4;
	[tilespmem:s19+$0xC520] =	vst v38;
	v38 =	vmul.f32 v44, v3  }
0x1df: {  	v34 =	vld [tilespmem:s19+$0x5160];
	[tilespmem:s19+$0xC530] =	vst v41;
	v40 =	vadd.f32 v36, v42;
	v41 =	vmul.f32 v46, v3;
	v42 =	vmul.f32 v47, v4  }
0x1e0: {  	v35 =	vld [tilespmem:s19+$0xD160];
	[tilespmem:s19+$0xC540] =	vst v37;
	v44 =	vmul.f32 v48, v3;
	v47 =	vmul.f32 v50, v3;
	v43 =	vadd.f32 v39, v38  }
0x1e1: {  	v48 =	vmul.f32 v51, v4;
	v36 =	vld [tilespmem:s19+$0x5170];
	v50 =	vmul.f32 v52, v3;
	[tilespmem:s19+$0xC550] =	vst v40;
	v46 =	vadd.f32 v42, v41  }
0x1e2: {  	v51 =	vmul.f32 v53, v4;
	v37 =	vld [tilespmem:s19+$0xD170];
	v53 =	vmul.f32 v54, v3;
	v49 =	vadd.f32 v45, v44;
	[tilespmem:s19+$0xC560] =	vst v43  }
0x1e3: {  	v54 =	vmul.f32 v55, v4;
	v52 =	vadd.f32 v48, v47;
	v38 =	vld [tilespmem:s19+$0x5500];
	v44 =	vmul.f32 v56, v3;
	[tilespmem:s19+$0xC570] =	vst v46  }
0x1e4: {  	v55 =	vadd.f32 v51, v50;
	v45 =	vmul.f32 v57, v4;
	v39 =	vld [tilespmem:s19+$0xD500];
	v47 =	vmul.f32 v58, v3;
	[tilespmem:s19+$0xC900] =	vst v49  }
0x1e5: {  	v48 =	vmul.f32 v59, v4;
	v40 =	vld [tilespmem:s19+$0x5510];
	v50 =	vmul.f32 v60, v3;
	[tilespmem:s19+$0xC910] =	vst v52;
	v46 =	vadd.f32 v54, v53  }
0x1e6: {  	v51 =	vmul.f32 v61, v4;
	v41 =	vld [tilespmem:s19+$0xD510];
	v56 =	vmul.f32 v24, v3;
	[tilespmem:s19+$0xC920] =	vst v55;
	v49 =	vadd.f32 v45, v44  }
0x1e7: {  	v42 =	vld [tilespmem:s19+$0x5520];
	v57 =	vmul.f32 v25, v4;
	v59 =	vmul.f32 v22, v3;
	v52 =	vadd.f32 v48, v47;
	[tilespmem:s19+$0xC930] =	vst v46  }
0x1e8: {  	v24 =	vld [tilespmem:s19+$0xD520];
	v60 =	vmul.f32 v23, v4;
	v25 =	vmul.f32 v15, v3;
	v55 =	vadd.f32 v51, v50;
	[tilespmem:s19+$0xC940] =	vst v49  }
0x1e9: {  	v23 =	vld [tilespmem:s19+$0x5530];
	v53 =	vmul.f32 v62, v3;
	v54 =	vmul.f32 v63, v4;
	v61 =	vadd.f32 v57, v56;
	[tilespmem:s19+$0xC950] =	vst v52  }
0x1ea: {  	v15 =	vld [tilespmem:s19+$0x5900];
	v62 =	vmul.f32 v18, v3;
	v63 =	vmul.f32 v19, v4;
	v22 =	vadd.f32 v60, v59;
	[tilespmem:s19+$0xC960] =	vst v55  }
0x1eb: {  	v18 =	vld [tilespmem:s19+$0xD530];
	v44 =	vmul.f32 v12, v3;
	v45 =	vmul.f32 v13, v4;
	v58 =	vadd.f32 v54, v53;
	[tilespmem:s19+$0xCD00] =	vst v61  }
0x1ec: {  	v12 =	vld [tilespmem:s19+$0xD540];
	v47 =	vmul.f32 v8, v3;
	v48 =	vmul.f32 v9, v4;
	v43 =	vadd.f32 v63, v62;
	[tilespmem:s19+$0xCD10] =	vst v22  }
0x1ed: {  	v9 =	vld [tilespmem:s19+$0x5550];
	v56 =	vmul.f32 v14, v4;
	v59 =	vmul.f32 v20, v4;
	v46 =	vadd.f32 v27, v25;
	[tilespmem:s19+$0xC970] =	vst v58  }
0x1ee: {  	v50 =	vld [tilespmem:$0x1FFA0];
	v20 =	vmul.f32 v28, v3;
	v49 =	vadd.f32 v45, v44;
	v55 =	vmul.f32 v6, v3;
	[tilespmem:s19+$0xCD20] =	vst v43  }
0x1ef: {  	v13 =	vld [tilespmem:s19+$0x5570];
	v51 =	vadd.f32 v48, v47;
	v61 =	vmul.f32 v21, v3;
	v62 =	vmul.f32 v26, v4;
	[tilespmem:s19+$0xCD30] =	vst v46  }
0x1f0: {  	v14 =	vld [tilespmem:s19+$0xD570];
	v28 =	vmul.f32 v32, v3;
	v21 =	vmul.f32 v29, v4;
	[tilespmem:s19+$0xCD40] =	vst v49;
	v60 =	vadd.f32 v56, v55  }
0x1f1: {  	v19 =	vld [tilespmem:s19+$0x5910];
	v25 =	vmul.f32 v30, v3;
	v26 =	vmul.f32 v31, v4;
	[tilespmem:s19+$0xCD50] =	vst v51;
	v22 =	vadd.f32 v62, v61  }
0x1f2: {  	v32 =	vmul.f32 v35, v4;
	v52 =	vld [tilespmem:$0x1FFB0];
	v29 =	vmul.f32 v33, v4;
	v27 =	vadd.f32 v21, v20;
	[tilespmem:s19+$0xD100] =	vst v60  }
0x1f3: {  	v53 =	vmul.f32 v10, v4;
	v10 =	vld [tilespmem:s19+$0x5560];
	v31 =	vmul.f32 v34, v3;
	v30 =	vadd.f32 v26, v25;
	[tilespmem:s19+$0xD120] =	vst v22  }
0x1f4: {  	v35 =	vmul.f32 v37, v4;
	v34 =	vmul.f32 v36, v3;
	v44 =	vld [tilespmem:s19+$0x5930];
	v33 =	vadd.f32 v29, v28;
	[tilespmem:s19+$0xD130] =	vst v27  }
0x1f5: {  	v48 =	vld [tilespmem:s19+$0xD930];
	v37 =	vmul.f32 v38, v3;
	v38 =	vmul.f32 v39, v4;
	v36 =	vadd.f32 v32, v31;
	[tilespmem:s19+$0xD140] =	vst v30  }
0x1f6: {  	v58 =	vmul.f32 v17, v3;
	v17 =	vld [tilespmem:s19+$0xD900];
	v39 =	vadd.f32 v35, v34;
	[tilespmem:s19+$0xD150] =	vst v33  }
0x1f7: {  	v40 =	vmul.f32 v40, v3;
	v20 =	vld [tilespmem:s19+$0xD910];
	v43 =	vmul.f32 v41, v4;
	v45 =	vadd.f32 v38, v37;
	[tilespmem:s19+$0xD160] =	vst v36  }
0x1f8: {  	v7 =	vmul.f32 v7, v4;
	v21 =	vld [tilespmem:s19+$0x5920];
	v1 =	vmul.f32 v50, v3;
	v63 =	vadd.f32 v59, v58;
	[tilespmem:s19+$0xD170] =	vst v39  }
0x1f9: {  	v56 =	vld [tilespmem:s19+$0xD940];
	v49 =	vadd.f32 v43, v40;
	v58 =	vmul.f32 v9, v3;
	v59 =	vmul.f32 v11, v4;
	[tilespmem:s19+$0xD500] =	vst v45  }
0x1fa: {  	v28 =	vld [tilespmem:s19+$0x5960];
	v26 =	vmul.f32 v13, v3;
	v27 =	vmul.f32 v14, v4;
	v54 =	vadd.f32 v7, v1;
	[tilespmem:s19+$0xD110] =	vst v63  }
0x1fb: {  	v32 =	vld [tilespmem:s19+$0xD960];
	v50 =	vmul.f32 v23, v3;
	v5 =	vmul.f32 v52, v3;
	[tilespmem:s19+$0xD510] =	vst v49;
	v23 =	vadd.f32 v59, v58  }
0x1fc: {  	v47 =	vmul.f32 v24, v4;
	v46 =	vmul.f32 v42, v3;
	v22 =	vld [tilespmem:s19+$0xD920];
	v33 =	vadd.f32 v27, v26;
	[tilespmem:s19+$0xCD60] =	vst v54  }
0x1fd: {  	v60 =	vld [tilespmem:s19+$0x5950];
	v42 =	vmul.f32 v44, v3;
	v43 =	vmul.f32 v48, v4;
	v57 =	vadd.f32 v53, v5;
	[tilespmem:s19+$0xD550] =	vst v23  }
0x1fe: {  	v51 =	vmul.f32 v18, v4;
	v36 =	vld [tilespmem:s19+$0x5970];
	v53 =	vadd.f32 v47, v46;
	[tilespmem:s19+$0xD570] =	vst v33  }
0x1ff: {  	v55 =	vmul.f32 v12, v4;
	v40 =	vld [tilespmem:s19+$0xD970];
	v54 =	vmul.f32 v16, v3;
	v47 =	vadd.f32 v43, v42;
	[tilespmem:s19+$0xCD70] =	vst v57  }
0x200: {  	v30 =	vmul.f32 v15, v3;
	v7 =	vld [tilespmem:s19+$0xD560];
	v31 =	vmul.f32 v17, v4;
	v57 =	vadd.f32 v51, v50;
	[tilespmem:s19+$0xD520] =	vst v53  }
0x201: {  	v34 =	vmul.f32 v19, v3;
	v52 =	vld [tilespmem:s19+$0x5940];
	v35 =	vmul.f32 v20, v4;
	v61 =	vadd.f32 v55, v54;
	[tilespmem:s19+$0xD930] =	vst v47  }
0x202: {  	v16 =	vld [tilespmem:s19+$0xD950];
	v38 =	vmul.f32 v21, v3;
	v37 =	vadd.f32 v31, v30;
	v39 =	vmul.f32 v22, v4;
	[tilespmem:s19+$0xD530] =	vst v57  }
0x203: {  	v41 =	vadd.f32 v35, v34;
	v50 =	vmul.f32 v28, v3;
	v51 =	vmul.f32 v32, v4;
	[tilespmem:s19+$0xD540] =	vst v61  }
0x204: {  	v53 =	vmul.f32 v36, v3;
	v54 =	vmul.f32 v40, v4;
	[tilespmem:s19+$0xD900] =	vst v37;
	v44 =	vadd.f32 v39, v38  }
0x205: {  	v62 =	vmul.f32 v10, v3;
	v63 =	vmul.f32 v7, v4;
	[tilespmem:s19+$0xD910] =	vst v41;
	v55 =	vadd.f32 v51, v50  }
0x206: {  	v46 =	vmul.f32 v56, v4;
	v45 =	vmul.f32 v52, v3;
	v56 =	vadd.f32 v54, v53;
	[tilespmem:s19+$0xD920] =	vst v44  }
0x207: {  	v48 =	vmul.f32 v60, v3;
	v29 =	vadd.f32 v63, v62;
	v7 =	vmul.f32 v16, v4;
	[tilespmem:s19+$0xD960] =	vst v55  }
0x208: {  	s4 =	sand.u32 $0x7, s13;
	v49 =	vadd.f32 v46, v45;
	[tilespmem:s19+$0xD970] =	vst v56  }
0x209: {  	s4 =	sshll.u32 s4, $0x7;
	[tilespmem:s19+$0xD560] =	vst v29;
	v52 =	vadd.f32 v7, v48  }
0x20a: {  	s4 =	sadd.s32 s4, s1;
	[tilespmem:s19+$0xD940] =	vst v49  }
0x20b: {  	[tilespmem:s19+$0xD950] =	vst v52;
	s19 =	sor.u32 $0x1C00, s4  }
0x20c: {  	v0 =	vld [tilespmem:s19+$0x4100]  }
0x20d: {  	v1 =	vld [tilespmem:s19+$0xC100];
	_ =	sdelay $0x4  }
0x20e: {  	v0 =	vmul.f32 v0, v3;
	v1 =	vmul.f32 v1, v4;
	_ =	sdelay $0x1  }
0x20f: {  	v0 =	vadd.f32 v1, v0;
	_ =	sdelay $0x1  }
0x210: {  	[tilespmem:s19+$0xC100] =	vst v0;
	s19 =	sor.u32 $0x1C10, s4  }
0x211: {  	v0 =	vld [tilespmem:s19+$0x4100]  }
0x212: {  	v57 =	vld [tilespmem:s19+$0xC100];
	_ =	sdelay $0x4  }
0x213: {  	v0 =	vmul.f32 v0, v3;
	v1 =	vmul.f32 v57, v4;
	_ =	sdelay $0x1  }
0x214: {  	v0 =	vadd.f32 v1, v0;
	_ =	sdelay $0x1  }
0x215: {  	[tilespmem:s19+$0xC100] =	vst v0;
	s19 =	sor.u32 $0x1C20, s4  }
0x216: {  	v0 =	vld [tilespmem:s19+$0x4100]  }
0x217: {  	v58 =	vld [tilespmem:s19+$0xC100];
	_ =	sdelay $0x4  }
0x218: {  	v0 =	vmul.f32 v0, v3;
	v1 =	vmul.f32 v58, v4;
	_ =	sdelay $0x1  }
0x219: {  	v0 =	vadd.f32 v1, v0;
	_ =	sdelay $0x1  }
0x21a: {  	[tilespmem:s19+$0xC100] =	vst v0;
	s19 =	sor.u32 $0x1C30, s4  }
0x21b: {  	v0 =	vld [tilespmem:s19+$0x4100]  }
0x21c: {  	v59 =	vld [tilespmem:s19+$0xC100];
	_ =	sdelay $0x4  }
0x21d: {  	v0 =	vmul.f32 v0, v3;
	v1 =	vmul.f32 v59, v4;
	_ =	sdelay $0x1  }
0x21e: {  	v0 =	vadd.f32 v1, v0;
	_ =	sdelay $0x1  }
0x21f: {  	[tilespmem:s19+$0xC100] =	vst v0;
	s19 =	sor.u32 $0x1C40, s4  }
0x220: {  	v0 =	vld [tilespmem:s19+$0x4100]  }
0x221: {  	v60 =	vld [tilespmem:s19+$0xC100];
	_ =	sdelay $0x4  }
0x222: {  	v0 =	vmul.f32 v0, v3;
	v1 =	vmul.f32 v60, v4;
	_ =	sdelay $0x1  }
0x223: {  	v0 =	vadd.f32 v1, v0;
	_ =	sdelay $0x1  }
0x224: {  	[tilespmem:s19+$0xC100] =	vst v0;
	s19 =	sor.u32 $0x1C50, s4  }
0x225: {  	v0 =	vld [tilespmem:s19+$0x4100]  }
0x226: {  	v61 =	vld [tilespmem:s19+$0xC100];
	_ =	sdelay $0x4  }
0x227: {  	v0 =	vmul.f32 v0, v3;
	v1 =	vmul.f32 v61, v4;
	_ =	sdelay $0x1  }
0x228: {  	v0 =	vadd.f32 v1, v0;
	_ =	sdelay $0x1  }
0x229: {  	[tilespmem:s19+$0xC100] =	vst v0;
	s19 =	sor.u32 $0x1C60, s4  }
0x22a: {  	v0 =	vld [tilespmem:s19+$0x4100]  }
0x22b: {  	v62 =	vld [tilespmem:s19+$0xC100];
	_ =	sdelay $0x4  }
0x22c: {  	v0 =	vmul.f32 v0, v3;
	v1 =	vmul.f32 v62, v4;
	_ =	sdelay $0x1  }
0x22d: {  	v0 =	vadd.f32 v1, v0;
	_ =	sdelay $0x1  }
0x22e: {  	s4 =	sor.u32 $0x1C70, s4;
	[tilespmem:s19+$0xC100] =	vst v0  }
0x22f: {  	v0 =	vld [tilespmem:s4+$0x4100]  }
0x230: {  	v63 =	vld [tilespmem:s4+$0xC100];
	_ =	sdelay $0x3  }
0x231: {  	p0 =	sne.s32 s14, $0xF80  }
.Ltmp1:
0x232: {  	v0 =	vmul.f32 v0, v3;
	v1 =	vmul.f32 v63, v4;
	(pc) =	sbr.rel @p0 .LBB2_4-.Ltmp1, $4  }
0x233: {  	_ = 	snop  }
0x234: {  	v0 =	vadd.f32 v1, v0  }
0x235: {  	s31 =	sadd.s32 $0x80, s31;
	s0 =	sadd.s32 $0x80, s0  }
0x236: {  	s14 =	sadd.s32 $0x80, s14;
	s13 =	sadd.s32 $0x1, s13;
	s1 =	sadd.s32 $0x400, s1;
	[tilespmem:s4+$0xC100] =	vst v0  }
0x237: {  	s0 =	rddreg [dreg:$0x7]  }
0x238: {  	[hbm4b:s0+s2] =	stream.linear.scatter [tilespmem:s18], [sflag:$0x3], $0x8000, $0x38;
	[tilespmem:$0x14100] =	vst v63  }
0x239: {  	_ =	swait.ge [sflag:s15], $0x8000  }
0x23a: {  	s30 =	sadd.s32 $0x1, s30;
	s31 =	rddreg [dreg:$0x8]  }
0x23b: {  	p0 =	sne.s32 s30, s31  }
.Ltmp2:
0x23c: {  	_ = 	snop;
	(pc) =	sbr.rel @p0 .LBB2_1-.Ltmp2, $3  }
0x23d: {  	_ =	sdelay $0x1  }
0x23e: {  	[sflag:s15] =	ssyncset.done $0x0  }
0x23f: {  	[sflag:s15] =	ssyncadd.s32 $0xFFFF8000  }
0x240: {  	_ =	sfence.sel $0x180000  }
0x241: {  	[bflag:$0x0] =	sbarrier.arrive $0xFFFF  }
0x242: {  	_ =	strace $0x9000004A  }
0x243: {  	s0 =	stileid.u32;
	[bflag:$0x2] =	sbarrier.arrive $0xFFFF  }
0x244: {  	p0 =	sne.s32 s0, $0x0;
	s0 =	rddreg [dreg:$0x2]  }
0x245: {  	s0 =	sadd.s32 @!p0 $0x100000, s0  }
0x246: {  	[sflag:s0] =	ssyncadd.tile.s32 @!p0 $0x1;
	_ =	shalt  }
.Lfunc_end2:
_tile_overlayer_lowered:
.L_overlay_start_2:
0x247: {  	(tag) =	ssettag $0x2  }
0x248: {  	s0 =	rddreg [dreg:$0x0];
	s2 =	stileid.u32  }
0x249: {  	s1 =	rddreg [dreg:$0x1];
	p0 =	sne.s32 s2, $0x0  }
0x24a: {  	s3 =	rddreg [dreg:$0x2];
	[bflag:$0x3] =	sbarrier.arrive $0xFFFF;
	s2 =	simm.s32 @!p0 $0x1C03  }
0x24b: {  	[timem:s3], [sflag:s2] =	dma.local @!p0 [hbm:s0], s1  }
0x24c: {  	s0 =	simm.s32 @!p0 $0x3  }
0x24d: {  	_ =	swait.ge @!p0 [sflag:s0], s1  }
0x24e: {  	s1 =	ssub.s32 @!p0 $0x0, s1;
	[sflag:s0] =	ssyncset.done @!p0 $0x0  }
0x24f: {  	[sflag:s0] =	ssyncadd.s32 @!p0 s1  }
0x250: {  	[bflag:$0x3] =	sbarrier.arrive $0xFFFF  }
0x251: {  	_ =	shalt  }

</sc_bundles>
